<compile_context>
chip_gen: v7x
topology: tpu7x:2x2x1
jax: 0.10.2.dev20260603
libtpu: 0.0.44.dev20260713+nightly
codegen_flags: <defaults>
</compile_context>

<pallas_src>
import functools

import jax
import jax.numpy as jnp
from jax import lax
from jax.experimental import pallas as pl
from jax.experimental.pallas import tpu as pltpu
from jax.experimental.pallas import tpu_sc as plsc


@functools.lru_cache(maxsize=None)
def _build(B, L, V, D):
    info = plsc.get_sparse_core_info()
    NC, NS = info.num_cores, info.num_subcores
    NW = NC * NS
    LANES = info.num_lanes

    BT = B // NW
    assert BT * NW == B and BT == 128
    assert D % LANES == 0 and D == 64
    DT = D // 8
    G = D // LANES
    PP = 2
    assert L % (2 * PP) == 0

    mesh = plsc.VectorSubcoreMesh(core_axis_name="c", subcore_axis_name="s")

    @functools.partial(
        pl.kernel,
        mesh=mesh,
        out_type=jax.ShapeDtypeStruct((L, DT, NW, 8, BT), jnp.float32),
        compiler_params=pltpu.CompilerParams(use_tc_tiling_on_sc=False,
                                             needs_layout_passes=False),
        scratch_types=[
            pltpu.VMEM((L, BT), jnp.int32),
            pltpu.VMEM((L, D), jnp.float32),
            pltpu.VMEM((PP * BT, D), jnp.float32),
            pltpu.VMEM((PP * BT, D), jnp.float32),
            pltpu.VMEM((PP, DT, 8, BT + 1), jnp.float32),
            pltpu.VMEM((PP, DT, 8, BT + 1), jnp.float32),
            pltpu.SemaphoreType.DMA,
            pltpu.SemaphoreType.DMA,
            pltpu.SemaphoreType.DMA,
            pltpu.SemaphoreType.DMA,
        ],
    )
    def emb_kernel(xt_hbm, tok_hbm, pos_hbm, out_hbm,
                   idx_v, pos_v, st0, st1, ob0, ob1, g0, g1, o0, o1):
        stage = (st0, st1)
        obuf = (ob0, ob1)
        gsem = (g0, g1)
        osem = (o0, o1)
        w = lax.axis_index("s") * NC + lax.axis_index("c")

        pltpu.sync_copy(pos_hbm, pos_v)
        pltpu.sync_copy(xt_hbm.at[:, pl.ds(w * BT, BT)], idx_v)

        def issue_gather(m, b):
            for q in range(PP):
                pltpu.async_copy(tok_hbm.at[idx_v.at[m * PP + q]],
                                 stage[b].at[pl.ds(q * BT, BT)], gsem[b])

        def wait_gather(m, b):
            for q in range(PP):
                pltpu.make_async_copy(tok_hbm.at[idx_v.at[m * PP + q]],
                                      stage[b].at[pl.ds(q * BT, BT)],
                                      gsem[b]).wait()

        def issue_out(m, b):
            pltpu.async_copy(obuf[b].at[:, :, :, pl.ds(0, BT)],
                             out_hbm.at[pl.ds(m * PP, PP), :, w], osem[b])

        def wait_out(m, b):
            pltpu.make_async_copy(obuf[b].at[:, :, :, pl.ds(0, BT)],
                                  out_hbm.at[pl.ds(m * PP, PP), :, w],
                                  osem[b]).wait()

        def compute(m, b):
            lane = lax.iota(jnp.int32, LANES)
            idx_di = lane % 8
            idx_dt = [2 * g + lane // 8 for g in range(G)]
            for q in range(PP):
                pv = [pos_v[m * PP + q, pl.ds(g * LANES, LANES)]
                      for g in range(G)]

                @plsc.parallel_loop(0, BT, unroll=16)
                def _(bi):
                    idx_bi = lane * 0 + bi
                    for g in range(G):
                        v = (stage[b][q * BT + bi, pl.ds(g * LANES, LANES)]
                             + pv[g])
                        plsc.store_scatter(
                            obuf[b].at[q], [idx_dt[g], idx_di, idx_bi], v)

        NM = L // PP
        issue_gather(0, 0)

        def pair_body(i, carry):
            for b in range(2):
                m = i * 2 + b

                @pl.when(m + 1 < NM)
                def _():
                    issue_gather(m + 1, 1 - b)

                wait_gather(m, b)

                @pl.when(m >= 2)
                def _():
                    wait_out(m - 2, b)

                compute(m, b)
                issue_out(m, b)
            return carry

        lax.fori_loop(0, NM // 2, pair_body, 0)
        wait_out(NM - 2, 0)
        wait_out(NM - 1, 1)

    return emb_kernel


def kernel(x, token_table, pos_table):
    B, L = x.shape
    V, D = token_table.shape
    emb = _build(B, L, V, D)
    xt = x.astype(jnp.int32).T
    out5 = emb(xt, token_table, pos_table)
    return out5.transpose(2, 4, 0, 1, 3).reshape(B, L, D)

# --- scband reference (transcript-rebuilt; emitter-appended) ---
"""Pipeline reference for scband-token-and-position-embedding-31198642438530 (READ-ONLY COPY).

The authoritative reference and input builder live on the scoring server;
editing this copy changes nothing except your own understanding.
"""

import jax, jax.numpy as jnp
import numpy as np

MAXLEN = 200
VOCAB_SIZE = 100000
EMBED_DIM = 64
BATCH = 4096

def setup_inputs(seed: int = 0) -> dict:
    key = jax.random.key(seed)
    k1, k2, k3 = jax.random.split(key, 3)
    x = jax.random.randint(k1, (BATCH, MAXLEN), 0, VOCAB_SIZE, dtype=jnp.int64 if jax.config.jax_enable_x64 else jnp.int32)
    token_table = jax.random.normal(k2, (VOCAB_SIZE, EMBED_DIM), dtype=jnp.float32) * 0.02
    pos_table = jax.random.normal(k3, (MAXLEN, EMBED_DIM), dtype=jnp.float32) * 0.02
    return {"x": x, "token_table": token_table, "pos_table": pos_table}

def reference(x, token_table, pos_table):
    maxlen = x.shape[-1]
    positions = jnp.arange(0, maxlen, 1)
    pos_embedded = jnp.take(pos_table, positions, axis=0)  # [maxlen, embed_dim]
    tok_embedded = jnp.take(token_table, x, axis=0)        # [batch, maxlen, embed_dim]
    return tok_embedded + pos_embedded

if __name__ == "__main__":
    import jax
    _d = setup_inputs()
    print(jax.jit(kernel)(*tuple(_d.values())))

</pallas_src>

<mosaic_0001>
#map = affine_map<(d0, d1) -> (0, 0)>
#map1 = affine_map<(d0, d1) -> (0, 0, 0, 0, 0)>
module attributes {stable_mosaic.version = 14 : i64} {
  func.func @emb_kernel(%arg0: i32, %arg1: i32, %arg2: memref<200x4096xi32, #tpu.memory_space<hbm>>, %arg3: memref<100000x64xf32, #tpu.memory_space<hbm>>, %arg4: memref<200x64xf32, #tpu.memory_space<hbm>>, %arg5: memref<200x8x32x8x128xf32, #tpu.memory_space<hbm>>, %arg6: memref<200x128xi32, #tpu.memory_space<vmem>>, %arg7: memref<200x64xf32, #tpu.memory_space<vmem>>, %arg8: memref<256x64xf32, #tpu.memory_space<vmem>>, %arg9: memref<256x64xf32, #tpu.memory_space<vmem>>, %arg10: memref<2x8x8x129xf32, #tpu.memory_space<vmem>>, %arg11: memref<2x8x8x129xf32, #tpu.memory_space<vmem>>, %arg12: memref<!tpu.dma_semaphore, #tpu.memory_space<semaphore_mem>>, %arg13: memref<!tpu.dma_semaphore, #tpu.memory_space<semaphore_mem>>, %arg14: memref<!tpu.dma_semaphore, #tpu.memory_space<semaphore_mem>>, %arg15: memref<!tpu.dma_semaphore, #tpu.memory_space<semaphore_mem>>) attributes {dimension_semantics = [#tpu.dimension_semantics<core_parallel>, #tpu.dimension_semantics<subcore_parallel>], iteration_bounds = array<i64: 2, 16>, scalar_prefetch = 0 : i64, scratch_operands = 10 : i64, tpu.core_type = #tpu.core_type<sc_vector_subcore>, window_params = [{transform_indices = #map}, {transform_indices = #map}, {transform_indices = #map}, {transform_indices = #map1}]} {
    %mul3A = arith.constant 2 : i32
    %mul3A_0 = arith.muli %arg1, %mul3A : i32
    %add3A = arith.addi %mul3A_0, %arg0 : i32
    "tpu.region"() ({
      %run_scoped3A = tpu.sem_alloc : memref<!tpu.dma_semaphore, #tpu.memory_space<semaphore_mem>>
      tpu.enqueue_dma source(%arg4 : memref<200x64xf32, #tpu.memory_space<hbm>>) target(%arg7 : memref<200x64xf32, #tpu.memory_space<vmem>>) target_semaphore(%run_scoped3A : memref<!tpu.dma_semaphore, #tpu.memory_space<semaphore_mem>>)
      tpu.wait_dma2 semaphore(%run_scoped3A : memref<!tpu.dma_semaphore, #tpu.memory_space<semaphore_mem>>) src(%arg4 : memref<200x64xf32, #tpu.memory_space<hbm>>) dst(%arg7 : memref<200x64xf32, #tpu.memory_space<vmem>>)
      tpu.yield
    }) : () -> ()
    %mul3A_1 = arith.constant 128 : i32
    %mul3A_2 = arith.muli %add3A, %mul3A_1 : i32
    "tpu.region"() ({
      %run_scoped3A = tpu.sem_alloc : memref<!tpu.dma_semaphore, #tpu.memory_space<semaphore_mem>>
      %dma_start3A_70 = arith.constant 0 : i32
      %dma_start3A_71 = tpu.memref_slice %arg2[%dma_start3A_70, %mul3A_2] : memref<200x4096xi32, #tpu.memory_space<hbm>> -> memref<200x128xi32, #tpu.memory_space<hbm>>
      %dma_start3A_72 = arith.constant 0 : i32
      %dma_start3A_73 = tpu.memref_slice %arg2[%dma_start3A_72, %mul3A_2] : memref<200x4096xi32, #tpu.memory_space<hbm>> -> memref<200x128xi32, #tpu.memory_space<hbm>>
      tpu.enqueue_dma source(%dma_start3A_73 : memref<200x128xi32, #tpu.memory_space<hbm>>) target(%arg6 : memref<200x128xi32, #tpu.memory_space<vmem>>) target_semaphore(%run_scoped3A : memref<!tpu.dma_semaphore, #tpu.memory_space<semaphore_mem>>)
      %dma_wait3A_74 = arith.constant 0 : i32
      %dma_wait3A_75 = tpu.memref_slice %arg2[%dma_wait3A_74, %mul3A_2] : memref<200x4096xi32, #tpu.memory_space<hbm>> -> memref<200x128xi32, #tpu.memory_space<hbm>>
      %dma_wait3A_76 = arith.constant 0 : i32
      %dma_wait3A_77 = tpu.memref_slice %arg2[%dma_wait3A_76, %mul3A_2] : memref<200x4096xi32, #tpu.memory_space<hbm>> -> memref<200x128xi32, #tpu.memory_space<hbm>>
      tpu.wait_dma2 semaphore(%run_scoped3A : memref<!tpu.dma_semaphore, #tpu.memory_space<semaphore_mem>>) src(%dma_wait3A_77 : memref<200x128xi32, #tpu.memory_space<hbm>>) dst(%arg6 : memref<200x128xi32, #tpu.memory_space<vmem>>)
      tpu.yield
    }) : () -> ()
    %dma_start3A = arith.constant 0 : i32
    %dma_start3A_3 = arith.constant 0 : i32
    %dma_start3A_4 = arith.constant 0 : i32
    %dma_start3A_5 = tpu.memref_slice %arg8[%dma_start3A_3, %dma_start3A_4] : memref<256x64xf32, #tpu.memory_space<vmem>> -> memref<128x64xf32, #tpu.memory_space<vmem>>
    %dma_start3A_6 = arith.constant 0 : i32
    %dma_start3A_7 = tpu.memref_slice %arg6[%dma_start3A, %dma_start3A_6] : memref<200x128xi32, #tpu.memory_space<vmem>> -> memref<1x128xi32, #tpu.memory_space<vmem>>
    %dma_start3A_8 = tpu.memref_squeeze %dma_start3A_7 : memref<1x128xi32, #tpu.memory_space<vmem>> -> memref<128xi32, #tpu.memory_space<vmem>>
    %dma_start3A_9 = arith.constant 0 : i32
    %dma_start3A_10 = arith.constant 0 : i32
    %dma_start3A_11 = tpu.memref_slice %arg3[%dma_start3A_9, %dma_start3A_10] : memref<100000x64xf32, #tpu.memory_space<hbm>> -> memref<100000x64xf32, #tpu.memory_space<hbm>>
    tpu.enqueue_indirect_dma source(%dma_start3A_11 : memref<100000x64xf32, #tpu.memory_space<hbm>>) target(%dma_start3A_5 : memref<128x64xf32, #tpu.memory_space<vmem>>) offsets(%dma_start3A_8 : memref<128xi32, #tpu.memory_space<vmem>>) semaphore(%arg12 : memref<!tpu.dma_semaphore, #tpu.memory_space<semaphore_mem>>)
    %dma_start3A_12 = arith.constant 1 : i32
    %dma_start3A_13 = arith.constant 128 : i32
    %dma_start3A_14 = arith.constant 0 : i32
    %dma_start3A_15 = tpu.memref_slice %arg8[%dma_start3A_13, %dma_start3A_14] : memref<256x64xf32, #tpu.memory_space<vmem>> -> memref<128x64xf32, #tpu.memory_space<vmem>>
    %dma_start3A_16 = arith.constant 0 : i32
    %dma_start3A_17 = tpu.memref_slice %arg6[%dma_start3A_12, %dma_start3A_16] : memref<200x128xi32, #tpu.memory_space<vmem>> -> memref<1x128xi32, #tpu.memory_space<vmem>>
    %dma_start3A_18 = tpu.memref_squeeze %dma_start3A_17 : memref<1x128xi32, #tpu.memory_space<vmem>> -> memref<128xi32, #tpu.memory_space<vmem>>
    %dma_start3A_19 = arith.constant 0 : i32
    %dma_start3A_20 = arith.constant 0 : i32
    %dma_start3A_21 = tpu.memref_slice %arg3[%dma_start3A_19, %dma_start3A_20] : memref<100000x64xf32, #tpu.memory_space<hbm>> -> memref<100000x64xf32, #tpu.memory_space<hbm>>
    tpu.enqueue_indirect_dma source(%dma_start3A_21 : memref<100000x64xf32, #tpu.memory_space<hbm>>) target(%dma_start3A_15 : memref<128x64xf32, #tpu.memory_space<vmem>>) offsets(%dma_start3A_18 : memref<128xi32, #tpu.memory_space<vmem>>) semaphore(%arg12 : memref<!tpu.dma_semaphore, #tpu.memory_space<semaphore_mem>>)
    %scan3A = arith.constant 0 : i32
    %scan3A_22 = arith.constant 0 : i32
    %scan3A_23 = arith.constant 50 : i32
    %scan3A_24 = arith.addi %scan3A_22, %scan3A_23 : i32
    %scan3A_25 = arith.constant 1 : i32
    scf.for %scan3A_70 = %scan3A_22 to %scan3A_24 step %scan3A_25  : i32 {
      %mul3A_71 = arith.constant 2 : i32
      %mul3A_72 = arith.muli %scan3A_70, %mul3A_71 : i32
      %add3A_73 = arith.constant 0 : i32
      %add3A_74 = arith.addi %mul3A_72, %add3A_73 : i32
      %add3A_75 = arith.constant 1 : i32
      %add3A_76 = arith.addi %add3A_74, %add3A_75 : i32
      %lt3A = arith.constant 100 : i32
      %lt3A_77 = arith.cmpi slt, %add3A_76, %lt3A : i32
      %convert_element_type3A = arith.extui %lt3A_77 : i1 to i32
      %cond3A = arith.constant 0 : i32
      %cond3A_78 = arith.cmpi ne, %convert_element_type3A, %cond3A : i32
      scf.if %cond3A_78 {
        %add3A_625 = arith.constant 1 : i32
        %add3A_626 = arith.addi %add3A_74, %add3A_625 : i32
        %mul3A_627 = arith.constant 2 : i32
        %mul3A_628 = arith.muli %add3A_626, %mul3A_627 : i32
        %add3A_629 = arith.constant 0 : i32
        %add3A_630 = arith.addi %mul3A_628, %add3A_629 : i32
        %dma_start3A_631 = arith.constant 0 : i32
        %dma_start3A_632 = arith.constant 0 : i32
        %dma_start3A_633 = tpu.memref_slice %arg9[%dma_start3A_631, %dma_start3A_632] : memref<256x64xf32, #tpu.memory_space<vmem>> -> memref<128x64xf32, #tpu.memory_space<vmem>>
        %dma_start3A_634 = arith.constant 0 : i32
        %dma_start3A_635 = tpu.memref_slice %arg6[%add3A_630, %dma_start3A_634] : memref<200x128xi32, #tpu.memory_space<vmem>> -> memref<1x128xi32, #tpu.memory_space<vmem>>
        %dma_start3A_636 = tpu.memref_squeeze %dma_start3A_635 : memref<1x128xi32, #tpu.memory_space<vmem>> -> memref<128xi32, #tpu.memory_space<vmem>>
        %dma_start3A_637 = arith.constant 0 : i32
        %dma_start3A_638 = arith.constant 0 : i32
        %dma_start3A_639 = tpu.memref_slice %arg3[%dma_start3A_637, %dma_start3A_638] : memref<100000x64xf32, #tpu.memory_space<hbm>> -> memref<100000x64xf32, #tpu.memory_space<hbm>>
        tpu.enqueue_indirect_dma source(%dma_start3A_639 : memref<100000x64xf32, #tpu.memory_space<hbm>>) target(%dma_start3A_633 : memref<128x64xf32, #tpu.memory_space<vmem>>) offsets(%dma_start3A_636 : memref<128xi32, #tpu.memory_space<vmem>>) semaphore(%arg13 : memref<!tpu.dma_semaphore, #tpu.memory_space<semaphore_mem>>)
        %mul3A_640 = arith.constant 2 : i32
        %mul3A_641 = arith.muli %add3A_626, %mul3A_640 : i32
        %add3A_642 = arith.constant 1 : i32
        %add3A_643 = arith.addi %mul3A_641, %add3A_642 : i32
        %dma_start3A_644 = arith.constant 128 : i32
        %dma_start3A_645 = arith.constant 0 : i32
        %dma_start3A_646 = tpu.memref_slice %arg9[%dma_start3A_644, %dma_start3A_645] : memref<256x64xf32, #tpu.memory_space<vmem>> -> memref<128x64xf32, #tpu.memory_space<vmem>>
        %dma_start3A_647 = arith.constant 0 : i32
        %dma_start3A_648 = tpu.memref_slice %arg6[%add3A_643, %dma_start3A_647] : memref<200x128xi32, #tpu.memory_space<vmem>> -> memref<1x128xi32, #tpu.memory_space<vmem>>
        %dma_start3A_649 = tpu.memref_squeeze %dma_start3A_648 : memref<1x128xi32, #tpu.memory_space<vmem>> -> memref<128xi32, #tpu.memory_space<vmem>>
        %dma_start3A_650 = arith.constant 0 : i32
        %dma_start3A_651 = arith.constant 0 : i32
        %dma_start3A_652 = tpu.memref_slice %arg3[%dma_start3A_650, %dma_start3A_651] : memref<100000x64xf32, #tpu.memory_space<hbm>> -> memref<100000x64xf32, #tpu.memory_space<hbm>>
        tpu.enqueue_indirect_dma source(%dma_start3A_652 : memref<100000x64xf32, #tpu.memory_space<hbm>>) target(%dma_start3A_646 : memref<128x64xf32, #tpu.memory_space<vmem>>) offsets(%dma_start3A_649 : memref<128xi32, #tpu.memory_space<vmem>>) semaphore(%arg13 : memref<!tpu.dma_semaphore, #tpu.memory_space<semaphore_mem>>)
      } else {
      }
      %mul3A_79 = arith.constant 2 : i32
      %mul3A_80 = arith.muli %add3A_74, %mul3A_79 : i32
      %add3A_81 = arith.constant 0 : i32
      %add3A_82 = arith.addi %mul3A_80, %add3A_81 : i32
      %dma_wait3A_83 = arith.constant 0 : i32
      %dma_wait3A_84 = arith.constant 0 : i32
      %dma_wait3A_85 = tpu.memref_slice %arg8[%dma_wait3A_83, %dma_wait3A_84] : memref<256x64xf32, #tpu.memory_space<vmem>> -> memref<128x64xf32, #tpu.memory_space<vmem>>
      %dma_wait3A_86 = arith.constant 0 : i32
      %dma_wait3A_87 = tpu.memref_slice %arg6[%add3A_82, %dma_wait3A_86] : memref<200x128xi32, #tpu.memory_space<vmem>> -> memref<1x128xi32, #tpu.memory_space<vmem>>
      %dma_wait3A_88 = tpu.memref_squeeze %dma_wait3A_87 : memref<1x128xi32, #tpu.memory_space<vmem>> -> memref<128xi32, #tpu.memory_space<vmem>>
      %dma_wait3A_89 = arith.constant 0 : i32
      %dma_wait3A_90 = arith.constant 0 : i32
      %dma_wait3A_91 = tpu.memref_slice %arg3[%dma_wait3A_89, %dma_wait3A_90] : memref<100000x64xf32, #tpu.memory_space<hbm>> -> memref<100000x64xf32, #tpu.memory_space<hbm>>
      tpu.wait_indirect_dma semaphore(%arg12 : memref<!tpu.dma_semaphore, #tpu.memory_space<semaphore_mem>>) src(%dma_wait3A_91 : memref<100000x64xf32, #tpu.memory_space<hbm>>) dst(%dma_wait3A_85 : memref<128x64xf32, #tpu.memory_space<vmem>>)
      %mul3A_92 = arith.constant 2 : i32
      %mul3A_93 = arith.muli %add3A_74, %mul3A_92 : i32
      %add3A_94 = arith.constant 1 : i32
      %add3A_95 = arith.addi %mul3A_93, %add3A_94 : i32
      %dma_wait3A_96 = arith.constant 128 : i32
      %dma_wait3A_97 = arith.constant 0 : i32
      %dma_wait3A_98 = tpu.memref_slice %arg8[%dma_wait3A_96, %dma_wait3A_97] : memref<256x64xf32, #tpu.memory_space<vmem>> -> memref<128x64xf32, #tpu.memory_space<vmem>>
      %dma_wait3A_99 = arith.constant 0 : i32
      %dma_wait3A_100 = tpu.memref_slice %arg6[%add3A_95, %dma_wait3A_99] : memref<200x128xi32, #tpu.memory_space<vmem>> -> memref<1x128xi32, #tpu.memory_space<vmem>>
      %dma_wait3A_101 = tpu.memref_squeeze %dma_wait3A_100 : memref<1x128xi32, #tpu.memory_space<vmem>> -> memref<128xi32, #tpu.memory_space<vmem>>
      %dma_wait3A_102 = arith.constant 0 : i32
      %dma_wait3A_103 = arith.constant 0 : i32
      %dma_wait3A_104 = tpu.memref_slice %arg3[%dma_wait3A_102, %dma_wait3A_103] : memref<100000x64xf32, #tpu.memory_space<hbm>> -> memref<100000x64xf32, #tpu.memory_space<hbm>>
      tpu.wait_indirect_dma semaphore(%arg12 : memref<!tpu.dma_semaphore, #tpu.memory_space<semaphore_mem>>) src(%dma_wait3A_104 : memref<100000x64xf32, #tpu.memory_space<hbm>>) dst(%dma_wait3A_98 : memref<128x64xf32, #tpu.memory_space<vmem>>)
      %ge3A = arith.constant 2 : i32
      %ge3A_105 = arith.cmpi sge, %add3A_74, %ge3A : i32
      %convert_element_type3A_106 = arith.extui %ge3A_105 : i1 to i32
      %cond3A_107 = arith.constant 0 : i32
      %cond3A_108 = arith.cmpi ne, %convert_element_type3A_106, %cond3A_107 : i32
      scf.if %cond3A_108 {
        %sub3A_625 = arith.constant 2 : i32
        %sub3A_626 = arith.subi %add3A_74, %sub3A_625 : i32
        %mul3A_627 = arith.constant 2 : i32
        %mul3A_628 = arith.muli %sub3A_626, %mul3A_627 : i32
        %dma_wait3A_629 = arith.constant 0 : i32
        %dma_wait3A_630 = arith.constant 0 : i32
        %dma_wait3A_631 = arith.constant 0 : i32
        %dma_wait3A_632 = arith.constant 0 : i32
        %dma_wait3A_633 = tpu.memref_slice %arg10[%dma_wait3A_629, %dma_wait3A_630, %dma_wait3A_631, %dma_wait3A_632] : memref<2x8x8x129xf32, #tpu.memory_space<vmem>> -> memref<2x8x8x128xf32, #tpu.memory_space<vmem>>
        %dma_wait3A_634 = arith.constant 0 : i32
        %dma_wait3A_635 = arith.constant 0 : i32
        %dma_wait3A_636 = arith.constant 0 : i32
        %dma_wait3A_637 = tpu.memref_slice %arg5[%mul3A_628, %dma_wait3A_634, %add3A, %dma_wait3A_635, %dma_wait3A_636] : memref<200x8x32x8x128xf32, #tpu.memory_space<hbm>> -> memref<2x8x1x8x128xf32, #tpu.memory_space<hbm>>
        %dma_wait3A_638 = tpu.memref_squeeze %dma_wait3A_637 : memref<2x8x1x8x128xf32, #tpu.memory_space<hbm>> -> memref<2x8x8x128xf32, #tpu.memory_space<hbm>>
        %dma_wait3A_639 = arith.constant 0 : i32
        %dma_wait3A_640 = arith.constant 0 : i32
        %dma_wait3A_641 = arith.constant 0 : i32
        %dma_wait3A_642 = tpu.memref_slice %arg5[%mul3A_628, %dma_wait3A_639, %add3A, %dma_wait3A_640, %dma_wait3A_641] : memref<200x8x32x8x128xf32, #tpu.memory_space<hbm>> -> memref<2x8x1x8x128xf32, #tpu.memory_space<hbm>>
        %dma_wait3A_643 = tpu.memref_squeeze %dma_wait3A_642 : memref<2x8x1x8x128xf32, #tpu.memory_space<hbm>> -> memref<2x8x8x128xf32, #tpu.memory_space<hbm>>
        %dma_wait3A_644 = arith.constant 0 : i32
        %dma_wait3A_645 = arith.constant 0 : i32
        %dma_wait3A_646 = arith.constant 0 : i32
        %dma_wait3A_647 = arith.constant 0 : i32
        %dma_wait3A_648 = tpu.memref_slice %arg10[%dma_wait3A_644, %dma_wait3A_645, %dma_wait3A_646, %dma_wait3A_647] : memref<2x8x8x129xf32, #tpu.memory_space<vmem>> -> memref<2x8x8x128xf32, #tpu.memory_space<vmem>>
        tpu.wait_dma2 semaphore(%arg14 : memref<!tpu.dma_semaphore, #tpu.memory_space<semaphore_mem>>) src(%dma_wait3A_648 : memref<2x8x8x128xf32, #tpu.memory_space<vmem>>) dst(%dma_wait3A_643 : memref<2x8x8x128xf32, #tpu.memory_space<hbm>>)
      } else {
      }
      %iota3A = tpu.iota {dimensions = array<i32: 0>} : vector<16xi32>
      %jit3A = arith.constant 8 : i32
      %eq3A = arith.constant 0 : i32
      %eq3A_109 = arith.cmpi eq, %jit3A, %eq3A : i32
      %jit3A_110 = arith.constant 1 : i32
      %select_n3A = arith.select %eq3A_109, %jit3A_110, %jit3A : i32
      %rem3A = vector.broadcast %select_n3A : i32 to vector<16xi32>
      %rem3A_111 = arith.remsi %iota3A, %rem3A : vector<16xi32>
      %ne3A = arith.constant 0 : i32
      %ne3A_112 = vector.broadcast %ne3A : i32 to vector<16xi32>
      %ne3A_113 = arith.cmpi ne, %rem3A_111, %ne3A_112 : vector<16xi32>
      %lt3A_114 = arith.constant 0 : i32
      %lt3A_115 = vector.broadcast %lt3A_114 : i32 to vector<16xi32>
      %lt3A_116 = arith.cmpi slt, %rem3A_111, %lt3A_115 : vector<16xi32>
      %lt3A_117 = arith.constant 0 : i32
      %lt3A_118 = arith.cmpi slt, %select_n3A, %lt3A_117 : i32
      %ne3A_119 = vector.broadcast %lt3A_118 : i1 to vector<16xi1>
      %ne3A_120 = vector.broadcast %ne3A_119 : vector<16xi1> to vector<16xi1>
      %ne3A_121 = arith.xori %lt3A_116, %ne3A_120 : vector<16xi1>
      %and3A = arith.andi %ne3A_121, %ne3A_113 : vector<16xi1>
      %add3A_122 = vector.broadcast %select_n3A : i32 to vector<16xi32>
      %add3A_123 = arith.addi %rem3A_111, %add3A_122 : vector<16xi32>
      %select_n3A_124 = arith.select %and3A, %add3A_123, %rem3A_111 : vector<16xi1>, vector<16xi32>
      %jit3A_125 = arith.constant 8 : i32
      %div3A = vector.broadcast %jit3A_125 : i32 to vector<16xi32>
      %div3A_126 = arith.divsi %iota3A, %div3A : vector<16xi32>
      %sign3A = arith.constant 0 : i32
      %sign3A_127 = vector.broadcast %sign3A : i32 to vector<16xi32>
      %sign3A_128 = arith.cmpi sgt, %iota3A, %sign3A_127 : vector<16xi32>
      %sign3A_129 = arith.extui %sign3A_128 : vector<16xi1> to vector<16xi32>
      %sign3A_130 = arith.constant 0 : i32
      %sign3A_131 = vector.broadcast %sign3A_130 : i32 to vector<16xi32>
      %sign3A_132 = arith.cmpi slt, %iota3A, %sign3A_131 : vector<16xi32>
      %sign3A_133 = arith.extui %sign3A_132 : vector<16xi1> to vector<16xi32>
      %sign3A_134 = arith.subi %sign3A_129, %sign3A_133 : vector<16xi32>
      %sign3A_135 = arith.constant 0 : i32
      %sign3A_136 = arith.cmpi sgt, %jit3A_125, %sign3A_135 : i32
      %sign3A_137 = arith.extui %sign3A_136 : i1 to i32
      %sign3A_138 = arith.constant 0 : i32
      %sign3A_139 = arith.cmpi slt, %jit3A_125, %sign3A_138 : i32
      %sign3A_140 = arith.extui %sign3A_139 : i1 to i32
      %sign3A_141 = arith.subi %sign3A_137, %sign3A_140 : i32
      %ne3A_142 = vector.broadcast %sign3A_141 : i32 to vector<16xi32>
      %ne3A_143 = arith.cmpi ne, %sign3A_134, %ne3A_142 : vector<16xi32>
      %rem3A_144 = vector.broadcast %jit3A_125 : i32 to vector<16xi32>
      %rem3A_145 = arith.remsi %iota3A, %rem3A_144 : vector<16xi32>
      %ne3A_146 = arith.constant 0 : i32
      %ne3A_147 = vector.broadcast %ne3A_146 : i32 to vector<16xi32>
      %ne3A_148 = arith.cmpi ne, %rem3A_145, %ne3A_147 : vector<16xi32>
      %and3A_149 = arith.andi %ne3A_143, %ne3A_148 : vector<16xi1>
      %sub3A = arith.constant 1 : i32
      %sub3A_150 = vector.broadcast %sub3A : i32 to vector<16xi32>
      %sub3A_151 = arith.subi %div3A_126, %sub3A_150 : vector<16xi32>
      %select_n3A_152 = arith.select %and3A_149, %sub3A_151, %div3A_126 : vector<16xi1>, vector<16xi32>
      %add3A_153 = arith.constant 0 : i32
      %add3A_154 = vector.broadcast %add3A_153 : i32 to vector<16xi32>
      %add3A_155 = arith.addi %add3A_154, %select_n3A_152 : vector<16xi32>
      %jit3A_156 = arith.constant 8 : i32
      %div3A_157 = vector.broadcast %jit3A_156 : i32 to vector<16xi32>
      %div3A_158 = arith.divsi %iota3A, %div3A_157 : vector<16xi32>
      %sign3A_159 = arith.constant 0 : i32
      %sign3A_160 = vector.broadcast %sign3A_159 : i32 to vector<16xi32>
      %sign3A_161 = arith.cmpi sgt, %iota3A, %sign3A_160 : vector<16xi32>
      %sign3A_162 = arith.extui %sign3A_161 : vector<16xi1> to vector<16xi32>
      %sign3A_163 = arith.constant 0 : i32
      %sign3A_164 = vector.broadcast %sign3A_163 : i32 to vector<16xi32>
      %sign3A_165 = arith.cmpi slt, %iota3A, %sign3A_164 : vector<16xi32>
      %sign3A_166 = arith.extui %sign3A_165 : vector<16xi1> to vector<16xi32>
      %sign3A_167 = arith.subi %sign3A_162, %sign3A_166 : vector<16xi32>
      %sign3A_168 = arith.constant 0 : i32
      %sign3A_169 = arith.cmpi sgt, %jit3A_156, %sign3A_168 : i32
      %sign3A_170 = arith.extui %sign3A_169 : i1 to i32
      %sign3A_171 = arith.constant 0 : i32
      %sign3A_172 = arith.cmpi slt, %jit3A_156, %sign3A_171 : i32
      %sign3A_173 = arith.extui %sign3A_172 : i1 to i32
      %sign3A_174 = arith.subi %sign3A_170, %sign3A_173 : i32
      %ne3A_175 = vector.broadcast %sign3A_174 : i32 to vector<16xi32>
      %ne3A_176 = arith.cmpi ne, %sign3A_167, %ne3A_175 : vector<16xi32>
      %rem3A_177 = vector.broadcast %jit3A_156 : i32 to vector<16xi32>
      %rem3A_178 = arith.remsi %iota3A, %rem3A_177 : vector<16xi32>
      %ne3A_179 = arith.constant 0 : i32
      %ne3A_180 = vector.broadcast %ne3A_179 : i32 to vector<16xi32>
      %ne3A_181 = arith.cmpi ne, %rem3A_178, %ne3A_180 : vector<16xi32>
      %and3A_182 = arith.andi %ne3A_176, %ne3A_181 : vector<16xi1>
      %sub3A_183 = arith.constant 1 : i32
      %sub3A_184 = vector.broadcast %sub3A_183 : i32 to vector<16xi32>
      %sub3A_185 = arith.subi %div3A_158, %sub3A_184 : vector<16xi32>
      %select_n3A_186 = arith.select %and3A_182, %sub3A_185, %div3A_158 : vector<16xi1>, vector<16xi32>
      %add3A_187 = arith.constant 2 : i32
      %add3A_188 = vector.broadcast %add3A_187 : i32 to vector<16xi32>
      %add3A_189 = arith.addi %add3A_188, %select_n3A_186 : vector<16xi32>
      %jit3A_190 = arith.constant 8 : i32
      %div3A_191 = vector.broadcast %jit3A_190 : i32 to vector<16xi32>
      %div3A_192 = arith.divsi %iota3A, %div3A_191 : vector<16xi32>
      %sign3A_193 = arith.constant 0 : i32
      %sign3A_194 = vector.broadcast %sign3A_193 : i32 to vector<16xi32>
      %sign3A_195 = arith.cmpi sgt, %iota3A, %sign3A_194 : vector<16xi32>
      %sign3A_196 = arith.extui %sign3A_195 : vector<16xi1> to vector<16xi32>
      %sign3A_197 = arith.constant 0 : i32
      %sign3A_198 = vector.broadcast %sign3A_197 : i32 to vector<16xi32>
      %sign3A_199 = arith.cmpi slt, %iota3A, %sign3A_198 : vector<16xi32>
      %sign3A_200 = arith.extui %sign3A_199 : vector<16xi1> to vector<16xi32>
      %sign3A_201 = arith.subi %sign3A_196, %sign3A_200 : vector<16xi32>
      %sign3A_202 = arith.constant 0 : i32
      %sign3A_203 = arith.cmpi sgt, %jit3A_190, %sign3A_202 : i32
      %sign3A_204 = arith.extui %sign3A_203 : i1 to i32
      %sign3A_205 = arith.constant 0 : i32
      %sign3A_206 = arith.cmpi slt, %jit3A_190, %sign3A_205 : i32
      %sign3A_207 = arith.extui %sign3A_206 : i1 to i32
      %sign3A_208 = arith.subi %sign3A_204, %sign3A_207 : i32
      %ne3A_209 = vector.broadcast %sign3A_208 : i32 to vector<16xi32>
      %ne3A_210 = arith.cmpi ne, %sign3A_201, %ne3A_209 : vector<16xi32>
      %rem3A_211 = vector.broadcast %jit3A_190 : i32 to vector<16xi32>
      %rem3A_212 = arith.remsi %iota3A, %rem3A_211 : vector<16xi32>
      %ne3A_213 = arith.constant 0 : i32
      %ne3A_214 = vector.broadcast %ne3A_213 : i32 to vector<16xi32>
      %ne3A_215 = arith.cmpi ne, %rem3A_212, %ne3A_214 : vector<16xi32>
      %and3A_216 = arith.andi %ne3A_210, %ne3A_215 : vector<16xi1>
      %sub3A_217 = arith.constant 1 : i32
      %sub3A_218 = vector.broadcast %sub3A_217 : i32 to vector<16xi32>
      %sub3A_219 = arith.subi %div3A_192, %sub3A_218 : vector<16xi32>
      %select_n3A_220 = arith.select %and3A_216, %sub3A_219, %div3A_192 : vector<16xi1>, vector<16xi32>
      %add3A_221 = arith.constant 4 : i32
      %add3A_222 = vector.broadcast %add3A_221 : i32 to vector<16xi32>
      %add3A_223 = arith.addi %add3A_222, %select_n3A_220 : vector<16xi32>
      %jit3A_224 = arith.constant 8 : i32
      %div3A_225 = vector.broadcast %jit3A_224 : i32 to vector<16xi32>
      %div3A_226 = arith.divsi %iota3A, %div3A_225 : vector<16xi32>
      %sign3A_227 = arith.constant 0 : i32
      %sign3A_228 = vector.broadcast %sign3A_227 : i32 to vector<16xi32>
      %sign3A_229 = arith.cmpi sgt, %iota3A, %sign3A_228 : vector<16xi32>
      %sign3A_230 = arith.extui %sign3A_229 : vector<16xi1> to vector<16xi32>
      %sign3A_231 = arith.constant 0 : i32
      %sign3A_232 = vector.broadcast %sign3A_231 : i32 to vector<16xi32>
      %sign3A_233 = arith.cmpi slt, %iota3A, %sign3A_232 : vector<16xi32>
      %sign3A_234 = arith.extui %sign3A_233 : vector<16xi1> to vector<16xi32>
      %sign3A_235 = arith.subi %sign3A_230, %sign3A_234 : vector<16xi32>
      %sign3A_236 = arith.constant 0 : i32
      %sign3A_237 = arith.cmpi sgt, %jit3A_224, %sign3A_236 : i32
      %sign3A_238 = arith.extui %sign3A_237 : i1 to i32
      %sign3A_239 = arith.constant 0 : i32
      %sign3A_240 = arith.cmpi slt, %jit3A_224, %sign3A_239 : i32
      %sign3A_241 = arith.extui %sign3A_240 : i1 to i32
      %sign3A_242 = arith.subi %sign3A_238, %sign3A_241 : i32
      %ne3A_243 = vector.broadcast %sign3A_242 : i32 to vector<16xi32>
      %ne3A_244 = arith.cmpi ne, %sign3A_235, %ne3A_243 : vector<16xi32>
      %rem3A_245 = vector.broadcast %jit3A_224 : i32 to vector<16xi32>
      %rem3A_246 = arith.remsi %iota3A, %rem3A_245 : vector<16xi32>
      %ne3A_247 = arith.constant 0 : i32
      %ne3A_248 = vector.broadcast %ne3A_247 : i32 to vector<16xi32>
      %ne3A_249 = arith.cmpi ne, %rem3A_246, %ne3A_248 : vector<16xi32>
      %and3A_250 = arith.andi %ne3A_244, %ne3A_249 : vector<16xi1>
      %sub3A_251 = arith.constant 1 : i32
      %sub3A_252 = vector.broadcast %sub3A_251 : i32 to vector<16xi32>
      %sub3A_253 = arith.subi %div3A_226, %sub3A_252 : vector<16xi32>
      %select_n3A_254 = arith.select %and3A_250, %sub3A_253, %div3A_226 : vector<16xi1>, vector<16xi32>
      %add3A_255 = arith.constant 6 : i32
      %add3A_256 = vector.broadcast %add3A_255 : i32 to vector<16xi32>
      %add3A_257 = arith.addi %add3A_256, %select_n3A_254 : vector<16xi32>
      %mul3A_258 = arith.constant 2 : i32
      %mul3A_259 = arith.muli %add3A_74, %mul3A_258 : i32
      %add3A_260 = arith.constant 0 : i32
      %add3A_261 = arith.addi %mul3A_259, %add3A_260 : i32
      %get3A = arith.index_cast %add3A_261 : i32 to index
      %get3A_262 = arith.constant 0 : index
      %get3A_263 = tpu.vector_load %arg7[%get3A, %get3A_262] {strides = array<i32>} : memref<200x64xf32, #tpu.memory_space<vmem>>, vector<16xf32>,
      %mul3A_264 = arith.constant 2 : i32
      %mul3A_265 = arith.muli %add3A_74, %mul3A_264 : i32
      %add3A_266 = arith.constant 0 : i32
      %add3A_267 = arith.addi %mul3A_265, %add3A_266 : i32
      %get3A_268 = arith.index_cast %add3A_267 : i32 to index
      %get3A_269 = arith.constant 16 : index
      %get3A_270 = tpu.vector_load %arg7[%get3A_268, %get3A_269] {strides = array<i32>} : memref<200x64xf32, #tpu.memory_space<vmem>>, vector<16xf32>,
      %mul3A_271 = arith.constant 2 : i32
      %mul3A_272 = arith.muli %add3A_74, %mul3A_271 : i32
      %add3A_273 = arith.constant 0 : i32
      %add3A_274 = arith.addi %mul3A_272, %add3A_273 : i32
      %get3A_275 = arith.index_cast %add3A_274 : i32 to index
      %get3A_276 = arith.constant 32 : index
      %get3A_277 = tpu.vector_load %arg7[%get3A_275, %get3A_276] {strides = array<i32>} : memref<200x64xf32, #tpu.memory_space<vmem>>, vector<16xf32>,
      %mul3A_278 = arith.constant 2 : i32
      %mul3A_279 = arith.muli %add3A_74, %mul3A_278 : i32
      %add3A_280 = arith.constant 0 : i32
      %add3A_281 = arith.addi %mul3A_279, %add3A_280 : i32
      %get3A_282 = arith.index_cast %add3A_281 : i32 to index
      %get3A_283 = arith.constant 48 : index
      %get3A_284 = tpu.vector_load %arg7[%get3A_282, %get3A_283] {strides = array<i32>} : memref<200x64xf32, #tpu.memory_space<vmem>>, vector<16xf32>,
      %parallel_loop3A = arith.constant 0 : i32
      %parallel_loop3A_285 = arith.constant 128 : i32
      %parallel_loop3A_286 = arith.constant 1 : i32
      scf.for %parallel_loop3A_625 = %parallel_loop3A to %parallel_loop3A_285 step %parallel_loop3A_286  : i32 {
        %parallel_loop3A_626 = arith.constant 0 : i32
        %parallel_loop3A_627 = vector.broadcast %parallel_loop3A_626 : i32 to vector<16xi32>
        %parallel_loop3A_628 = arith.muli %iota3A, %parallel_loop3A_627 : vector<16xi32>
        %parallel_loop3A_629 = vector.broadcast %parallel_loop3A_625 : i32 to vector<16xi32>
        %parallel_loop3A_630 = arith.addi %parallel_loop3A_628, %parallel_loop3A_629 : vector<16xi32>
        %parallel_loop3A_631 = arith.constant 0 : i32
        %parallel_loop3A_632 = arith.addi %parallel_loop3A_631, %parallel_loop3A_625 : i32
        %parallel_loop3A_633 = arith.index_cast %parallel_loop3A_632 : i32 to index
        %parallel_loop3A_634 = arith.constant 0 : index
        %parallel_loop3A_635 = tpu.vector_load %arg8[%parallel_loop3A_633, %parallel_loop3A_634] {strides = array<i32>} : memref<256x64xf32, #tpu.memory_space<vmem>>, vector<16xf32>,
        %parallel_loop3A_636 = arith.addf %parallel_loop3A_635, %get3A_263 : vector<16xf32>
        %parallel_loop3A_637 = arith.constant 0 : i32
        %parallel_loop3A_638 = arith.constant 0 : i32
        %parallel_loop3A_639 = arith.constant 0 : i32
        %parallel_loop3A_640 = arith.constant 0 : i32
        %parallel_loop3A_641 = tpu.memref_slice %arg10[%parallel_loop3A_637, %parallel_loop3A_638, %parallel_loop3A_639, %parallel_loop3A_640] : memref<2x8x8x129xf32, #tpu.memory_space<vmem>> -> memref<1x8x8x129xf32, #tpu.memory_space<vmem>>
        %parallel_loop3A_642 = tpu.memref_squeeze %parallel_loop3A_641 : memref<1x8x8x129xf32, #tpu.memory_space<vmem>> -> memref<8x8x129xf32, #tpu.memory_space<vmem>>
        tpu.vector_store_idx %parallel_loop3A_642[%add3A_155, %select_n3A_124, %parallel_loop3A_630], %parallel_loop3A_636 : memref<8x8x129xf32, #tpu.memory_space<vmem>>[vector<16xi32>, vector<16xi32>, vector<16xi32>], vector<16xf32>,
        %parallel_loop3A_643 = arith.constant 0 : i32
        %parallel_loop3A_644 = arith.addi %parallel_loop3A_643, %parallel_loop3A_625 : i32
        %parallel_loop3A_645 = arith.index_cast %parallel_loop3A_644 : i32 to index
        %parallel_loop3A_646 = arith.constant 16 : index
        %parallel_loop3A_647 = tpu.vector_load %arg8[%parallel_loop3A_645, %parallel_loop3A_646] {strides = array<i32>} : memref<256x64xf32, #tpu.memory_space<vmem>>, vector<16xf32>,
        %parallel_loop3A_648 = arith.addf %parallel_loop3A_647, %get3A_270 : vector<16xf32>
        %parallel_loop3A_649 = arith.constant 0 : i32
        %parallel_loop3A_650 = arith.constant 0 : i32
        %parallel_loop3A_651 = arith.constant 0 : i32
        %parallel_loop3A_652 = arith.constant 0 : i32
        %parallel_loop3A_653 = tpu.memref_slice %arg10[%parallel_loop3A_649, %parallel_loop3A_650, %parallel_loop3A_651, %parallel_loop3A_652] : memref<2x8x8x129xf32, #tpu.memory_space<vmem>> -> memref<1x8x8x129xf32, #tpu.memory_space<vmem>>
        %parallel_loop3A_654 = tpu.memref_squeeze %parallel_loop3A_653 : memref<1x8x8x129xf32, #tpu.memory_space<vmem>> -> memref<8x8x129xf32, #tpu.memory_space<vmem>>
        tpu.vector_store_idx %parallel_loop3A_654[%add3A_189, %select_n3A_124, %parallel_loop3A_630], %parallel_loop3A_648 : memref<8x8x129xf32, #tpu.memory_space<vmem>>[vector<16xi32>, vector<16xi32>, vector<16xi32>], vector<16xf32>,
        %parallel_loop3A_655 = arith.constant 0 : i32
        %parallel_loop3A_656 = arith.addi %parallel_loop3A_655, %parallel_loop3A_625 : i32
        %parallel_loop3A_657 = arith.index_cast %parallel_loop3A_656 : i32 to index
        %parallel_loop3A_658 = arith.constant 32 : index
        %parallel_loop3A_659 = tpu.vector_load %arg8[%parallel_loop3A_657, %parallel_loop3A_658] {strides = array<i32>} : memref<256x64xf32, #tpu.memory_space<vmem>>, vector<16xf32>,
        %parallel_loop3A_660 = arith.addf %parallel_loop3A_659, %get3A_277 : vector<16xf32>
        %parallel_loop3A_661 = arith.constant 0 : i32
        %parallel_loop3A_662 = arith.constant 0 : i32
        %parallel_loop3A_663 = arith.constant 0 : i32
        %parallel_loop3A_664 = arith.constant 0 : i32
        %parallel_loop3A_665 = tpu.memref_slice %arg10[%parallel_loop3A_661, %parallel_loop3A_662, %parallel_loop3A_663, %parallel_loop3A_664] : memref<2x8x8x129xf32, #tpu.memory_space<vmem>> -> memref<1x8x8x129xf32, #tpu.memory_space<vmem>>
        %parallel_loop3A_666 = tpu.memref_squeeze %parallel_loop3A_665 : memref<1x8x8x129xf32, #tpu.memory_space<vmem>> -> memref<8x8x129xf32, #tpu.memory_space<vmem>>
        tpu.vector_store_idx %parallel_loop3A_666[%add3A_223, %select_n3A_124, %parallel_loop3A_630], %parallel_loop3A_660 : memref<8x8x129xf32, #tpu.memory_space<vmem>>[vector<16xi32>, vector<16xi32>, vector<16xi32>], vector<16xf32>,
        %parallel_loop3A_667 = arith.constant 0 : i32
        %parallel_loop3A_668 = arith.addi %parallel_loop3A_667, %parallel_loop3A_625 : i32
        %parallel_loop3A_669 = arith.index_cast %parallel_loop3A_668 : i32 to index
        %parallel_loop3A_670 = arith.constant 48 : index
        %parallel_loop3A_671 = tpu.vector_load %arg8[%parallel_loop3A_669, %parallel_loop3A_670] {strides = array<i32>} : memref<256x64xf32, #tpu.memory_space<vmem>>, vector<16xf32>,
        %parallel_loop3A_672 = arith.addf %parallel_loop3A_671, %get3A_284 : vector<16xf32>
        %parallel_loop3A_673 = arith.constant 0 : i32
        %parallel_loop3A_674 = arith.constant 0 : i32
        %parallel_loop3A_675 = arith.constant 0 : i32
        %parallel_loop3A_676 = arith.constant 0 : i32
        %parallel_loop3A_677 = tpu.memref_slice %arg10[%parallel_loop3A_673, %parallel_loop3A_674, %parallel_loop3A_675, %parallel_loop3A_676] : memref<2x8x8x129xf32, #tpu.memory_space<vmem>> -> memref<1x8x8x129xf32, #tpu.memory_space<vmem>>
        %parallel_loop3A_678 = tpu.memref_squeeze %parallel_loop3A_677 : memref<1x8x8x129xf32, #tpu.memory_space<vmem>> -> memref<8x8x129xf32, #tpu.memory_space<vmem>>
        tpu.vector_store_idx %parallel_loop3A_678[%add3A_257, %select_n3A_124, %parallel_loop3A_630], %parallel_loop3A_672 : memref<8x8x129xf32, #tpu.memory_space<vmem>>[vector<16xi32>, vector<16xi32>, vector<16xi32>], vector<16xf32>,
      } {sc.loop_unroll_factor = 16 : i64, sc.parallel_access}
      %mul3A_287 = arith.constant 2 : i32
      %mul3A_288 = arith.muli %add3A_74, %mul3A_287 : i32
      %add3A_289 = arith.constant 1 : i32
      %add3A_290 = arith.addi %mul3A_288, %add3A_289 : i32
      %get3A_291 = arith.index_cast %add3A_290 : i32 to index
      %get3A_292 = arith.constant 0 : index
      %get3A_293 = tpu.vector_load %arg7[%get3A_291, %get3A_292] {strides = array<i32>} : memref<200x64xf32, #tpu.memory_space<vmem>>, vector<16xf32>,
      %mul3A_294 = arith.constant 2 : i32
      %mul3A_295 = arith.muli %add3A_74, %mul3A_294 : i32
      %add3A_296 = arith.constant 1 : i32
      %add3A_297 = arith.addi %mul3A_295, %add3A_296 : i32
      %get3A_298 = arith.index_cast %add3A_297 : i32 to index
      %get3A_299 = arith.constant 16 : index
      %get3A_300 = tpu.vector_load %arg7[%get3A_298, %get3A_299] {strides = array<i32>} : memref<200x64xf32, #tpu.memory_space<vmem>>, vector<16xf32>,
      %mul3A_301 = arith.constant 2 : i32
      %mul3A_302 = arith.muli %add3A_74, %mul3A_301 : i32
      %add3A_303 = arith.constant 1 : i32
      %add3A_304 = arith.addi %mul3A_302, %add3A_303 : i32
      %get3A_305 = arith.index_cast %add3A_304 : i32 to index
      %get3A_306 = arith.constant 32 : index
      %get3A_307 = tpu.vector_load %arg7[%get3A_305, %get3A_306] {strides = array<i32>} : memref<200x64xf32, #tpu.memory_space<vmem>>, vector<16xf32>,
      %mul3A_308 = arith.constant 2 : i32
      %mul3A_309 = arith.muli %add3A_74, %mul3A_308 : i32
      %add3A_310 = arith.constant 1 : i32
      %add3A_311 = arith.addi %mul3A_309, %add3A_310 : i32
      %get3A_312 = arith.index_cast %add3A_311 : i32 to index
      %get3A_313 = arith.constant 48 : index
      %get3A_314 = tpu.vector_load %arg7[%get3A_312, %get3A_313] {strides = array<i32>} : memref<200x64xf32, #tpu.memory_space<vmem>>, vector<16xf32>,
      %parallel_loop3A_315 = arith.constant 0 : i32
      %parallel_loop3A_316 = arith.constant 128 : i32
      %parallel_loop3A_317 = arith.constant 1 : i32
      scf.for %parallel_loop3A_625 = %parallel_loop3A_315 to %parallel_loop3A_316 step %parallel_loop3A_317  : i32 {
        %parallel_loop3A_626 = arith.constant 0 : i32
        %parallel_loop3A_627 = vector.broadcast %parallel_loop3A_626 : i32 to vector<16xi32>
        %parallel_loop3A_628 = arith.muli %iota3A, %parallel_loop3A_627 : vector<16xi32>
        %parallel_loop3A_629 = vector.broadcast %parallel_loop3A_625 : i32 to vector<16xi32>
        %parallel_loop3A_630 = arith.addi %parallel_loop3A_628, %parallel_loop3A_629 : vector<16xi32>
        %parallel_loop3A_631 = arith.constant 128 : i32
        %parallel_loop3A_632 = arith.addi %parallel_loop3A_631, %parallel_loop3A_625 : i32
        %parallel_loop3A_633 = arith.index_cast %parallel_loop3A_632 : i32 to index
        %parallel_loop3A_634 = arith.constant 0 : index
        %parallel_loop3A_635 = tpu.vector_load %arg8[%parallel_loop3A_633, %parallel_loop3A_634] {strides = array<i32>} : memref<256x64xf32, #tpu.memory_space<vmem>>, vector<16xf32>,
        %parallel_loop3A_636 = arith.addf %parallel_loop3A_635, %get3A_293 : vector<16xf32>
        %parallel_loop3A_637 = arith.constant 1 : i32
        %parallel_loop3A_638 = arith.constant 0 : i32
        %parallel_loop3A_639 = arith.constant 0 : i32
        %parallel_loop3A_640 = arith.constant 0 : i32
        %parallel_loop3A_641 = tpu.memref_slice %arg10[%parallel_loop3A_637, %parallel_loop3A_638, %parallel_loop3A_639, %parallel_loop3A_640] : memref<2x8x8x129xf32, #tpu.memory_space<vmem>> -> memref<1x8x8x129xf32, #tpu.memory_space<vmem>>
        %parallel_loop3A_642 = tpu.memref_squeeze %parallel_loop3A_641 : memref<1x8x8x129xf32, #tpu.memory_space<vmem>> -> memref<8x8x129xf32, #tpu.memory_space<vmem>>
        tpu.vector_store_idx %parallel_loop3A_642[%add3A_155, %select_n3A_124, %parallel_loop3A_630], %parallel_loop3A_636 : memref<8x8x129xf32, #tpu.memory_space<vmem>>[vector<16xi32>, vector<16xi32>, vector<16xi32>], vector<16xf32>,
        %parallel_loop3A_643 = arith.constant 128 : i32
        %parallel_loop3A_644 = arith.addi %parallel_loop3A_643, %parallel_loop3A_625 : i32
        %parallel_loop3A_645 = arith.index_cast %parallel_loop3A_644 : i32 to index
        %parallel_loop3A_646 = arith.constant 16 : index
        %parallel_loop3A_647 = tpu.vector_load %arg8[%parallel_loop3A_645, %parallel_loop3A_646] {strides = array<i32>} : memref<256x64xf32, #tpu.memory_space<vmem>>, vector<16xf32>,
        %parallel_loop3A_648 = arith.addf %parallel_loop3A_647, %get3A_300 : vector<16xf32>
        %parallel_loop3A_649 = arith.constant 1 : i32
        %parallel_loop3A_650 = arith.constant 0 : i32
        %parallel_loop3A_651 = arith.constant 0 : i32
        %parallel_loop3A_652 = arith.constant 0 : i32
        %parallel_loop3A_653 = tpu.memref_slice %arg10[%parallel_loop3A_649, %parallel_loop3A_650, %parallel_loop3A_651, %parallel_loop3A_652] : memref<2x8x8x129xf32, #tpu.memory_space<vmem>> -> memref<1x8x8x129xf32, #tpu.memory_space<vmem>>
        %parallel_loop3A_654 = tpu.memref_squeeze %parallel_loop3A_653 : memref<1x8x8x129xf32, #tpu.memory_space<vmem>> -> memref<8x8x129xf32, #tpu.memory_space<vmem>>
        tpu.vector_store_idx %parallel_loop3A_654[%add3A_189, %select_n3A_124, %parallel_loop3A_630], %parallel_loop3A_648 : memref<8x8x129xf32, #tpu.memory_space<vmem>>[vector<16xi32>, vector<16xi32>, vector<16xi32>], vector<16xf32>,
        %parallel_loop3A_655 = arith.constant 128 : i32
        %parallel_loop3A_656 = arith.addi %parallel_loop3A_655, %parallel_loop3A_625 : i32
        %parallel_loop3A_657 = arith.index_cast %parallel_loop3A_656 : i32 to index
        %parallel_loop3A_658 = arith.constant 32 : index
        %parallel_loop3A_659 = tpu.vector_load %arg8[%parallel_loop3A_657, %parallel_loop3A_658] {strides = array<i32>} : memref<256x64xf32, #tpu.memory_space<vmem>>, vector<16xf32>,
        %parallel_loop3A_660 = arith.addf %parallel_loop3A_659, %get3A_307 : vector<16xf32>
        %parallel_loop3A_661 = arith.constant 1 : i32
        %parallel_loop3A_662 = arith.constant 0 : i32
        %parallel_loop3A_663 = arith.constant 0 : i32
        %parallel_loop3A_664 = arith.constant 0 : i32
        %parallel_loop3A_665 = tpu.memref_slice %arg10[%parallel_loop3A_661, %parallel_loop3A_662, %parallel_loop3A_663, %parallel_loop3A_664] : memref<2x8x8x129xf32, #tpu.memory_space<vmem>> -> memref<1x8x8x129xf32, #tpu.memory_space<vmem>>
        %parallel_loop3A_666 = tpu.memref_squeeze %parallel_loop3A_665 : memref<1x8x8x129xf32, #tpu.memory_space<vmem>> -> memref<8x8x129xf32, #tpu.memory_space<vmem>>
        tpu.vector_store_idx %parallel_loop3A_666[%add3A_223, %select_n3A_124, %parallel_loop3A_630], %parallel_loop3A_660 : memref<8x8x129xf32, #tpu.memory_space<vmem>>[vector<16xi32>, vector<16xi32>, vector<16xi32>], vector<16xf32>,
        %parallel_loop3A_667 = arith.constant 128 : i32
        %parallel_loop3A_668 = arith.addi %parallel_loop3A_667, %parallel_loop3A_625 : i32
        %parallel_loop3A_669 = arith.index_cast %parallel_loop3A_668 : i32 to index
        %parallel_loop3A_670 = arith.constant 48 : index
        %parallel_loop3A_671 = tpu.vector_load %arg8[%parallel_loop3A_669, %parallel_loop3A_670] {strides = array<i32>} : memref<256x64xf32, #tpu.memory_space<vmem>>, vector<16xf32>,
        %parallel_loop3A_672 = arith.addf %parallel_loop3A_671, %get3A_314 : vector<16xf32>
        %parallel_loop3A_673 = arith.constant 1 : i32
        %parallel_loop3A_674 = arith.constant 0 : i32
        %parallel_loop3A_675 = arith.constant 0 : i32
        %parallel_loop3A_676 = arith.constant 0 : i32
        %parallel_loop3A_677 = tpu.memref_slice %arg10[%parallel_loop3A_673, %parallel_loop3A_674, %parallel_loop3A_675, %parallel_loop3A_676] : memref<2x8x8x129xf32, #tpu.memory_space<vmem>> -> memref<1x8x8x129xf32, #tpu.memory_space<vmem>>
        %parallel_loop3A_678 = tpu.memref_squeeze %parallel_loop3A_677 : memref<1x8x8x129xf32, #tpu.memory_space<vmem>> -> memref<8x8x129xf32, #tpu.memory_space<vmem>>
        tpu.vector_store_idx %parallel_loop3A_678[%add3A_257, %select_n3A_124, %parallel_loop3A_630], %parallel_loop3A_672 : memref<8x8x129xf32, #tpu.memory_space<vmem>>[vector<16xi32>, vector<16xi32>, vector<16xi32>], vector<16xf32>,
      } {sc.loop_unroll_factor = 16 : i64, sc.parallel_access}
      %mul3A_318 = arith.constant 2 : i32
      %mul3A_319 = arith.muli %add3A_74, %mul3A_318 : i32
      %dma_start3A_320 = arith.constant 0 : i32
      %dma_start3A_321 = arith.constant 0 : i32
      %dma_start3A_322 = arith.constant 0 : i32
      %dma_start3A_323 = arith.constant 0 : i32
      %dma_start3A_324 = tpu.memref_slice %arg10[%dma_start3A_320, %dma_start3A_321, %dma_start3A_322, %dma_start3A_323] : memref<2x8x8x129xf32, #tpu.memory_space<vmem>> -> memref<2x8x8x128xf32, #tpu.memory_space<vmem>>
      %dma_start3A_325 = arith.constant 0 : i32
      %dma_start3A_326 = arith.constant 0 : i32
      %dma_start3A_327 = arith.constant 0 : i32
      %dma_start3A_328 = tpu.memref_slice %arg5[%mul3A_319, %dma_start3A_325, %add3A, %dma_start3A_326, %dma_start3A_327] : memref<200x8x32x8x128xf32, #tpu.memory_space<hbm>> -> memref<2x8x1x8x128xf32, #tpu.memory_space<hbm>>
      %dma_start3A_329 = tpu.memref_squeeze %dma_start3A_328 : memref<2x8x1x8x128xf32, #tpu.memory_space<hbm>> -> memref<2x8x8x128xf32, #tpu.memory_space<hbm>>
      %dma_start3A_330 = arith.constant 0 : i32
      %dma_start3A_331 = arith.constant 0 : i32
      %dma_start3A_332 = arith.constant 0 : i32
      %dma_start3A_333 = tpu.memref_slice %arg5[%mul3A_319, %dma_start3A_330, %add3A, %dma_start3A_331, %dma_start3A_332] : memref<200x8x32x8x128xf32, #tpu.memory_space<hbm>> -> memref<2x8x1x8x128xf32, #tpu.memory_space<hbm>>
      %dma_start3A_334 = tpu.memref_squeeze %dma_start3A_333 : memref<2x8x1x8x128xf32, #tpu.memory_space<hbm>> -> memref<2x8x8x128xf32, #tpu.memory_space<hbm>>
      %dma_start3A_335 = arith.constant 0 : i32
      %dma_start3A_336 = arith.constant 0 : i32
      %dma_start3A_337 = arith.constant 0 : i32
      %dma_start3A_338 = arith.constant 0 : i32
      %dma_start3A_339 = tpu.memref_slice %arg10[%dma_start3A_335, %dma_start3A_336, %dma_start3A_337, %dma_start3A_338] : memref<2x8x8x129xf32, #tpu.memory_space<vmem>> -> memref<2x8x8x128xf32, #tpu.memory_space<vmem>>
      tpu.enqueue_dma source(%dma_start3A_339 : memref<2x8x8x128xf32, #tpu.memory_space<vmem>>) target(%dma_start3A_334 : memref<2x8x8x128xf32, #tpu.memory_space<hbm>>) target_semaphore(%arg14 : memref<!tpu.dma_semaphore, #tpu.memory_space<semaphore_mem>>)
      %mul3A_340 = arith.constant 2 : i32
      %mul3A_341 = arith.muli %scan3A_70, %mul3A_340 : i32
      %add3A_342 = arith.constant 1 : i32
      %add3A_343 = arith.addi %mul3A_341, %add3A_342 : i32
      %add3A_344 = arith.constant 1 : i32
      %add3A_345 = arith.addi %add3A_343, %add3A_344 : i32
      %lt3A_346 = arith.constant 100 : i32
      %lt3A_347 = arith.cmpi slt, %add3A_345, %lt3A_346 : i32
      %convert_element_type3A_348 = arith.extui %lt3A_347 : i1 to i32
      %cond3A_349 = arith.constant 0 : i32
      %cond3A_350 = arith.cmpi ne, %convert_element_type3A_348, %cond3A_349 : i32
      scf.if %cond3A_350 {
        %add3A_625 = arith.constant 1 : i32
        %add3A_626 = arith.addi %add3A_343, %add3A_625 : i32
        %mul3A_627 = arith.constant 2 : i32
        %mul3A_628 = arith.muli %add3A_626, %mul3A_627 : i32
        %add3A_629 = arith.constant 0 : i32
        %add3A_630 = arith.addi %mul3A_628, %add3A_629 : i32
        %dma_start3A_631 = arith.constant 0 : i32
        %dma_start3A_632 = arith.constant 0 : i32
        %dma_start3A_633 = tpu.memref_slice %arg8[%dma_start3A_631, %dma_start3A_632] : memref<256x64xf32, #tpu.memory_space<vmem>> -> memref<128x64xf32, #tpu.memory_space<vmem>>
        %dma_start3A_634 = arith.constant 0 : i32
        %dma_start3A_635 = tpu.memref_slice %arg6[%add3A_630, %dma_start3A_634] : memref<200x128xi32, #tpu.memory_space<vmem>> -> memref<1x128xi32, #tpu.memory_space<vmem>>
        %dma_start3A_636 = tpu.memref_squeeze %dma_start3A_635 : memref<1x128xi32, #tpu.memory_space<vmem>> -> memref<128xi32, #tpu.memory_space<vmem>>
        %dma_start3A_637 = arith.constant 0 : i32
        %dma_start3A_638 = arith.constant 0 : i32
        %dma_start3A_639 = tpu.memref_slice %arg3[%dma_start3A_637, %dma_start3A_638] : memref<100000x64xf32, #tpu.memory_space<hbm>> -> memref<100000x64xf32, #tpu.memory_space<hbm>>
        tpu.enqueue_indirect_dma source(%dma_start3A_639 : memref<100000x64xf32, #tpu.memory_space<hbm>>) target(%dma_start3A_633 : memref<128x64xf32, #tpu.memory_space<vmem>>) offsets(%dma_start3A_636 : memref<128xi32, #tpu.memory_space<vmem>>) semaphore(%arg12 : memref<!tpu.dma_semaphore, #tpu.memory_space<semaphore_mem>>)
        %mul3A_640 = arith.constant 2 : i32
        %mul3A_641 = arith.muli %add3A_626, %mul3A_640 : i32
        %add3A_642 = arith.constant 1 : i32
        %add3A_643 = arith.addi %mul3A_641, %add3A_642 : i32
        %dma_start3A_644 = arith.constant 128 : i32
        %dma_start3A_645 = arith.constant 0 : i32
        %dma_start3A_646 = tpu.memref_slice %arg8[%dma_start3A_644, %dma_start3A_645] : memref<256x64xf32, #tpu.memory_space<vmem>> -> memref<128x64xf32, #tpu.memory_space<vmem>>
        %dma_start3A_647 = arith.constant 0 : i32
        %dma_start3A_648 = tpu.memref_slice %arg6[%add3A_643, %dma_start3A_647] : memref<200x128xi32, #tpu.memory_space<vmem>> -> memref<1x128xi32, #tpu.memory_space<vmem>>
        %dma_start3A_649 = tpu.memref_squeeze %dma_start3A_648 : memref<1x128xi32, #tpu.memory_space<vmem>> -> memref<128xi32, #tpu.memory_space<vmem>>
        %dma_start3A_650 = arith.constant 0 : i32
        %dma_start3A_651 = arith.constant 0 : i32
        %dma_start3A_652 = tpu.memref_slice %arg3[%dma_start3A_650, %dma_start3A_651] : memref<100000x64xf32, #tpu.memory_space<hbm>> -> memref<100000x64xf32, #tpu.memory_space<hbm>>
        tpu.enqueue_indirect_dma source(%dma_start3A_652 : memref<100000x64xf32, #tpu.memory_space<hbm>>) target(%dma_start3A_646 : memref<128x64xf32, #tpu.memory_space<vmem>>) offsets(%dma_start3A_649 : memref<128xi32, #tpu.memory_space<vmem>>) semaphore(%arg12 : memref<!tpu.dma_semaphore, #tpu.memory_space<semaphore_mem>>)
      } else {
      }
      %mul3A_351 = arith.constant 2 : i32
      %mul3A_352 = arith.muli %add3A_343, %mul3A_351 : i32
      %add3A_353 = arith.constant 0 : i32
      %add3A_354 = arith.addi %mul3A_352, %add3A_353 : i32
      %dma_wait3A_355 = arith.constant 0 : i32
      %dma_wait3A_356 = arith.constant 0 : i32
      %dma_wait3A_357 = tpu.memref_slice %arg9[%dma_wait3A_355, %dma_wait3A_356] : memref<256x64xf32, #tpu.memory_space<vmem>> -> memref<128x64xf32, #tpu.memory_space<vmem>>
      %dma_wait3A_358 = arith.constant 0 : i32
      %dma_wait3A_359 = tpu.memref_slice %arg6[%add3A_354, %dma_wait3A_358] : memref<200x128xi32, #tpu.memory_space<vmem>> -> memref<1x128xi32, #tpu.memory_space<vmem>>
      %dma_wait3A_360 = tpu.memref_squeeze %dma_wait3A_359 : memref<1x128xi32, #tpu.memory_space<vmem>> -> memref<128xi32, #tpu.memory_space<vmem>>
      %dma_wait3A_361 = arith.constant 0 : i32
      %dma_wait3A_362 = arith.constant 0 : i32
      %dma_wait3A_363 = tpu.memref_slice %arg3[%dma_wait3A_361, %dma_wait3A_362] : memref<100000x64xf32, #tpu.memory_space<hbm>> -> memref<100000x64xf32, #tpu.memory_space<hbm>>
      tpu.wait_indirect_dma semaphore(%arg13 : memref<!tpu.dma_semaphore, #tpu.memory_space<semaphore_mem>>) src(%dma_wait3A_363 : memref<100000x64xf32, #tpu.memory_space<hbm>>) dst(%dma_wait3A_357 : memref<128x64xf32, #tpu.memory_space<vmem>>)
      %mul3A_364 = arith.constant 2 : i32
      %mul3A_365 = arith.muli %add3A_343, %mul3A_364 : i32
      %add3A_366 = arith.constant 1 : i32
      %add3A_367 = arith.addi %mul3A_365, %add3A_366 : i32
      %dma_wait3A_368 = arith.constant 128 : i32
      %dma_wait3A_369 = arith.constant 0 : i32
      %dma_wait3A_370 = tpu.memref_slice %arg9[%dma_wait3A_368, %dma_wait3A_369] : memref<256x64xf32, #tpu.memory_space<vmem>> -> memref<128x64xf32, #tpu.memory_space<vmem>>
      %dma_wait3A_371 = arith.constant 0 : i32
      %dma_wait3A_372 = tpu.memref_slice %arg6[%add3A_367, %dma_wait3A_371] : memref<200x128xi32, #tpu.memory_space<vmem>> -> memref<1x128xi32, #tpu.memory_space<vmem>>
      %dma_wait3A_373 = tpu.memref_squeeze %dma_wait3A_372 : memref<1x128xi32, #tpu.memory_space<vmem>> -> memref<128xi32, #tpu.memory_space<vmem>>
      %dma_wait3A_374 = arith.constant 0 : i32
      %dma_wait3A_375 = arith.constant 0 : i32
      %dma_wait3A_376 = tpu.memref_slice %arg3[%dma_wait3A_374, %dma_wait3A_375] : memref<100000x64xf32, #tpu.memory_space<hbm>> -> memref<100000x64xf32, #tpu.memory_space<hbm>>
      tpu.wait_indirect_dma semaphore(%arg13 : memref<!tpu.dma_semaphore, #tpu.memory_space<semaphore_mem>>) src(%dma_wait3A_376 : memref<100000x64xf32, #tpu.memory_space<hbm>>) dst(%dma_wait3A_370 : memref<128x64xf32, #tpu.memory_space<vmem>>)
      %ge3A_377 = arith.constant 2 : i32
      %ge3A_378 = arith.cmpi sge, %add3A_343, %ge3A_377 : i32
      %convert_element_type3A_379 = arith.extui %ge3A_378 : i1 to i32
      %cond3A_380 = arith.constant 0 : i32
      %cond3A_381 = arith.cmpi ne, %convert_element_type3A_379, %cond3A_380 : i32
      scf.if %cond3A_381 {
        %sub3A_625 = arith.constant 2 : i32
        %sub3A_626 = arith.subi %add3A_343, %sub3A_625 : i32
        %mul3A_627 = arith.constant 2 : i32
        %mul3A_628 = arith.muli %sub3A_626, %mul3A_627 : i32
        %dma_wait3A_629 = arith.constant 0 : i32
        %dma_wait3A_630 = arith.constant 0 : i32
        %dma_wait3A_631 = arith.constant 0 : i32
        %dma_wait3A_632 = arith.constant 0 : i32
        %dma_wait3A_633 = tpu.memref_slice %arg11[%dma_wait3A_629, %dma_wait3A_630, %dma_wait3A_631, %dma_wait3A_632] : memref<2x8x8x129xf32, #tpu.memory_space<vmem>> -> memref<2x8x8x128xf32, #tpu.memory_space<vmem>>
        %dma_wait3A_634 = arith.constant 0 : i32
        %dma_wait3A_635 = arith.constant 0 : i32
        %dma_wait3A_636 = arith.constant 0 : i32
        %dma_wait3A_637 = tpu.memref_slice %arg5[%mul3A_628, %dma_wait3A_634, %add3A, %dma_wait3A_635, %dma_wait3A_636] : memref<200x8x32x8x128xf32, #tpu.memory_space<hbm>> -> memref<2x8x1x8x128xf32, #tpu.memory_space<hbm>>
        %dma_wait3A_638 = tpu.memref_squeeze %dma_wait3A_637 : memref<2x8x1x8x128xf32, #tpu.memory_space<hbm>> -> memref<2x8x8x128xf32, #tpu.memory_space<hbm>>
        %dma_wait3A_639 = arith.constant 0 : i32
        %dma_wait3A_640 = arith.constant 0 : i32
        %dma_wait3A_641 = arith.constant 0 : i32
        %dma_wait3A_642 = tpu.memref_slice %arg5[%mul3A_628, %dma_wait3A_639, %add3A, %dma_wait3A_640, %dma_wait3A_641] : memref<200x8x32x8x128xf32, #tpu.memory_space<hbm>> -> memref<2x8x1x8x128xf32, #tpu.memory_space<hbm>>
        %dma_wait3A_643 = tpu.memref_squeeze %dma_wait3A_642 : memref<2x8x1x8x128xf32, #tpu.memory_space<hbm>> -> memref<2x8x8x128xf32, #tpu.memory_space<hbm>>
        %dma_wait3A_644 = arith.constant 0 : i32
        %dma_wait3A_645 = arith.constant 0 : i32
        %dma_wait3A_646 = arith.constant 0 : i32
        %dma_wait3A_647 = arith.constant 0 : i32
        %dma_wait3A_648 = tpu.memref_slice %arg11[%dma_wait3A_644, %dma_wait3A_645, %dma_wait3A_646, %dma_wait3A_647] : memref<2x8x8x129xf32, #tpu.memory_space<vmem>> -> memref<2x8x8x128xf32, #tpu.memory_space<vmem>>
        tpu.wait_dma2 semaphore(%arg15 : memref<!tpu.dma_semaphore, #tpu.memory_space<semaphore_mem>>) src(%dma_wait3A_648 : memref<2x8x8x128xf32, #tpu.memory_space<vmem>>) dst(%dma_wait3A_643 : memref<2x8x8x128xf32, #tpu.memory_space<hbm>>)
      } else {
      }
      %iota3A_382 = tpu.iota {dimensions = array<i32: 0>} : vector<16xi32>
      %jit3A_383 = arith.constant 8 : i32
      %eq3A_384 = arith.constant 0 : i32
      %eq3A_385 = arith.cmpi eq, %jit3A_383, %eq3A_384 : i32
      %jit3A_386 = arith.constant 1 : i32
      %select_n3A_387 = arith.select %eq3A_385, %jit3A_386, %jit3A_383 : i32
      %rem3A_388 = vector.broadcast %select_n3A_387 : i32 to vector<16xi32>
      %rem3A_389 = arith.remsi %iota3A_382, %rem3A_388 : vector<16xi32>
      %ne3A_390 = arith.constant 0 : i32
      %ne3A_391 = vector.broadcast %ne3A_390 : i32 to vector<16xi32>
      %ne3A_392 = arith.cmpi ne, %rem3A_389, %ne3A_391 : vector<16xi32>
      %lt3A_393 = arith.constant 0 : i32
      %lt3A_394 = vector.broadcast %lt3A_393 : i32 to vector<16xi32>
      %lt3A_395 = arith.cmpi slt, %rem3A_389, %lt3A_394 : vector<16xi32>
      %lt3A_396 = arith.constant 0 : i32
      %lt3A_397 = arith.cmpi slt, %select_n3A_387, %lt3A_396 : i32
      %ne3A_398 = vector.broadcast %lt3A_397 : i1 to vector<16xi1>
      %ne3A_399 = vector.broadcast %ne3A_398 : vector<16xi1> to vector<16xi1>
      %ne3A_400 = arith.xori %lt3A_395, %ne3A_399 : vector<16xi1>
      %and3A_401 = arith.andi %ne3A_400, %ne3A_392 : vector<16xi1>
      %add3A_402 = vector.broadcast %select_n3A_387 : i32 to vector<16xi32>
      %add3A_403 = arith.addi %rem3A_389, %add3A_402 : vector<16xi32>
      %select_n3A_404 = arith.select %and3A_401, %add3A_403, %rem3A_389 : vector<16xi1>, vector<16xi32>
      %jit3A_405 = arith.constant 8 : i32
      %div3A_406 = vector.broadcast %jit3A_405 : i32 to vector<16xi32>
      %div3A_407 = arith.divsi %iota3A_382, %div3A_406 : vector<16xi32>
      %sign3A_408 = arith.constant 0 : i32
      %sign3A_409 = vector.broadcast %sign3A_408 : i32 to vector<16xi32>
      %sign3A_410 = arith.cmpi sgt, %iota3A_382, %sign3A_409 : vector<16xi32>
      %sign3A_411 = arith.extui %sign3A_410 : vector<16xi1> to vector<16xi32>
      %sign3A_412 = arith.constant 0 : i32
      %sign3A_413 = vector.broadcast %sign3A_412 : i32 to vector<16xi32>
      %sign3A_414 = arith.cmpi slt, %iota3A_382, %sign3A_413 : vector<16xi32>
      %sign3A_415 = arith.extui %sign3A_414 : vector<16xi1> to vector<16xi32>
      %sign3A_416 = arith.subi %sign3A_411, %sign3A_415 : vector<16xi32>
      %sign3A_417 = arith.constant 0 : i32
      %sign3A_418 = arith.cmpi sgt, %jit3A_405, %sign3A_417 : i32
      %sign3A_419 = arith.extui %sign3A_418 : i1 to i32
      %sign3A_420 = arith.constant 0 : i32
      %sign3A_421 = arith.cmpi slt, %jit3A_405, %sign3A_420 : i32
      %sign3A_422 = arith.extui %sign3A_421 : i1 to i32
      %sign3A_423 = arith.subi %sign3A_419, %sign3A_422 : i32
      %ne3A_424 = vector.broadcast %sign3A_423 : i32 to vector<16xi32>
      %ne3A_425 = arith.cmpi ne, %sign3A_416, %ne3A_424 : vector<16xi32>
      %rem3A_426 = vector.broadcast %jit3A_405 : i32 to vector<16xi32>
      %rem3A_427 = arith.remsi %iota3A_382, %rem3A_426 : vector<16xi32>
      %ne3A_428 = arith.constant 0 : i32
      %ne3A_429 = vector.broadcast %ne3A_428 : i32 to vector<16xi32>
      %ne3A_430 = arith.cmpi ne, %rem3A_427, %ne3A_429 : vector<16xi32>
      %and3A_431 = arith.andi %ne3A_425, %ne3A_430 : vector<16xi1>
      %sub3A_432 = arith.constant 1 : i32
      %sub3A_433 = vector.broadcast %sub3A_432 : i32 to vector<16xi32>
      %sub3A_434 = arith.subi %div3A_407, %sub3A_433 : vector<16xi32>
      %select_n3A_435 = arith.select %and3A_431, %sub3A_434, %div3A_407 : vector<16xi1>, vector<16xi32>
      %add3A_436 = arith.constant 0 : i32
      %add3A_437 = vector.broadcast %add3A_436 : i32 to vector<16xi32>
      %add3A_438 = arith.addi %add3A_437, %select_n3A_435 : vector<16xi32>
      %jit3A_439 = arith.constant 8 : i32
      %div3A_440 = vector.broadcast %jit3A_439 : i32 to vector<16xi32>
      %div3A_441 = arith.divsi %iota3A_382, %div3A_440 : vector<16xi32>
      %sign3A_442 = arith.constant 0 : i32
      %sign3A_443 = vector.broadcast %sign3A_442 : i32 to vector<16xi32>
      %sign3A_444 = arith.cmpi sgt, %iota3A_382, %sign3A_443 : vector<16xi32>
      %sign3A_445 = arith.extui %sign3A_444 : vector<16xi1> to vector<16xi32>
      %sign3A_446 = arith.constant 0 : i32
      %sign3A_447 = vector.broadcast %sign3A_446 : i32 to vector<16xi32>
      %sign3A_448 = arith.cmpi slt, %iota3A_382, %sign3A_447 : vector<16xi32>
      %sign3A_449 = arith.extui %sign3A_448 : vector<16xi1> to vector<16xi32>
      %sign3A_450 = arith.subi %sign3A_445, %sign3A_449 : vector<16xi32>
      %sign3A_451 = arith.constant 0 : i32
      %sign3A_452 = arith.cmpi sgt, %jit3A_439, %sign3A_451 : i32
      %sign3A_453 = arith.extui %sign3A_452 : i1 to i32
      %sign3A_454 = arith.constant 0 : i32
      %sign3A_455 = arith.cmpi slt, %jit3A_439, %sign3A_454 : i32
      %sign3A_456 = arith.extui %sign3A_455 : i1 to i32
      %sign3A_457 = arith.subi %sign3A_453, %sign3A_456 : i32
      %ne3A_458 = vector.broadcast %sign3A_457 : i32 to vector<16xi32>
      %ne3A_459 = arith.cmpi ne, %sign3A_450, %ne3A_458 : vector<16xi32>
      %rem3A_460 = vector.broadcast %jit3A_439 : i32 to vector<16xi32>
      %rem3A_461 = arith.remsi %iota3A_382, %rem3A_460 : vector<16xi32>
      %ne3A_462 = arith.constant 0 : i32
      %ne3A_463 = vector.broadcast %ne3A_462 : i32 to vector<16xi32>
      %ne3A_464 = arith.cmpi ne, %rem3A_461, %ne3A_463 : vector<16xi32>
      %and3A_465 = arith.andi %ne3A_459, %ne3A_464 : vector<16xi1>
      %sub3A_466 = arith.constant 1 : i32
      %sub3A_467 = vector.broadcast %sub3A_466 : i32 to vector<16xi32>
      %sub3A_468 = arith.subi %div3A_441, %sub3A_467 : vector<16xi32>
      %select_n3A_469 = arith.select %and3A_465, %sub3A_468, %div3A_441 : vector<16xi1>, vector<16xi32>
      %add3A_470 = arith.constant 2 : i32
      %add3A_471 = vector.broadcast %add3A_470 : i32 to vector<16xi32>
      %add3A_472 = arith.addi %add3A_471, %select_n3A_469 : vector<16xi32>
      %jit3A_473 = arith.constant 8 : i32
      %div3A_474 = vector.broadcast %jit3A_473 : i32 to vector<16xi32>
      %div3A_475 = arith.divsi %iota3A_382, %div3A_474 : vector<16xi32>
      %sign3A_476 = arith.constant 0 : i32
      %sign3A_477 = vector.broadcast %sign3A_476 : i32 to vector<16xi32>
      %sign3A_478 = arith.cmpi sgt, %iota3A_382, %sign3A_477 : vector<16xi32>
      %sign3A_479 = arith.extui %sign3A_478 : vector<16xi1> to vector<16xi32>
      %sign3A_480 = arith.constant 0 : i32
      %sign3A_481 = vector.broadcast %sign3A_480 : i32 to vector<16xi32>
      %sign3A_482 = arith.cmpi slt, %iota3A_382, %sign3A_481 : vector<16xi32>
      %sign3A_483 = arith.extui %sign3A_482 : vector<16xi1> to vector<16xi32>
      %sign3A_484 = arith.subi %sign3A_479, %sign3A_483 : vector<16xi32>
      %sign3A_485 = arith.constant 0 : i32
      %sign3A_486 = arith.cmpi sgt, %jit3A_473, %sign3A_485 : i32
      %sign3A_487 = arith.extui %sign3A_486 : i1 to i32
      %sign3A_488 = arith.constant 0 : i32
      %sign3A_489 = arith.cmpi slt, %jit3A_473, %sign3A_488 : i32
      %sign3A_490 = arith.extui %sign3A_489 : i1 to i32
      %sign3A_491 = arith.subi %sign3A_487, %sign3A_490 : i32
      %ne3A_492 = vector.broadcast %sign3A_491 : i32 to vector<16xi32>
      %ne3A_493 = arith.cmpi ne, %sign3A_484, %ne3A_492 : vector<16xi32>
      %rem3A_494 = vector.broadcast %jit3A_473 : i32 to vector<16xi32>
      %rem3A_495 = arith.remsi %iota3A_382, %rem3A_494 : vector<16xi32>
      %ne3A_496 = arith.constant 0 : i32
      %ne3A_497 = vector.broadcast %ne3A_496 : i32 to vector<16xi32>
      %ne3A_498 = arith.cmpi ne, %rem3A_495, %ne3A_497 : vector<16xi32>
      %and3A_499 = arith.andi %ne3A_493, %ne3A_498 : vector<16xi1>
      %sub3A_500 = arith.constant 1 : i32
      %sub3A_501 = vector.broadcast %sub3A_500 : i32 to vector<16xi32>
      %sub3A_502 = arith.subi %div3A_475, %sub3A_501 : vector<16xi32>
      %select_n3A_503 = arith.select %and3A_499, %sub3A_502, %div3A_475 : vector<16xi1>, vector<16xi32>
      %add3A_504 = arith.constant 4 : i32
      %add3A_505 = vector.broadcast %add3A_504 : i32 to vector<16xi32>
      %add3A_506 = arith.addi %add3A_505, %select_n3A_503 : vector<16xi32>
      %jit3A_507 = arith.constant 8 : i32
      %div3A_508 = vector.broadcast %jit3A_507 : i32 to vector<16xi32>
      %div3A_509 = arith.divsi %iota3A_382, %div3A_508 : vector<16xi32>
      %sign3A_510 = arith.constant 0 : i32
      %sign3A_511 = vector.broadcast %sign3A_510 : i32 to vector<16xi32>
      %sign3A_512 = arith.cmpi sgt, %iota3A_382, %sign3A_511 : vector<16xi32>
      %sign3A_513 = arith.extui %sign3A_512 : vector<16xi1> to vector<16xi32>
      %sign3A_514 = arith.constant 0 : i32
      %sign3A_515 = vector.broadcast %sign3A_514 : i32 to vector<16xi32>
      %sign3A_516 = arith.cmpi slt, %iota3A_382, %sign3A_515 : vector<16xi32>
      %sign3A_517 = arith.extui %sign3A_516 : vector<16xi1> to vector<16xi32>
      %sign3A_518 = arith.subi %sign3A_513, %sign3A_517 : vector<16xi32>
      %sign3A_519 = arith.constant 0 : i32
      %sign3A_520 = arith.cmpi sgt, %jit3A_507, %sign3A_519 : i32
      %sign3A_521 = arith.extui %sign3A_520 : i1 to i32
      %sign3A_522 = arith.constant 0 : i32
      %sign3A_523 = arith.cmpi slt, %jit3A_507, %sign3A_522 : i32
      %sign3A_524 = arith.extui %sign3A_523 : i1 to i32
      %sign3A_525 = arith.subi %sign3A_521, %sign3A_524 : i32
      %ne3A_526 = vector.broadcast %sign3A_525 : i32 to vector<16xi32>
      %ne3A_527 = arith.cmpi ne, %sign3A_518, %ne3A_526 : vector<16xi32>
      %rem3A_528 = vector.broadcast %jit3A_507 : i32 to vector<16xi32>
      %rem3A_529 = arith.remsi %iota3A_382, %rem3A_528 : vector<16xi32>
      %ne3A_530 = arith.constant 0 : i32
      %ne3A_531 = vector.broadcast %ne3A_530 : i32 to vector<16xi32>
      %ne3A_532 = arith.cmpi ne, %rem3A_529, %ne3A_531 : vector<16xi32>
      %and3A_533 = arith.andi %ne3A_527, %ne3A_532 : vector<16xi1>
      %sub3A_534 = arith.constant 1 : i32
      %sub3A_535 = vector.broadcast %sub3A_534 : i32 to vector<16xi32>
      %sub3A_536 = arith.subi %div3A_509, %sub3A_535 : vector<16xi32>
      %select_n3A_537 = arith.select %and3A_533, %sub3A_536, %div3A_509 : vector<16xi1>, vector<16xi32>
      %add3A_538 = arith.constant 6 : i32
      %add3A_539 = vector.broadcast %add3A_538 : i32 to vector<16xi32>
      %add3A_540 = arith.addi %add3A_539, %select_n3A_537 : vector<16xi32>
      %mul3A_541 = arith.constant 2 : i32
      %mul3A_542 = arith.muli %add3A_343, %mul3A_541 : i32
      %add3A_543 = arith.constant 0 : i32
      %add3A_544 = arith.addi %mul3A_542, %add3A_543 : i32
      %get3A_545 = arith.index_cast %add3A_544 : i32 to index
      %get3A_546 = arith.constant 0 : index
      %get3A_547 = tpu.vector_load %arg7[%get3A_545, %get3A_546] {strides = array<i32>} : memref<200x64xf32, #tpu.memory_space<vmem>>, vector<16xf32>,
      %mul3A_548 = arith.constant 2 : i32
      %mul3A_549 = arith.muli %add3A_343, %mul3A_548 : i32
      %add3A_550 = arith.constant 0 : i32
      %add3A_551 = arith.addi %mul3A_549, %add3A_550 : i32
      %get3A_552 = arith.index_cast %add3A_551 : i32 to index
      %get3A_553 = arith.constant 16 : index
      %get3A_554 = tpu.vector_load %arg7[%get3A_552, %get3A_553] {strides = array<i32>} : memref<200x64xf32, #tpu.memory_space<vmem>>, vector<16xf32>,
      %mul3A_555 = arith.constant 2 : i32
      %mul3A_556 = arith.muli %add3A_343, %mul3A_555 : i32
      %add3A_557 = arith.constant 0 : i32
      %add3A_558 = arith.addi %mul3A_556, %add3A_557 : i32
      %get3A_559 = arith.index_cast %add3A_558 : i32 to index
      %get3A_560 = arith.constant 32 : index
      %get3A_561 = tpu.vector_load %arg7[%get3A_559, %get3A_560] {strides = array<i32>} : memref<200x64xf32, #tpu.memory_space<vmem>>, vector<16xf32>,
      %mul3A_562 = arith.constant 2 : i32
      %mul3A_563 = arith.muli %add3A_343, %mul3A_562 : i32
      %add3A_564 = arith.constant 0 : i32
      %add3A_565 = arith.addi %mul3A_563, %add3A_564 : i32
      %get3A_566 = arith.index_cast %add3A_565 : i32 to index
      %get3A_567 = arith.constant 48 : index
      %get3A_568 = tpu.vector_load %arg7[%get3A_566, %get3A_567] {strides = array<i32>} : memref<200x64xf32, #tpu.memory_space<vmem>>, vector<16xf32>,
      %parallel_loop3A_569 = arith.constant 0 : i32
      %parallel_loop3A_570 = arith.constant 128 : i32
      %parallel_loop3A_571 = arith.constant 1 : i32
      scf.for %parallel_loop3A_625 = %parallel_loop3A_569 to %parallel_loop3A_570 step %parallel_loop3A_571  : i32 {
        %parallel_loop3A_626 = arith.constant 0 : i32
        %parallel_loop3A_627 = vector.broadcast %parallel_loop3A_626 : i32 to vector<16xi32>
        %parallel_loop3A_628 = arith.muli %iota3A_382, %parallel_loop3A_627 : vector<16xi32>
        %parallel_loop3A_629 = vector.broadcast %parallel_loop3A_625 : i32 to vector<16xi32>
        %parallel_loop3A_630 = arith.addi %parallel_loop3A_628, %parallel_loop3A_629 : vector<16xi32>
        %parallel_loop3A_631 = arith.constant 0 : i32
        %parallel_loop3A_632 = arith.addi %parallel_loop3A_631, %parallel_loop3A_625 : i32
        %parallel_loop3A_633 = arith.index_cast %parallel_loop3A_632 : i32 to index
        %parallel_loop3A_634 = arith.constant 0 : index
        %parallel_loop3A_635 = tpu.vector_load %arg9[%parallel_loop3A_633, %parallel_loop3A_634] {strides = array<i32>} : memref<256x64xf32, #tpu.memory_space<vmem>>, vector<16xf32>,
        %parallel_loop3A_636 = arith.addf %parallel_loop3A_635, %get3A_547 : vector<16xf32>
        %parallel_loop3A_637 = arith.constant 0 : i32
        %parallel_loop3A_638 = arith.constant 0 : i32
        %parallel_loop3A_639 = arith.constant 0 : i32
        %parallel_loop3A_640 = arith.constant 0 : i32
        %parallel_loop3A_641 = tpu.memref_slice %arg11[%parallel_loop3A_637, %parallel_loop3A_638, %parallel_loop3A_639, %parallel_loop3A_640] : memref<2x8x8x129xf32, #tpu.memory_space<vmem>> -> memref<1x8x8x129xf32, #tpu.memory_space<vmem>>
        %parallel_loop3A_642 = tpu.memref_squeeze %parallel_loop3A_641 : memref<1x8x8x129xf32, #tpu.memory_space<vmem>> -> memref<8x8x129xf32, #tpu.memory_space<vmem>>
        tpu.vector_store_idx %parallel_loop3A_642[%add3A_438, %select_n3A_404, %parallel_loop3A_630], %parallel_loop3A_636 : memref<8x8x129xf32, #tpu.memory_space<vmem>>[vector<16xi32>, vector<16xi32>, vector<16xi32>], vector<16xf32>,
        %parallel_loop3A_643 = arith.constant 0 : i32
        %parallel_loop3A_644 = arith.addi %parallel_loop3A_643, %parallel_loop3A_625 : i32
        %parallel_loop3A_645 = arith.index_cast %parallel_loop3A_644 : i32 to index
        %parallel_loop3A_646 = arith.constant 16 : index
        %parallel_loop3A_647 = tpu.vector_load %arg9[%parallel_loop3A_645, %parallel_loop3A_646] {strides = array<i32>} : memref<256x64xf32, #tpu.memory_space<vmem>>, vector<16xf32>,
        %parallel_loop3A_648 = arith.addf %parallel_loop3A_647, %get3A_554 : vector<16xf32>
        %parallel_loop3A_649 = arith.constant 0 : i32
        %parallel_loop3A_650 = arith.constant 0 : i32
        %parallel_loop3A_651 = arith.constant 0 : i32
        %parallel_loop3A_652 = arith.constant 0 : i32
        %parallel_loop3A_653 = tpu.memref_slice %arg11[%parallel_loop3A_649, %parallel_loop3A_650, %parallel_loop3A_651, %parallel_loop3A_652] : memref<2x8x8x129xf32, #tpu.memory_space<vmem>> -> memref<1x8x8x129xf32, #tpu.memory_space<vmem>>
        %parallel_loop3A_654 = tpu.memref_squeeze %parallel_loop3A_653 : memref<1x8x8x129xf32, #tpu.memory_space<vmem>> -> memref<8x8x129xf32, #tpu.memory_space<vmem>>
        tpu.vector_store_idx %parallel_loop3A_654[%add3A_472, %select_n3A_404, %parallel_loop3A_630], %parallel_loop3A_648 : memref<8x8x129xf32, #tpu.memory_space<vmem>>[vector<16xi32>, vector<16xi32>, vector<16xi32>], vector<16xf32>,
        %parallel_loop3A_655 = arith.constant 0 : i32
        %parallel_loop3A_656 = arith.addi %parallel_loop3A_655, %parallel_loop3A_625 : i32
        %parallel_loop3A_657 = arith.index_cast %parallel_loop3A_656 : i32 to index
        %parallel_loop3A_658 = arith.constant 32 : index
        %parallel_loop3A_659 = tpu.vector_load %arg9[%parallel_loop3A_657, %parallel_loop3A_658] {strides = array<i32>} : memref<256x64xf32, #tpu.memory_space<vmem>>, vector<16xf32>,
        %parallel_loop3A_660 = arith.addf %parallel_loop3A_659, %get3A_561 : vector<16xf32>
        %parallel_loop3A_661 = arith.constant 0 : i32
        %parallel_loop3A_662 = arith.constant 0 : i32
        %parallel_loop3A_663 = arith.constant 0 : i32
        %parallel_loop3A_664 = arith.constant 0 : i32
        %parallel_loop3A_665 = tpu.memref_slice %arg11[%parallel_loop3A_661, %parallel_loop3A_662, %parallel_loop3A_663, %parallel_loop3A_664] : memref<2x8x8x129xf32, #tpu.memory_space<vmem>> -> memref<1x8x8x129xf32, #tpu.memory_space<vmem>>
        %parallel_loop3A_666 = tpu.memref_squeeze %parallel_loop3A_665 : memref<1x8x8x129xf32, #tpu.memory_space<vmem>> -> memref<8x8x129xf32, #tpu.memory_space<vmem>>
        tpu.vector_store_idx %parallel_loop3A_666[%add3A_506, %select_n3A_404, %parallel_loop3A_630], %parallel_loop3A_660 : memref<8x8x129xf32, #tpu.memory_space<vmem>>[vector<16xi32>, vector<16xi32>, vector<16xi32>], vector<16xf32>,
        %parallel_loop3A_667 = arith.constant 0 : i32
        %parallel_loop3A_668 = arith.addi %parallel_loop3A_667, %parallel_loop3A_625 : i32
        %parallel_loop3A_669 = arith.index_cast %parallel_loop3A_668 : i32 to index
        %parallel_loop3A_670 = arith.constant 48 : index
        %parallel_loop3A_671 = tpu.vector_load %arg9[%parallel_loop3A_669, %parallel_loop3A_670] {strides = array<i32>} : memref<256x64xf32, #tpu.memory_space<vmem>>, vector<16xf32>,
        %parallel_loop3A_672 = arith.addf %parallel_loop3A_671, %get3A_568 : vector<16xf32>
        %parallel_loop3A_673 = arith.constant 0 : i32
        %parallel_loop3A_674 = arith.constant 0 : i32
        %parallel_loop3A_675 = arith.constant 0 : i32
        %parallel_loop3A_676 = arith.constant 0 : i32
        %parallel_loop3A_677 = tpu.memref_slice %arg11[%parallel_loop3A_673, %parallel_loop3A_674, %parallel_loop3A_675, %parallel_loop3A_676] : memref<2x8x8x129xf32, #tpu.memory_space<vmem>> -> memref<1x8x8x129xf32, #tpu.memory_space<vmem>>
        %parallel_loop3A_678 = tpu.memref_squeeze %parallel_loop3A_677 : memref<1x8x8x129xf32, #tpu.memory_space<vmem>> -> memref<8x8x129xf32, #tpu.memory_space<vmem>>
        tpu.vector_store_idx %parallel_loop3A_678[%add3A_540, %select_n3A_404, %parallel_loop3A_630], %parallel_loop3A_672 : memref<8x8x129xf32, #tpu.memory_space<vmem>>[vector<16xi32>, vector<16xi32>, vector<16xi32>], vector<16xf32>,
      } {sc.loop_unroll_factor = 16 : i64, sc.parallel_access}
      %mul3A_572 = arith.constant 2 : i32
      %mul3A_573 = arith.muli %add3A_343, %mul3A_572 : i32
      %add3A_574 = arith.constant 1 : i32
      %add3A_575 = arith.addi %mul3A_573, %add3A_574 : i32
      %get3A_576 = arith.index_cast %add3A_575 : i32 to index
      %get3A_577 = arith.constant 0 : index
      %get3A_578 = tpu.vector_load %arg7[%get3A_576, %get3A_577] {strides = array<i32>} : memref<200x64xf32, #tpu.memory_space<vmem>>, vector<16xf32>,
      %mul3A_579 = arith.constant 2 : i32
      %mul3A_580 = arith.muli %add3A_343, %mul3A_579 : i32
      %add3A_581 = arith.constant 1 : i32
      %add3A_582 = arith.addi %mul3A_580, %add3A_581 : i32
      %get3A_583 = arith.index_cast %add3A_582 : i32 to index
      %get3A_584 = arith.constant 16 : index
      %get3A_585 = tpu.vector_load %arg7[%get3A_583, %get3A_584] {strides = array<i32>} : memref<200x64xf32, #tpu.memory_space<vmem>>, vector<16xf32>,
      %mul3A_586 = arith.constant 2 : i32
      %mul3A_587 = arith.muli %add3A_343, %mul3A_586 : i32
      %add3A_588 = arith.constant 1 : i32
      %add3A_589 = arith.addi %mul3A_587, %add3A_588 : i32
      %get3A_590 = arith.index_cast %add3A_589 : i32 to index
      %get3A_591 = arith.constant 32 : index
      %get3A_592 = tpu.vector_load %arg7[%get3A_590, %get3A_591] {strides = array<i32>} : memref<200x64xf32, #tpu.memory_space<vmem>>, vector<16xf32>,
      %mul3A_593 = arith.constant 2 : i32
      %mul3A_594 = arith.muli %add3A_343, %mul3A_593 : i32
      %add3A_595 = arith.constant 1 : i32
      %add3A_596 = arith.addi %mul3A_594, %add3A_595 : i32
      %get3A_597 = arith.index_cast %add3A_596 : i32 to index
      %get3A_598 = arith.constant 48 : index
      %get3A_599 = tpu.vector_load %arg7[%get3A_597, %get3A_598] {strides = array<i32>} : memref<200x64xf32, #tpu.memory_space<vmem>>, vector<16xf32>,
      %parallel_loop3A_600 = arith.constant 0 : i32
      %parallel_loop3A_601 = arith.constant 128 : i32
      %parallel_loop3A_602 = arith.constant 1 : i32
      scf.for %parallel_loop3A_625 = %parallel_loop3A_600 to %parallel_loop3A_601 step %parallel_loop3A_602  : i32 {
        %parallel_loop3A_626 = arith.constant 0 : i32
        %parallel_loop3A_627 = vector.broadcast %parallel_loop3A_626 : i32 to vector<16xi32>
        %parallel_loop3A_628 = arith.muli %iota3A_382, %parallel_loop3A_627 : vector<16xi32>
        %parallel_loop3A_629 = vector.broadcast %parallel_loop3A_625 : i32 to vector<16xi32>
        %parallel_loop3A_630 = arith.addi %parallel_loop3A_628, %parallel_loop3A_629 : vector<16xi32>
        %parallel_loop3A_631 = arith.constant 128 : i32
        %parallel_loop3A_632 = arith.addi %parallel_loop3A_631, %parallel_loop3A_625 : i32
        %parallel_loop3A_633 = arith.index_cast %parallel_loop3A_632 : i32 to index
        %parallel_loop3A_634 = arith.constant 0 : index
        %parallel_loop3A_635 = tpu.vector_load %arg9[%parallel_loop3A_633, %parallel_loop3A_634] {strides = array<i32>} : memref<256x64xf32, #tpu.memory_space<vmem>>, vector<16xf32>,
        %parallel_loop3A_636 = arith.addf %parallel_loop3A_635, %get3A_578 : vector<16xf32>
        %parallel_loop3A_637 = arith.constant 1 : i32
        %parallel_loop3A_638 = arith.constant 0 : i32
        %parallel_loop3A_639 = arith.constant 0 : i32
        %parallel_loop3A_640 = arith.constant 0 : i32
        %parallel_loop3A_641 = tpu.memref_slice %arg11[%parallel_loop3A_637, %parallel_loop3A_638, %parallel_loop3A_639, %parallel_loop3A_640] : memref<2x8x8x129xf32, #tpu.memory_space<vmem>> -> memref<1x8x8x129xf32, #tpu.memory_space<vmem>>
        %parallel_loop3A_642 = tpu.memref_squeeze %parallel_loop3A_641 : memref<1x8x8x129xf32, #tpu.memory_space<vmem>> -> memref<8x8x129xf32, #tpu.memory_space<vmem>>
        tpu.vector_store_idx %parallel_loop3A_642[%add3A_438, %select_n3A_404, %parallel_loop3A_630], %parallel_loop3A_636 : memref<8x8x129xf32, #tpu.memory_space<vmem>>[vector<16xi32>, vector<16xi32>, vector<16xi32>], vector<16xf32>,
        %parallel_loop3A_643 = arith.constant 128 : i32
        %parallel_loop3A_644 = arith.addi %parallel_loop3A_643, %parallel_loop3A_625 : i32
        %parallel_loop3A_645 = arith.index_cast %parallel_loop3A_644 : i32 to index
        %parallel_loop3A_646 = arith.constant 16 : index
        %parallel_loop3A_647 = tpu.vector_load %arg9[%parallel_loop3A_645, %parallel_loop3A_646] {strides = array<i32>} : memref<256x64xf32, #tpu.memory_space<vmem>>, vector<16xf32>,
        %parallel_loop3A_648 = arith.addf %parallel_loop3A_647, %get3A_585 : vector<16xf32>
        %parallel_loop3A_649 = arith.constant 1 : i32
        %parallel_loop3A_650 = arith.constant 0 : i32
        %parallel_loop3A_651 = arith.constant 0 : i32
        %parallel_loop3A_652 = arith.constant 0 : i32
        %parallel_loop3A_653 = tpu.memref_slice %arg11[%parallel_loop3A_649, %parallel_loop3A_650, %parallel_loop3A_651, %parallel_loop3A_652] : memref<2x8x8x129xf32, #tpu.memory_space<vmem>> -> memref<1x8x8x129xf32, #tpu.memory_space<vmem>>
        %parallel_loop3A_654 = tpu.memref_squeeze %parallel_loop3A_653 : memref<1x8x8x129xf32, #tpu.memory_space<vmem>> -> memref<8x8x129xf32, #tpu.memory_space<vmem>>
        tpu.vector_store_idx %parallel_loop3A_654[%add3A_472, %select_n3A_404, %parallel_loop3A_630], %parallel_loop3A_648 : memref<8x8x129xf32, #tpu.memory_space<vmem>>[vector<16xi32>, vector<16xi32>, vector<16xi32>], vector<16xf32>,
        %parallel_loop3A_655 = arith.constant 128 : i32
        %parallel_loop3A_656 = arith.addi %parallel_loop3A_655, %parallel_loop3A_625 : i32
        %parallel_loop3A_657 = arith.index_cast %parallel_loop3A_656 : i32 to index
        %parallel_loop3A_658 = arith.constant 32 : index
        %parallel_loop3A_659 = tpu.vector_load %arg9[%parallel_loop3A_657, %parallel_loop3A_658] {strides = array<i32>} : memref<256x64xf32, #tpu.memory_space<vmem>>, vector<16xf32>,
        %parallel_loop3A_660 = arith.addf %parallel_loop3A_659, %get3A_592 : vector<16xf32>
        %parallel_loop3A_661 = arith.constant 1 : i32
        %parallel_loop3A_662 = arith.constant 0 : i32
        %parallel_loop3A_663 = arith.constant 0 : i32
        %parallel_loop3A_664 = arith.constant 0 : i32
        %parallel_loop3A_665 = tpu.memref_slice %arg11[%parallel_loop3A_661, %parallel_loop3A_662, %parallel_loop3A_663, %parallel_loop3A_664] : memref<2x8x8x129xf32, #tpu.memory_space<vmem>> -> memref<1x8x8x129xf32, #tpu.memory_space<vmem>>
        %parallel_loop3A_666 = tpu.memref_squeeze %parallel_loop3A_665 : memref<1x8x8x129xf32, #tpu.memory_space<vmem>> -> memref<8x8x129xf32, #tpu.memory_space<vmem>>
        tpu.vector_store_idx %parallel_loop3A_666[%add3A_506, %select_n3A_404, %parallel_loop3A_630], %parallel_loop3A_660 : memref<8x8x129xf32, #tpu.memory_space<vmem>>[vector<16xi32>, vector<16xi32>, vector<16xi32>], vector<16xf32>,
        %parallel_loop3A_667 = arith.constant 128 : i32
        %parallel_loop3A_668 = arith.addi %parallel_loop3A_667, %parallel_loop3A_625 : i32
        %parallel_loop3A_669 = arith.index_cast %parallel_loop3A_668 : i32 to index
        %parallel_loop3A_670 = arith.constant 48 : index
        %parallel_loop3A_671 = tpu.vector_load %arg9[%parallel_loop3A_669, %parallel_loop3A_670] {strides = array<i32>} : memref<256x64xf32, #tpu.memory_space<vmem>>, vector<16xf32>,
        %parallel_loop3A_672 = arith.addf %parallel_loop3A_671, %get3A_599 : vector<16xf32>
        %parallel_loop3A_673 = arith.constant 1 : i32
        %parallel_loop3A_674 = arith.constant 0 : i32
        %parallel_loop3A_675 = arith.constant 0 : i32
        %parallel_loop3A_676 = arith.constant 0 : i32
        %parallel_loop3A_677 = tpu.memref_slice %arg11[%parallel_loop3A_673, %parallel_loop3A_674, %parallel_loop3A_675, %parallel_loop3A_676] : memref<2x8x8x129xf32, #tpu.memory_space<vmem>> -> memref<1x8x8x129xf32, #tpu.memory_space<vmem>>
        %parallel_loop3A_678 = tpu.memref_squeeze %parallel_loop3A_677 : memref<1x8x8x129xf32, #tpu.memory_space<vmem>> -> memref<8x8x129xf32, #tpu.memory_space<vmem>>
        tpu.vector_store_idx %parallel_loop3A_678[%add3A_540, %select_n3A_404, %parallel_loop3A_630], %parallel_loop3A_672 : memref<8x8x129xf32, #tpu.memory_space<vmem>>[vector<16xi32>, vector<16xi32>, vector<16xi32>], vector<16xf32>,
      } {sc.loop_unroll_factor = 16 : i64, sc.parallel_access}
      %mul3A_603 = arith.constant 2 : i32
      %mul3A_604 = arith.muli %add3A_343, %mul3A_603 : i32
      %dma_start3A_605 = arith.constant 0 : i32
      %dma_start3A_606 = arith.constant 0 : i32
      %dma_start3A_607 = arith.constant 0 : i32
      %dma_start3A_608 = arith.constant 0 : i32
      %dma_start3A_609 = tpu.memref_slice %arg11[%dma_start3A_605, %dma_start3A_606, %dma_start3A_607, %dma_start3A_608] : memref<2x8x8x129xf32, #tpu.memory_space<vmem>> -> memref<2x8x8x128xf32, #tpu.memory_space<vmem>>
      %dma_start3A_610 = arith.constant 0 : i32
      %dma_start3A_611 = arith.constant 0 : i32
      %dma_start3A_612 = arith.constant 0 : i32
      %dma_start3A_613 = tpu.memref_slice %arg5[%mul3A_604, %dma_start3A_610, %add3A, %dma_start3A_611, %dma_start3A_612] : memref<200x8x32x8x128xf32, #tpu.memory_space<hbm>> -> memref<2x8x1x8x128xf32, #tpu.memory_space<hbm>>
      %dma_start3A_614 = tpu.memref_squeeze %dma_start3A_613 : memref<2x8x1x8x128xf32, #tpu.memory_space<hbm>> -> memref<2x8x8x128xf32, #tpu.memory_space<hbm>>
      %dma_start3A_615 = arith.constant 0 : i32
      %dma_start3A_616 = arith.constant 0 : i32
      %dma_start3A_617 = arith.constant 0 : i32
      %dma_start3A_618 = tpu.memref_slice %arg5[%mul3A_604, %dma_start3A_615, %add3A, %dma_start3A_616, %dma_start3A_617] : memref<200x8x32x8x128xf32, #tpu.memory_space<hbm>> -> memref<2x8x1x8x128xf32, #tpu.memory_space<hbm>>
      %dma_start3A_619 = tpu.memref_squeeze %dma_start3A_618 : memref<2x8x1x8x128xf32, #tpu.memory_space<hbm>> -> memref<2x8x8x128xf32, #tpu.memory_space<hbm>>
      %dma_start3A_620 = arith.constant 0 : i32
      %dma_start3A_621 = arith.constant 0 : i32
      %dma_start3A_622 = arith.constant 0 : i32
      %dma_start3A_623 = arith.constant 0 : i32
      %dma_start3A_624 = tpu.memref_slice %arg11[%dma_start3A_620, %dma_start3A_621, %dma_start3A_622, %dma_start3A_623] : memref<2x8x8x129xf32, #tpu.memory_space<vmem>> -> memref<2x8x8x128xf32, #tpu.memory_space<vmem>>
      tpu.enqueue_dma source(%dma_start3A_624 : memref<2x8x8x128xf32, #tpu.memory_space<vmem>>) target(%dma_start3A_619 : memref<2x8x8x128xf32, #tpu.memory_space<hbm>>) target_semaphore(%arg15 : memref<!tpu.dma_semaphore, #tpu.memory_space<semaphore_mem>>)
    }
    %scan3A_26 = arith.constant 50 : i32
    %dma_wait3A = arith.constant 0 : i32
    %dma_wait3A_27 = arith.constant 0 : i32
    %dma_wait3A_28 = arith.constant 0 : i32
    %dma_wait3A_29 = arith.constant 0 : i32
    %dma_wait3A_30 = tpu.memref_slice %arg10[%dma_wait3A, %dma_wait3A_27, %dma_wait3A_28, %dma_wait3A_29] : memref<2x8x8x129xf32, #tpu.memory_space<vmem>> -> memref<2x8x8x128xf32, #tpu.memory_space<vmem>>
    %dma_wait3A_31 = arith.constant 196 : i32
    %dma_wait3A_32 = arith.constant 0 : i32
    %dma_wait3A_33 = arith.constant 0 : i32
    %dma_wait3A_34 = arith.constant 0 : i32
    %dma_wait3A_35 = tpu.memref_slice %arg5[%dma_wait3A_31, %dma_wait3A_32, %add3A, %dma_wait3A_33, %dma_wait3A_34] : memref<200x8x32x8x128xf32, #tpu.memory_space<hbm>> -> memref<2x8x1x8x128xf32, #tpu.memory_space<hbm>>
    %dma_wait3A_36 = tpu.memref_squeeze %dma_wait3A_35 : memref<2x8x1x8x128xf32, #tpu.memory_space<hbm>> -> memref<2x8x8x128xf32, #tpu.memory_space<hbm>>
    %dma_wait3A_37 = arith.constant 196 : i32
    %dma_wait3A_38 = arith.constant 0 : i32
    %dma_wait3A_39 = arith.constant 0 : i32
    %dma_wait3A_40 = arith.constant 0 : i32
    %dma_wait3A_41 = tpu.memref_slice %arg5[%dma_wait3A_37, %dma_wait3A_38, %add3A, %dma_wait3A_39, %dma_wait3A_40] : memref<200x8x32x8x128xf32, #tpu.memory_space<hbm>> -> memref<2x8x1x8x128xf32, #tpu.memory_space<hbm>>
    %dma_wait3A_42 = tpu.memref_squeeze %dma_wait3A_41 : memref<2x8x1x8x128xf32, #tpu.memory_space<hbm>> -> memref<2x8x8x128xf32, #tpu.memory_space<hbm>>
    %dma_wait3A_43 = arith.constant 0 : i32
    %dma_wait3A_44 = arith.constant 0 : i32
    %dma_wait3A_45 = arith.constant 0 : i32
    %dma_wait3A_46 = arith.constant 0 : i32
    %dma_wait3A_47 = tpu.memref_slice %arg10[%dma_wait3A_43, %dma_wait3A_44, %dma_wait3A_45, %dma_wait3A_46] : memref<2x8x8x129xf32, #tpu.memory_space<vmem>> -> memref<2x8x8x128xf32, #tpu.memory_space<vmem>>
    tpu.wait_dma2 semaphore(%arg14 : memref<!tpu.dma_semaphore, #tpu.memory_space<semaphore_mem>>) src(%dma_wait3A_47 : memref<2x8x8x128xf32, #tpu.memory_space<vmem>>) dst(%dma_wait3A_42 : memref<2x8x8x128xf32, #tpu.memory_space<hbm>>)
    %dma_wait3A_48 = arith.constant 0 : i32
    %dma_wait3A_49 = arith.constant 0 : i32
    %dma_wait3A_50 = arith.constant 0 : i32
    %dma_wait3A_51 = arith.constant 0 : i32
    %dma_wait3A_52 = tpu.memref_slice %arg11[%dma_wait3A_48, %dma_wait3A_49, %dma_wait3A_50, %dma_wait3A_51] : memref<2x8x8x129xf32, #tpu.memory_space<vmem>> -> memref<2x8x8x128xf32, #tpu.memory_space<vmem>>
    %dma_wait3A_53 = arith.constant 198 : i32
    %dma_wait3A_54 = arith.constant 0 : i32
    %dma_wait3A_55 = arith.constant 0 : i32
    %dma_wait3A_56 = arith.constant 0 : i32
    %dma_wait3A_57 = tpu.memref_slice %arg5[%dma_wait3A_53, %dma_wait3A_54, %add3A, %dma_wait3A_55, %dma_wait3A_56] : memref<200x8x32x8x128xf32, #tpu.memory_space<hbm>> -> memref<2x8x1x8x128xf32, #tpu.memory_space<hbm>>
    %dma_wait3A_58 = tpu.memref_squeeze %dma_wait3A_57 : memref<2x8x1x8x128xf32, #tpu.memory_space<hbm>> -> memref<2x8x8x128xf32, #tpu.memory_space<hbm>>
    %dma_wait3A_59 = arith.constant 198 : i32
    %dma_wait3A_60 = arith.constant 0 : i32
    %dma_wait3A_61 = arith.constant 0 : i32
    %dma_wait3A_62 = arith.constant 0 : i32
    %dma_wait3A_63 = tpu.memref_slice %arg5[%dma_wait3A_59, %dma_wait3A_60, %add3A, %dma_wait3A_61, %dma_wait3A_62] : memref<200x8x32x8x128xf32, #tpu.memory_space<hbm>> -> memref<2x8x1x8x128xf32, #tpu.memory_space<hbm>>
    %dma_wait3A_64 = tpu.memref_squeeze %dma_wait3A_63 : memref<2x8x1x8x128xf32, #tpu.memory_space<hbm>> -> memref<2x8x8x128xf32, #tpu.memory_space<hbm>>
    %dma_wait3A_65 = arith.constant 0 : i32
    %dma_wait3A_66 = arith.constant 0 : i32
    %dma_wait3A_67 = arith.constant 0 : i32
    %dma_wait3A_68 = arith.constant 0 : i32
    %dma_wait3A_69 = tpu.memref_slice %arg11[%dma_wait3A_65, %dma_wait3A_66, %dma_wait3A_67, %dma_wait3A_68] : memref<2x8x8x129xf32, #tpu.memory_space<vmem>> -> memref<2x8x8x128xf32, #tpu.memory_space<vmem>>
    tpu.wait_dma2 semaphore(%arg15 : memref<!tpu.dma_semaphore, #tpu.memory_space<semaphore_mem>>) src(%dma_wait3A_69 : memref<2x8x8x128xf32, #tpu.memory_space<vmem>>) dst(%dma_wait3A_64 : memref<2x8x8x128xf32, #tpu.memory_space<hbm>>)
    return
  }
}

</mosaic_0001>

<sc_bundles>
// kernel: kernel.3.cloned.1.call-start
scs
__scs_entry_jumppad:
0x0: {  	(pc) =	sbr.rel $0x88, $3  }
0x1: {  	(tag) =	ssettag $0x0;
	lr =	simm.s32 $0x1  }
0x2: {  	[smem:$0x3F9E] =	sst lr;
	_ =	strace $0xD0000000  }
0x3: {  	_ = 	snop  }
0x4: {  	_ = 	snop  }
0x5: {  	_ = 	snop  }
0x6: {  	_ = 	snop  }
0x7: {  	_ = 	snop  }
__scs_overlays_trampoline_lowered:
0x8: {  	[smem:$0x3FAD] =	sst s0  }
0x9: {  	[smem:$0x3FAE] =	sst s1  }
0xa: {  	[smem:$0x3FAF] =	sst s2  }
0xb: {  	[smem:$0x3FB0] =	sst s3  }
0xc: {  	[smem:$0x3FB1] =	sst s4  }
0xd: {  	[smem:$0x3FB2] =	sst s5  }
0xe: {  	[smem:$0x3FB3] =	sst s6  }
0xf: {  	[smem:$0x3FB4] =	sst s7  }
0x10: {  	[smem:$0x3FB5] =	sst s8  }
0x11: {  	[smem:$0x3FB6] =	sst s9;
	s0 =	simm.s32 @!p0 $0x0  }
0x12: {  	s1 =	sld [smem:$0x3F9C];
	s0 =	simm.s32 @p0 $0x1  }
0x13: {  	[smem:$0x3FB7] =	sst s0;
	s0 =	simm.s32 @!p1 $0x0  }
0x14: {  	s2 =	sld [smem:$0x3F9B];
	s0 =	simm.s32 @p1 $0x1  }
0x15: {  	[smem:$0x3FB8] =	sst s0;
	s0 =	simm.s32 @!p2 $0x0  }
0x16: {  	s3 =	sld [smem:$0x3FDB];
	s0 =	simm.s32 @p2 $0x1  }
0x17: {  	s4 =	simm.s32 $0x1BF5;
	[smem:$0x3FBA] =	sst s0  }
0x18: {  	s0 =	sld [smem:$0x3F9D];
	_ =	swait.ge [sflag:s4], $0x0  }
0x19: {  	s7 =	sld [smem:$0x3F9E]  }
0x1a: {  	s8 =	sadd.s32 $0xFFFFE003, lr  }
0x1b: {  	s9 =	sadd.s32 $0xFFFFFEF7, lr;
	s5 =	simm.s32 $0xFFFFFFFF;
	p2 =	slt.u32 s8, $0xFFFFF086  }
0x1c: {  	p1 =	slt.u32 s9, $0xF7A;
	s5 =	simm.s32 @!p2 $0x0  }
0x1d: {  	s5 =	simm.s32 @p1 $0x1;
	p0 =	seq.s32 s7, s2  }
0x1e: {  	s7 =	smul.u32 @!p0 $0xF7A, s2;
	p2 =	seq.s32 @!p0 s5, $0x0  }
0x1f: {  	s9 =	smul.u32 $0xF7A, s1;
	s8 =	simm.s32 @!p0 $0x1BF5;
	p2 =	por !p2, p0  }
0x20: {  	[sflag:s8] =	ssyncset.s32 @!p0 $0xFFFFF086;
	s6 =	sadd.s32 @!p0 s3, s7;
	s7 =	simm.s32 @!p0 $0x108  }
0x21: {  	s3 =	sadd.s32 s3, s9;
	s6 =	sadd.s32 @!p0 $0x88, s6;
	s7 =	simm.s32 @p2 $0x1082  }
0x22: {  	[simem:s7], [sflag:s8] =	dma.local @!p0 [hbm:s6], $0xF7A  }
0x23: {  	s9 =	sor.u32 $0xD0000000, s2;
	s6 =	simm.s32 $0x108;
	_ =	swait.ge @!p0 [sflag:s8], $0x0  }
0x24: {  	s3 =	sadd.s32 $0x88, s3;
	s6 =	simm.s32 @!p1 $0x1082;
	[sflag:s4] =	ssyncset.s32 $0xFFFFF086  }
0x25: {  	[simem:s6], [sflag:s4] =	dma.local [hbm:s3], $0xF7A  }
0x26: {  	[smem:$0x3F9E] =	sst s1;
	(tag) =	ssettag s2;
	_ =	strace s9  }
0x27: {  	s1 =	sld [smem:$0x3FAE]  }
0x28: {  	s2 =	sld [smem:$0x3FAF]  }
0x29: {  	s4 =	sld [smem:$0x3FB1]  }
0x2a: {  	p0 =	seq.s32 s5, $0x0;
	s5 =	sld [smem:$0x3FB2]  }
0x2b: {  	s6 =	sld [smem:$0x3FB3]  }
0x2c: {  	s7 =	sld [smem:$0x3FB4]  }
0x2d: {  	s3 =	simm.s32 $0x108;
	s8 =	sld [smem:$0x3FB5]  }
0x2e: {  	s3 =	simm.s32 @!p0 $0x1082;
	s9 =	sld [smem:$0x3FB6]  }
0x2f: {  	lr =	sadd.s32 s0, s3;
	s0 =	sld [smem:$0x3FAD]  }
0x30: {  	s3 =	sld [smem:$0x3FB0]  }
0x31: {  	[smem:$0x3FB9] =	sst s10  }
0x32: {  	s10 =	sld [smem:$0x3FB7];
	_ =	sdelay $0x3  }
0x33: {  	p0 =	seq.s32 s10, $0x1;
	s10 =	sld [smem:$0x3FB9];
	_ =	sdelay $0x3  }
0x34: {  	[smem:$0x3FB9] =	sst s10  }
0x35: {  	s10 =	sld [smem:$0x3FB8];
	_ =	sdelay $0x3  }
0x36: {  	p1 =	seq.s32 s10, $0x1;
	s10 =	sld [smem:$0x3FB9];
	_ =	sdelay $0x3  }
0x37: {  	[smem:$0x3FB9] =	sst s10  }
0x38: {  	s10 =	sld [smem:$0x3FBA]  }
0x39: {  	_ = 	snop;
	(pc) =	sbr.ind lr, $3  }
0x3a: {  	_ = 	snop  }
0x3b: {  	_ = 	snop  }
0x3c: {  	p2 =	seq.s32 s10, $0x1;
	s10 =	sld [smem:$0x3FB9]  }
0x3d: {  	_ =	shalt  }
0x3e: {  	_ =	shalt  }
0x3f: {  	_ =	shalt  }
0x40: {  	_ =	shalt  }
0x41: {  	_ =	shalt  }
0x42: {  	_ =	shalt  }
0x43: {  	_ =	shalt  }
0x44: {  	_ =	shalt  }
0x45: {  	_ =	shalt  }
0x46: {  	_ =	shalt  }
0x47: {  	_ =	shalt  }
0x48: {  	_ =	shalt  }
0x49: {  	_ =	shalt  }
0x4a: {  	_ =	shalt  }
0x4b: {  	_ =	shalt  }
0x4c: {  	_ =	shalt  }
0x4d: {  	_ =	shalt  }
0x4e: {  	_ =	shalt  }
0x4f: {  	_ =	shalt  }
0x50: {  	_ =	shalt  }
0x51: {  	_ =	shalt  }
0x52: {  	_ =	shalt  }
0x53: {  	_ =	shalt  }
0x54: {  	_ =	shalt  }
0x55: {  	_ =	shalt  }
0x56: {  	_ =	shalt  }
0x57: {  	_ =	shalt  }
0x58: {  	_ =	shalt  }
0x59: {  	_ =	shalt  }
0x5a: {  	_ =	shalt  }
0x5b: {  	_ =	shalt  }
0x5c: {  	_ =	shalt  }
0x5d: {  	_ =	shalt  }
0x5e: {  	_ =	shalt  }
0x5f: {  	_ =	shalt  }
0x60: {  	_ =	shalt  }
0x61: {  	_ =	shalt  }
0x62: {  	_ =	shalt  }
0x63: {  	_ =	shalt  }
0x64: {  	_ =	shalt  }
0x65: {  	_ =	shalt  }
0x66: {  	_ =	shalt  }
0x67: {  	_ =	shalt  }
0x68: {  	_ =	shalt  }
0x69: {  	_ =	shalt  }
0x6a: {  	_ =	shalt  }
0x6b: {  	_ =	shalt  }
0x6c: {  	_ =	shalt  }
0x6d: {  	_ =	shalt  }
0x6e: {  	_ =	shalt  }
0x6f: {  	_ =	shalt  }
0x70: {  	_ =	shalt  }
0x71: {  	_ =	shalt  }
0x72: {  	_ =	shalt  }
0x73: {  	_ =	shalt  }
0x74: {  	_ =	shalt  }
0x75: {  	_ =	shalt  }
0x76: {  	_ =	shalt  }
0x77: {  	_ =	shalt  }
0x78: {  	_ =	shalt  }
0x79: {  	_ =	shalt  }
0x7a: {  	_ =	shalt  }
0x7b: {  	_ =	shalt  }
0x7c: {  	_ =	shalt  }
0x7d: {  	_ =	shalt  }
0x7e: {  	_ =	shalt  }
0x7f: {  	_ =	shalt  }
0x80: {  	_ =	shalt  }
0x81: {  	_ =	shalt  }
0x82: {  	_ =	shalt  }
0x83: {  	_ =	shalt  }
0x84: {  	_ =	shalt  }
0x85: {  	_ =	shalt  }
0x86: {  	_ =	shalt  }
0x87: {  	_ =	shalt  }
.Lfunc_end0:
.L_simem_size_0:
called_computation_lowered:
.L_overlay_start_0:
0x88: {  	s2 =	sld [smem:$0x3FD9]  }
0x89: {  	s3 =	sld [smem:$0x3FFE];
	_ =	sdelay $0x1  }
0x8a: {  	s1 =	srdreg.scid  }
0x8b: {  	s0 =	sand.u32 $0x1, s1  }
0x8c: {  	s17 =	sshll.u32 s0, $0xA;
	s2 =	sadd.s32 s3, s2  }
0x8d: {  	s2 =	sadd.s32 s2, s17  }
0x8e: {  	[smem:$0x3FC5] =	sst s2  }
0x8f: {  	_ = 	snop  }
0x90: {  	s2 =	sld [smem:$0x3FD0];
	(tm) =	ssettm $0x1  }
0x91: {  	s18 =	sld [smem:$0x3FFB];
	_ =	sdelay $0x3  }
0x92: {  	_ =	strace s18  }
0x93: {  	s3 =	sld [smem:$0x3FFC];
	_ =	sdelay $0x3  }
0x94: {  	_ =	strace s3  }
0x95: {  	s3 =	sld [smem:$0x3FFD];
	_ =	sdelay $0x3  }
0x96: {  	_ =	strace s3  }
0x97: {  	_ =	strace $0x8FFFFFFF  }
0x98: {  	s19 =	sld [smem:$0x3FDB];
	_ =	sdelay $0x1  }
0x99: {  	s4 =	simm.s32 $_scs_section_size  }
0x9a: {  	s5 =	simm.s32 $_size__tile_overlayer_lowered;
	s6 =	simm.s32 $_tile_overlayer_lowered  }
0x9b: {  	s22 =	simm.s32 $0x1BFF;
	s21 =	sshll.u32 s6, $0x1;
	s3 =	sadd.s32 s4, s19  }
0x9c: {  	s7 =	simm.s32 $0x0;
	s20 =	sshll.u32 s5, $0x1;
	s5 =	sadd.s32 s21, s3  }
0x9d: {  	[timem:s7], [sflag:s22] =	dma.local [hbm:s5], s20  }
0x9e: {  	_ =	swait.ge [sflag:s22], s20  }
0x9f: {  	s4 =	ssub.s32 $0x0, s20;
	[sflag:s22] =	ssyncset.done $0x0  }
0xa0: {  	[sflag:s22] =	ssyncadd.s32 s4;
	_ =	sdelay $0x1  }
0xa1: {  	s23 =	simm.s32 $0x1B8B  }
0xa2: {  	_ =	swait.ge [sflag:s23], $0x1  }
0xa3: {  	[sflag:s23] =	ssyncset.done $0x0  }
0xa4: {  	s25 =	simm.s32 $0x1B8E;
	s24 =	sld [smem:$0x3FFE];
	[sflag:s23] =	ssyncadd.s32 $0xFFFFFFFF  }
0xa5: {  	s26 =	simm.s32 $execute0_lowered;
	[smem:$0x3FD2] =	sst s25  }
0xa6: {  	s5 =	sshll.u32 s26, $0x1;
	_ =	strace $0x80000046;
	[dreg:$0x1] =	wrdreg $0xFFFFFFFF  }
0xa7: {  	s28 =	simm.s32 $_size_execute0_lowered;
	s3 =	sadd.s32 s3, s5;
	[dreg:$0x0] =	wrdreg $0x0  }
0xa8: {  	s5 =	sshll.u32 s28, $0x1;
	[dreg:$0x2] =	wrdreg s3  }
0xa9: {  	[dreg:$0x3] =	wrdreg s5  }
0xaa: {  	[dreg:$0x4] =	wrdreg $0xC0  }
0xab: {  	_ =	task [dreg:s7], $0x5FFFF  }
0xac: {  	[dreg:$0x1] =	wrdreg $0xFFFFFFFF  }
0xad: {  	[dreg:$0x0] =	wrdreg $0x60  }
0xae: {  	[dreg:$0x2] =	wrdreg s24  }
0xaf: {  	[dreg:$0x3] =	wrdreg s2  }
0xb0: {  	[dreg:$0x4] =	wrdreg $0x9  }
0xb1: {  	_ =	task.clear_ibuf [dreg:s7], $0x5FFFF;
	_ =	strace $0x90000046  }
0xb2: {  	s29 =	simm.s32 $0x9;
	_ =	strace $0x80000048  }
0xb3: {  	_ =	swait.ge [sflag:s29], $0x1  }
0xb4: {  	[sflag:s29] =	ssyncadd.s32 $0xFFFFFFFF  }
0xb5: {  	_ =	strace $0x90000048  }
0xb6: {  	_ =	sfence  }
0xb7: {  	s30 =	sld [smem:$0x0];
	_ =	sdelay $0x2  }
0xb8: {  	s31 =	sshll.u32 s1, $0xD;
	s1 =	sshrl.u32 s1, $0x2  }
0xb9: {  	s3 =	sand.u32 $0x4000, s31;
	s1 =	sadd.s32 s1, s30  }
0xba: {  	s0 =	sor.u32 s3, s0;
	s1 =	sshll.u32 s1, $0x11  }
0xbb: {  	s0 =	sor.u32 s1, s0  }
0xbc: {  	s0 =	sadd.s32 $0x8F2B, s0  }
0xbd: {  	[sflag:s0] =	ssyncadd.remote.s32 $0x1  }
0xbe: {  	_ =	sfence.sel $0xFFFF  }
0xbf: {  	[dreg:$0x0] =	wrdreg $0xFFFFFFFF;
	(pc) =	sbr.abs _section_cstart, $3  }
0xc0: {  	[dreg:$0x1] =	wrdreg $0xFFFFFFFF  }
0xc1: {  	_ =	task.clear_ibuf [dreg:s7], $0x2FFFF;
	_ =	strace $0x9FFFFFFF  }
0xc2: {  	(tm) =	ssettm $0x7FFFFFFF  }
0xc3: {  	_ =	shalt  }
tec
execute0_lowered:
.L_overlay_start_1:
0x0: {  	(tag) =	ssettag $0x1  }
0x1: {  	v0 =	vlaneseq.u32  }
0x2: {  	v3 =	vmul.u32 $0x88, v0  }
0x3: {  	s3 =	stileid.u32  }
0x4: {  	s0 =	rddreg [dreg:$0x0];
	s4 =	sshll.u32 s3, $0x1;
	s3 =	simm.s32 $0x0;
	v0 =	vadd.s32 $0x880, v3  }
0x5: {  	[smem:$0x7FF] =	sst s3;
	[tilespmem:$0x1FF00] =	vst v0;
	v0 =	vadd.s32 $0x1986, v3  }
0x6: {  	s2 =	rddreg [dreg:$0x1];
	_ =	strace $0x80000047;
	[tilespmem:$0x1FF10] =	vst v0  }
0x7: {  	v6 =	vor.u32 $0x1, v3;
	[tilespmem:$0x1FF60] =	vst v3  }
0x8: {  	v8 =	vor.u32 $0x2, v3;
	[tilespmem:$0x1FF70] =	vst v6  }
0x9: {  	v9 =	vor.u32 $0x3, v3;
	[tilespmem:$0x1FF80] =	vst v8  }
0xa: {  	v10 =	vor.u32 $0x4, v3;
	[tilespmem:$0x1FF90] =	vst v9  }
0xb: {  	s1 =	srdreg.scid;
	s10 =	simm.s32 $0x5;
	v11 =	vor.u32 $0x5, v3;
	[tilespmem:$0x1FFA0] =	vst v10  }
0xc: {  	v1 =	vimm.s32 $0x0;
	vm0 =	vcmask $0x300;
	s11 =	simm.s32 $0x80;
	s12 =	simm.s32 $0x1000;
	s13 =	simm.s32 $0x9600;
	v4 =	vadd.s32 $0x1100, v3;
	[tilespmem:$0x1FFB0] =	vst v11  }
0xd: {  	s14 =	simm.s32 $0xB600;
	s15 =	simm.s32 $0xD600;
	s16 =	simm.s32 $0xF600;
	v1 =	vsel vm0, $0x3, v1;
	v5 =	vadd.s32 $0x1980, v3;
	v7 =	vadd.s32 $0x881, v3;
	[tilespmem:$0x1FFC0] =	vst v4  }
0xe: {  	s17 =	simm.s32 $0x1;
	s18 =	simm.s32 $0x11600;
	s19 =	simm.s32 $0x13800;
	v12 =	vadd.s32 $0x1101, v3;
	v13 =	vadd.s32 $0x1981, v3;
	v15 =	vadd.s32 $0x882, v3;
	[tilespmem:$0x1FFD0] =	vst v5  }
0xf: {  	s20 =	simm.s32 $0x2;
	s21 =	simm.s32 $0x15A00;
	s22 =	simm.s32 $0x17C00;
	v16 =	vadd.s32 $0x1102, v3;
	v17 =	vadd.s32 $0x1982, v3;
	v14 =	vor.u32 $0x6, v3;
	[tilespmem:$0x1FFE0] =	vst v7  }
0x10: {  	s23 =	simm.s32 $0x3;
	s24 =	simm.s32 $0x4;
	s1 =	sand.u32 $0x1, s1;
	v19 =	vadd.s32 $0x883, v3;
	v20 =	vadd.s32 $0x1103, v3;
	v0 =	vor.u32 $0x7, v3;
	[tilespmem:$0x1FFF0] =	vst v14  }
0x11: {  	s25 =	simm.s32 $0x0;
	s7 =	sor.u32 s1, s4;
	s1 =	ssub.s32 $0x2, s1;
	v21 =	vadd.s32 $0x1983, v3;
	v23 =	vadd.s32 $0x884, v3;
	[tilespmem:$0x1FF20] =	vst v0;
	v0 =	vadd.s32 $0x887, v3  }
0x12: {  	s5 =	sadd.s32 $0x400, s0;
	s4 =	sshll.u32 s7, $0x4;
	s31 =	sshrl.u32 s1, $0x1;
	v24 =	vadd.s32 $0x1104, v3;
	v25 =	vadd.s32 $0x1984, v3;
	[tilespmem:$0x1FF30] =	vst v0;
	v0 =	vadd.s32 $0x1107, v3  }
0x13: {  	v27 =	vadd.s32 $0x885, v3;
	v28 =	vadd.s32 $0x1105, v3;
	s6 =	sadd.s32 s4, s0;
	s4 =	sadd.s32 $0x19C00, s0;
	s0 =	ssub.s32 s1, s31;
	[tilespmem:$0x1FF40] =	vst v0;
	v0 =	vadd.s32 $0x1987, v3  }
0x14: {  	s7 =	sshll.u32 s7, $0xA;
	v29 =	vadd.s32 $0x1985, v3;
	v31 =	vadd.s32 $0x886, v3;
	v32 =	vadd.s32 $0x1106, v3;
	s6 =	sadd.s32 $0xC00, s6;
	s8 =	smax.u32 s0, $0x1;
	[tilespmem:$0x1FF50] =	vst v0  }
.LBB2_1:
0x15: {  	s0 =	simm.s32 $0x6400  }
0x16: {  	[tilespmem:s0], [sflag:$0x5] =	stream.linear.gather [hbm4b:s5+s3], $0x3200, $0x38;
	[tilespmem:$0x19E00] =	vst v63  }
0x17: {  	_ =	swait.ge [sflag:s10], $0x3200  }
0x18: {  	[sflag:s10] =	ssyncset.done $0x0  }
0x19: {  	[sflag:s10] =	ssyncadd.s32 $0xFFFFCE00  }
0x1a: {  	[tilespmem:s3], [sflag:$0x5] =	stream.strided.gather [hbm4b:s6+s11], $0x6400, s12, s11, $0x38;
	[tilespmem:$0x19E00] =	vst v63  }
0x1b: {  	_ =	swait.ge [sflag:s10], $0x6400  }
0x1c: {  	[sflag:s10] =	ssyncset.done $0x0  }
0x1d: {  	[sflag:s10] =	ssyncadd.s32 $0xFFFF9C00  }
0x1e: {  	[tilespmem:s13], [sflag:$0x1] =	stream.indirect.gather [hbm4b:s4+s11], $0x40, s3, s11, $0xb8;
	[tilespmem:$0x19E00] =	vst v63  }
0x1f: {  	s26 =	simm.s32 $0x0  }
0x20: {  	[tilespmem:s14], [sflag:$0x1] =	stream.indirect.gather [hbm4b:s4+s11], $0x40, s11, s11, $0xb8;
	[tilespmem:$0x19E00] =	vst v63  }
.LBB2_2:
0x21: {  	s28 =	sshllo.u32 s26, $0x1  }
0x22: {  	s0 =	sshll.u32 s28, $0x8  }
0x23: {  	s0 =	sand.u32 $0x3FFFFF00, s0  }
0x24: {  	[tilespmem:s15], [sflag:$0x2] =	stream.indirect.gather [hbm4b:s4+s11], $0x40, s0, s11, $0xb8;
	[tilespmem:$0x19E00] =	vst v63  }
0x25: {  	s0 =	sor.u32 $0x80, s0  }
0x26: {  	[tilespmem:s16], [sflag:$0x2] =	stream.indirect.gather [hbm4b:s4+s11], $0x40, s0, s11, $0xb8;
	[tilespmem:$0x19E00] =	vst v63  }
0x27: {  	_ =	swait.ge [sflag:s17], $0x2000  }
0x28: {  	[sflag:s17] =	ssyncset.done $0x0  }
0x29: {  	s1 =	simm.s32 $0x0;
	[sflag:s17] =	ssyncadd.s32 $0xFFFFE000  }
0x2a: {  	s9 =	simm.s32 $0x1;
	s29 =	simm.s32 $0x3;
	_ =	swait.ge [sflag:s17], $0x2000  }
0x2b: {  	p0 =	seq.s32 s26, $0x0;
	v33 =	vmov s1;
	s1 =	simm.s32 $0x2;
	[sflag:s17] =	ssyncset.done $0x0  }
0x2c: {  	v34 =	vmov s9;
	v36 =	vmov s29;
	s9 =	simm.s32 $0x5;
	s0 =	simm.s32 @!p0 $0x3;
	[sflag:s17] =	ssyncadd.s32 $0xFFFFE000  }
0x2d: {  	s29 =	simm.s32 $0x6;
	v33 =	vshrl.u32 v33, $0x3;
	v35 =	vmov s1;
	v38 =	vmov s9;
	_ =	swait.ge @!p0 [sflag:s0], $0x4000  }
0x2e: {  	s1 =	simm.s32 $0x4;
	v39 =	vmov s29;
	s9 =	simm.s32 $0x8;
	s29 =	simm.s32 $0x9;
	v34 =	vshrl.u32 v34, $0x3;
	v49 =	vshrl.u32 v36, $0x3;
	v6 =	vld [tilespmem:$0x1FF20]  }
0x2f: {  	v37 =	vmov s1;
	s1 =	simm.s32 $0x7;
	v41 =	vmov s9;
	v42 =	vmov s29;
	v0 =	vld [tilespmem:$0x1FF60]  }
0x30: {  	s9 =	simm.s32 $0xB;
	v33 =	vshll.u32 v33, v1;
	v48 =	vshrl.u32 v35, $0x3;
	v40 =	vmov s1;
	s1 =	simm.s32 $0xA;
	v2 =	vld [tilespmem:$0x1FF70]  }
0x31: {  	s29 =	simm.s32 $0xC;
	v38 =	vshrl.u32 v38, $0x3;
	v44 =	vmov s9;
	s9 =	simm.s32 $0xE;
	v43 =	vmov s1;
	s1 =	simm.s32 $0xD;
	v3 =	vld [tilespmem:$0x1FF80]  }
0x32: {  	v39 =	vshrl.u32 v39, $0x3;
	v47 =	vmov s9;
	s9 =	sshll.u32 s26, $0x8;
	v46 =	vmov s1;
	s1 =	simm.s32 $0xF;
	[sflag:s0] =	ssyncset.done @!p0 $0x0;
	v4 =	vld [tilespmem:$0x1FF90]  }
0x33: {  	v51 =	vshll.u32 v34, v1;
	v45 =	vmov s29;
	s29 =	sand.u32 $0x3FFFFF00, s9;
	v62 =	vmov s1;
	v5 =	vld [tilespmem:$0x1FFA0];
	[sflag:s0] =	ssyncadd.s32 @!p0 $0xFFFFC000  }
0x34: {  	v49 =	vshll.u32 v49, v1;
	v50 =	vshrl.u32 v37, $0x3;
	v63 =	vshrl.u32 v62, $0x3;
	v36 =	vld [tilespmem:s29+$0x6400]  }
0x35: {  	s30 =	simm.s32 $0x9800;
	v41 =	vshrl.u32 v41, $0x3;
	v52 =	vshll.u32 v50, v1;
	v50 =	vshll.u32 v63, v1;
	v35 =	vld [tilespmem:s29+$0x6410]  }
0x36: {  	v8 =	vbroadcast v33, $0x0;
	v58 =	vshll.u32 v41, v1;
	v54 =	vbroadcast v50, $0x0;
	v41 =	vld [tilespmem:s30+$0x1C0]  }
0x37: {  	v48 =	vshll.u32 v48, v1;
	v53 =	vshll.u32 v39, v1;
	v45 =	vshrl.u32 v45, $0x3;
	v55 =	vld [tilespmem:s30+$0xFFFFFE00]  }
0x38: {  	v10 =	vbroadcast v51, $0x0;
	v50 =	vshll.u32 v45, v1;
	v57 =	vld [tilespmem:s30+$0xFFFFFE40];
	v45 =	vadd.s32 v6, v54  }
0x39: {  	v51 =	vbroadcast v48, $0x0;
	v46 =	vshrl.u32 v46, $0x3;
	v60 =	vld [tilespmem:s30+$0xFFFFFE80];
	v59 =	vadd.s32 v0, v8  }
0x3a: {  	v49 =	vbroadcast v49, $0x0;
	v61 =	vshll.u32 v46, v1;
	v34 =	vld [tilespmem:s29+$0x6420];
	v46 =	vadd.s32 v2, v10  }
0x3b: {  	v9 =	vbroadcast v52, $0x0;
	v33 =	vld [tilespmem:s29+$0x6430];
	v63 =	vadd.s32 v3, v51;
	v52 =	vadd.f32 v41, v36  }
0x3c: {  	v37 =	vshrl.u32 v47, $0x3;
	v47 =	vshll.u32 v38, v1;
	v48 =	vld [tilespmem:s30+$0xFFFFFEC0];
	v55 =	vadd.f32 v55, v36  }
0x3d: {  	v40 =	vshrl.u32 v40, $0x3;
	v62 =	vshll.u32 v37, v1;
	v39 =	vld [tilespmem:s30+$0xFFFFFF00];
	v37 =	vadd.f32 v57, v36;
	[tilespmem:v45+s18+$0x0] =	vst.idx.msk $0xffff, v52  }
0x3e: {  	v47 =	vbroadcast v47, $0x0;
	v38 =	vld [tilespmem:s30+$0xFFFFFF40];
	v41 =	vadd.s32 v4, v49;
	[tilespmem:v59+s18+$0x0] =	vst.idx.msk $0xffff, v55;
	v45 =	vadd.f32 v60, v36  }
0x3f: {  	v42 =	vshrl.u32 v42, $0x3;
	v56 =	vshll.u32 v40, v1;
	v40 =	vld [tilespmem:s30+$0xFFFFFF80];
	v57 =	vadd.s32 v5, v9;
	[tilespmem:v46+s18+$0x0] =	vst.idx.msk $0xffff, v37  }
0x40: {  	v42 =	vshll.u32 v42, v1;
	v53 =	vbroadcast v53, $0x0;
	v52 =	vadd.s32 v11, v47;
	v60 =	vld [tilespmem:s30+$0xFFFFFFC0];
	[tilespmem:v63+s18+$0x0] =	vst.idx.msk $0xffff, v45  }
0x41: {  	v43 =	vshrl.u32 v43, $0x3;
	v37 =	vadd.f32 v48, v36;
	v48 =	vbroadcast v56, $0x0;
	v7 =	vld [tilespmem:$0x1FF30]  }
0x42: {  	v39 =	vadd.f32 v39, v36;
	v59 =	vadd.s32 v14, v53;
	v56 =	vld [tilespmem:s30+$0x0];
	v45 =	vbroadcast v58, $0x0  }
0x43: {  	v46 =	vbroadcast v42, $0x0;
	v63 =	vld [tilespmem:s30+$0x40];
	[tilespmem:v41+s18+$0x0] =	vst.idx.msk $0xffff, v37;
	v37 =	vadd.f32 v38, v36;
	v41 =	vadd.s32 v6, v48  }
0x44: {  	v43 =	vshll.u32 v43, v1;
	v55 =	vld [tilespmem:s30+$0x1D0];
	[tilespmem:v57+s18+$0x0] =	vst.idx.msk $0xffff, v39;
	v57 =	vadd.s32 v0, v45  }
0x45: {  	v42 =	vbroadcast v43, $0x0;
	v38 =	vadd.f32 v40, v36;
	v39 =	vld [tilespmem:s30+$0x80];
	[tilespmem:v52+s18+$0x0] =	vst.idx.msk $0xffff, v37;
	v52 =	vadd.s32 v2, v46  }
0x46: {  	v40 =	vadd.f32 v60, v36;
	v58 =	vadd.s32 v7, v54  }
0x47: {  	v6 =	vbroadcast v50, $0x0;
	[tilespmem:v59+s18+$0x0] =	vst.idx.msk $0xffff, v38;
	v59 =	vadd.s32 v3, v42;
	v50 =	vadd.f32 v56, v36  }
0x48: {  	v44 =	vshrl.u32 v44, $0x3;
	[tilespmem:v41+s18+$0x0] =	vst.idx.msk $0xffff, v40;
	v41 =	vadd.f32 v63, v36  }
0x49: {  	v44 =	vshll.u32 v44, v1;
	v37 =	vld [tilespmem:s30+$0xC0];
	v43 =	vadd.f32 v55, v35;
	[tilespmem:v57+s18+$0x0] =	vst.idx.msk $0xffff, v50  }
0x4a: {  	v44 =	vbroadcast v44, $0x0;
	v60 =	vld [tilespmem:s30+$0x100];
	v39 =	vadd.f32 v39, v36;
	[tilespmem:v52+s18+$0x0] =	vst.idx.msk $0xffff, v41  }
0x4b: {  	v38 =	vld [tilespmem:s30+$0x140];
	[tilespmem:v58+s18+$0x0] =	vst.idx.msk $0xffff, v43  }
0x4c: {  	v61 =	vbroadcast v61, $0x0;
	v56 =	vadd.s32 v4, v44;
	v2 =	vld [tilespmem:$0x1FF40];
	[tilespmem:v59+s18+$0x0] =	vst.idx.msk $0xffff, v39  }
0x4d: {  	v0 =	vld [tilespmem:$0x1FFE0]  }
0x4e: {  	v50 =	vadd.s32 v11, v61;
	v57 =	vld [tilespmem:s30+$0x180];
	v43 =	vbroadcast v62, $0x0  }
0x4f: {  	v55 =	vadd.s32 v5, v6;
	v37 =	vadd.f32 v37, v36;
	v58 =	vld [tilespmem:s30+$0x1E0]  }
0x50: {  	v62 =	vld [tilespmem:s30+$0xFFFFFE50];
	v59 =	vadd.s32 v14, v43  }
0x51: {  	v52 =	vld [tilespmem:s30+$0xFFFFFE90];
	[tilespmem:v56+s18+$0x0] =	vst.idx.msk $0xffff, v37;
	v37 =	vadd.f32 v38, v36;
	v41 =	vadd.s32 v2, v54  }
0x52: {  	v63 =	vld [tilespmem:s30+$0xFFFFFED0];
	v39 =	vadd.f32 v60, v36;
	v60 =	vadd.s32 v0, v10  }
0x53: {  	v38 =	vadd.s32 v15, v51;
	v56 =	vld [tilespmem:s30+$0xFFFFFF10];
	[tilespmem:v50+s18+$0x0] =	vst.idx.msk $0xffff, v37;
	v37 =	vadd.f32 v57, v36  }
0x54: {  	[tilespmem:v55+s18+$0x0] =	vst.idx.msk $0xffff, v39;
	v55 =	vadd.s32 v19, v49;
	v39 =	vadd.f32 v58, v34  }
0x55: {  	v57 =	vadd.s32 v23, v9;
	v50 =	vadd.f32 v62, v35;
	[tilespmem:v59+s18+$0x0] =	vst.idx.msk $0xffff, v37  }
0x56: {  	[tilespmem:v41+s18+$0x0] =	vst.idx.msk $0xffff, v39;
	v39 =	vadd.f32 v52, v35  }
0x57: {  	[tilespmem:v60+s18+$0x0] =	vst.idx.msk $0xffff, v50;
	v60 =	vadd.f32 v63, v35  }
0x58: {  	v62 =	vld [tilespmem:s30+$0xFFFFFF90];
	[tilespmem:v38+s18+$0x0] =	vst.idx.msk $0xffff, v39;
	v38 =	vadd.f32 v56, v35  }
0x59: {  	v3 =	vld [tilespmem:$0x1FF50];
	[tilespmem:v55+s18+$0x0] =	vst.idx.msk $0xffff, v60  }
0x5a: {  	v58 =	vld [tilespmem:s30+$0xFFFFFF50];
	[tilespmem:v57+s18+$0x0] =	vst.idx.msk $0xffff, v38  }
0x5b: {  	v11 =	vld [tilespmem:$0x1FF00]  }
0x5c: {  	v59 =	vld [tilespmem:s30+$0xFFFFFFD0];
	v41 =	vadd.s32 v27, v47  }
0x5d: {  	v52 =	vadd.s32 v31, v53;
	v37 =	vld [tilespmem:s30+$0x1F0]  }
0x5e: {  	v63 =	vld [tilespmem:s30+$0x10];
	v55 =	vadd.s32 v7, v48  }
0x5f: {  	v56 =	vld [tilespmem:s30+$0x50];
	v60 =	vadd.f32 v58, v35;
	v54 =	vadd.s32 v3, v54  }
0x60: {  	v62 =	vadd.f32 v62, v35;
	v58 =	vld [tilespmem:s30+$0x90];
	v57 =	vadd.s32 v11, v45  }
0x61: {  	v50 =	vld [tilespmem:s30+$0xD0];
	v38 =	vadd.f32 v59, v35;
	[tilespmem:v41+s18+$0x0] =	vst.idx.msk $0xffff, v60;
	v41 =	vadd.s32 v0, v46  }
0x62: {  	v59 =	vld [tilespmem:s30+$0x110];
	[tilespmem:v52+s18+$0x0] =	vst.idx.msk $0xffff, v62;
	v52 =	vadd.s32 v15, v42;
	v37 =	vadd.f32 v37, v33  }
0x63: {  	v60 =	vadd.s32 v19, v44;
	v62 =	vld [tilespmem:s30+$0x150];
	v39 =	vadd.f32 v63, v35;
	[tilespmem:v55+s18+$0x0] =	vst.idx.msk $0xffff, v38  }
0x64: {  	v63 =	vadd.f32 v56, v35;
	v38 =	vadd.s32 v23, v6;
	[tilespmem:v54+s18+$0x0] =	vst.idx.msk $0xffff, v37;
	v54 =	vld [tilespmem:s30+$0x190]  }
0x65: {  	v56 =	vadd.s32 v27, v61;
	v55 =	vld [tilespmem:s30+$0xFFFFFE10];
	[tilespmem:v57+s18+$0x0] =	vst.idx.msk $0xffff, v39;
	v39 =	vadd.f32 v58, v35  }
0x66: {  	[tilespmem:v41+s18+$0x0] =	vst.idx.msk $0xffff, v63;
	v63 =	vadd.f32 v50, v35;
	v41 =	vadd.s32 v31, v43;
	v57 =	vld [tilespmem:s30+$0xFFFFFE60]  }
0x67: {  	v50 =	vadd.s32 v11, v8;
	v58 =	vld [tilespmem:s30+$0xFFFFFEA0];
	[tilespmem:v52+s18+$0x0] =	vst.idx.msk $0xffff, v39;
	v39 =	vadd.f32 v59, v35  }
0x68: {  	[tilespmem:v60+s18+$0x0] =	vst.idx.msk $0xffff, v63;
	v37 =	vadd.f32 v62, v35;
	v52 =	vadd.s32 v12, v10;
	v59 =	vld [tilespmem:s30+$0xFFFFFEE0]  }
0x69: {  	v60 =	vadd.s32 v16, v51;
	[tilespmem:v38+s18+$0x0] =	vst.idx.msk $0xffff, v39;
	v38 =	vadd.f32 v54, v35  }
0x6a: {  	v62 =	vld [tilespmem:s30+$0xFFFFFF20];
	[tilespmem:v56+s18+$0x0] =	vst.idx.msk $0xffff, v37;
	v39 =	vadd.f32 v55, v35;
	v54 =	vadd.s32 v20, v49  }
0x6b: {  	v55 =	vld [tilespmem:s30+$0xFFFFFF60];
	v63 =	vadd.f32 v57, v34;
	[tilespmem:v41+s18+$0x0] =	vst.idx.msk $0xffff, v38  }
0x6c: {  	v56 =	vadd.s32 v24, v9;
	v57 =	vld [tilespmem:s30+$0xFFFFFFA0];
	v58 =	vadd.f32 v58, v34;
	[tilespmem:v50+s18+$0x0] =	vst.idx.msk $0xffff, v39  }
0x6d: {  	v41 =	vld [tilespmem:s30+$0xFFFFFFE0];
	[tilespmem:v52+s18+$0x0] =	vst.idx.msk $0xffff, v63;
	v63 =	vadd.f32 v59, v34  }
0x6e: {  	v39 =	vadd.s32 v28, v47;
	v52 =	vld [tilespmem:s30+$0x20];
	[tilespmem:v60+s18+$0x0] =	vst.idx.msk $0xffff, v58  }
0x6f: {  	v40 =	vadd.f32 v62, v34;
	v58 =	vadd.s32 v2, v48;
	v59 =	vld [tilespmem:s30+$0x60];
	[tilespmem:v54+s18+$0x0] =	vst.idx.msk $0xffff, v63  }
0x70: {  	v0 =	vld [tilespmem:$0x1FFC0]  }
0x71: {  	v60 =	vadd.f32 v55, v34;
	[tilespmem:v56+s18+$0x0] =	vst.idx.msk $0xffff, v40  }
0x72: {  	v62 =	vadd.f32 v57, v34;
	v56 =	vadd.s32 v12, v46;
	v57 =	vld [tilespmem:s30+$0xE0];
	v63 =	vadd.f32 v41, v34  }
0x73: {  	v50 =	vadd.s32 v32, v53;
	v55 =	vld [tilespmem:s30+$0xA0];
	[tilespmem:v39+s18+$0x0] =	vst.idx.msk $0xffff, v60  }
0x74: {  	v39 =	vld [tilespmem:s30+$0x120];
	[tilespmem:v58+s18+$0x0] =	vst.idx.msk $0xffff, v63;
	v58 =	vadd.s32 v20, v44  }
0x75: {  	v38 =	vadd.f32 v52, v34;
	v40 =	vadd.f32 v59, v34;
	v52 =	vld [tilespmem:s30+$0x1A0];
	v54 =	vadd.s32 v0, v45  }
0x76: {  	v41 =	vld [tilespmem:s30+$0x160]  }
0x77: {  	v60 =	vld [tilespmem:s30+$0xFFFFFE20];
	[tilespmem:v56+s18+$0x0] =	vst.idx.msk $0xffff, v40;
	v37 =	vadd.f32 v57, v34;
	v56 =	vadd.s32 v32, v43  }
0x78: {  	[tilespmem:v50+s18+$0x0] =	vst.idx.msk $0xffff, v62;
	v50 =	vadd.s32 v16, v42;
	v62 =	vld [tilespmem:s30+$0xFFFFFEB0]  }
0x79: {  	v59 =	vadd.s32 v24, v6;
	v40 =	vld [tilespmem:s30+$0xFFFFFEF0];
	[tilespmem:v58+s18+$0x0] =	vst.idx.msk $0xffff, v37  }
0x7a: {  	v52 =	vadd.f32 v52, v34;
	v37 =	vld [tilespmem:s30+$0xFFFFFF70];
	[tilespmem:v54+s18+$0x0] =	vst.idx.msk $0xffff, v38;
	v54 =	vadd.s32 v28, v61  }
0x7b: {  	v63 =	vadd.s32 v13, v10;
	v38 =	vadd.f32 v55, v34;
	v55 =	vld [tilespmem:s30+$0xFFFFFE70]  }
0x7c: {  	s9 =	simm.s32 $0x10;
	v57 =	vadd.s32 v0, v8;
	v39 =	vadd.f32 v39, v34;
	[tilespmem:v56+s18+$0x0] =	vst.idx.msk $0xffff, v52;
	v56 =	vld [tilespmem:s30+$0x30]  }
0x7d: {  	v41 =	vadd.f32 v41, v34;
	[tilespmem:v50+s18+$0x0] =	vst.idx.msk $0xffff, v38;
	v38 =	vmov s9;
	v50 =	vadd.s32 v17, v51;
	v51 =	vld [tilespmem:s30+$0xFFFFFF30]  }
0x7e: {  	[tilespmem:v59+s18+$0x0] =	vst.idx.msk $0xffff, v39;
	v2 =	vshrl.u32 v38, $0x3;
	v38 =	vadd.f32 v60, v34;
	v60 =	vld [tilespmem:s30+$0xFFFFFFB0]  }
0x7f: {  	v49 =	vadd.s32 v21, v49;
	[tilespmem:v54+s18+$0x0] =	vst.idx.msk $0xffff, v41;
	v54 =	vadd.f32 v62, v33;
	v62 =	vld [tilespmem:s30+$0xFFFFFFF0]  }
0x80: {  	v47 =	vadd.s32 v29, v47;
	v59 =	vadd.s32 v25, v9;
	v55 =	vadd.f32 v55, v33;
	v7 =	vld [tilespmem:$0x1FF10]  }
0x81: {  	s1 =	simm.s32 $0x11;
	v48 =	vadd.s32 v3, v48;
	v46 =	vadd.s32 v13, v46;
	[tilespmem:v57+s18+$0x0] =	vst.idx.msk $0xffff, v38;
	v57 =	vld [tilespmem:s30+$0x70]  }
0x82: {  	v4 =	vmov s1;
	s1 =	simm.s32 $0x13;
	v42 =	vadd.s32 v17, v42;
	v40 =	vadd.f32 v40, v33;
	s9 =	simm.s32 $0x12;
	[tilespmem:v63+s18+$0x0] =	vst.idx.msk $0xffff, v55;
	v63 =	vld [tilespmem:s30+$0xB0]  }
0x83: {  	v9 =	vmov s1;
	v5 =	vmov s9;
	s9 =	simm.s32 $0x14;
	v51 =	vadd.f32 v51, v33;
	v0 =	vld [tilespmem:$0x1FFD0];
	[tilespmem:v50+s18+$0x0] =	vst.idx.msk $0xffff, v54  }
0x84: {  	s1 =	simm.s32 $0x15;
	v61 =	vadd.s32 v29, v61;
	v58 =	vadd.f32 v37, v33;
	v52 =	vmov s9;
	[tilespmem:v49+s18+$0x0] =	vst.idx.msk $0xffff, v40  }
0x85: {  	v55 =	vmov s1;
	v38 =	vadd.f32 v60, v33;
	v60 =	vld [tilespmem:s30+$0xF0];
	[tilespmem:v59+s18+$0x0] =	vst.idx.msk $0xffff, v51;
	v51 =	vadd.f32 v56, v33  }
0x86: {  	s9 =	simm.s32 $0x16;
	s1 =	simm.s32 $0x17;
	v56 =	vadd.s32 v21, v44;
	v44 =	vld [tilespmem:s30+$0x170];
	v49 =	vadd.f32 v62, v33;
	v53 =	vadd.s32 v7, v53  }
0x87: {  	v54 =	vmov s9;
	v40 =	vmov s1;
	s9 =	simm.s32 $0x18;
	[tilespmem:v47+s18+$0x0] =	vst.idx.msk $0xffff, v58;
	v62 =	vld [tilespmem:s30+$0x130];
	v47 =	vadd.f32 v57, v33  }
0x88: {  	s1 =	simm.s32 $0x19;
	v59 =	vmov s9;
	v57 =	vadd.s32 v25, v6;
	v50 =	vadd.f32 v63, v33;
	[tilespmem:v48+s18+$0x0] =	vst.idx.msk $0xffff, v49  }
0x89: {  	v58 =	vmov s1;
	s1 =	simm.s32 $0x1B;
	v43 =	vadd.s32 v7, v43;
	v37 =	vadd.s32 v0, v45;
	[tilespmem:v46+s18+$0x0] =	vst.idx.msk $0xffff, v47  }
0x8a: {  	v63 =	vmov s1;
	v45 =	vld [tilespmem:s30+$0x1B0];
	v48 =	vadd.f32 v60, v33;
	v39 =	vadd.s32 v0, v8;
	[tilespmem:v42+s18+$0x0] =	vst.idx.msk $0xffff, v50  }
0x8b: {  	s9 =	simm.s32 $0x1A;
	v47 =	vshrl.u32 v59, $0x3;
	v46 =	vadd.f32 v44, v33;
	v44 =	vshrl.u32 v4, $0x3;
	[tilespmem:v53+s18+$0x0] =	vst.idx.msk $0xffff, v38;
	v38 =	vld [tilespmem:s30+$0xFFFFFE30]  }
0x8c: {  	s1 =	simm.s32 $0x1D;
	v50 =	vshrl.u32 v5, $0x3;
	v49 =	vadd.f32 v62, v33;
	[tilespmem:v56+s18+$0x0] =	vst.idx.msk $0xffff, v48;
	v53 =	vmov s9;
	s9 =	simm.s32 $0x1C  }
0x8d: {  	v62 =	vmov s1;
	v48 =	vshrl.u32 v55, $0x3;
	[tilespmem:v61+s18+$0x0] =	vst.idx.msk $0xffff, v46;
	v60 =	vmov s9;
	s9 =	simm.s32 $0x1E  }
0x8e: {  	v46 =	vshrl.u32 v40, $0x3;
	[tilespmem:v57+s18+$0x0] =	vst.idx.msk $0xffff, v49;
	v49 =	vshrl.u32 v54, $0x3;
	v41 =	vmov s9  }
0x8f: {  	[tilespmem:v37+s18+$0x0] =	vst.idx.msk $0xffff, v51;
	v37 =	vshll.u32 v2, v1;
	v42 =	vadd.f32 v45, v33;
	v45 =	vshrl.u32 v9, $0x3  }
0x90: {  	v51 =	vshrl.u32 v52, $0x3;
	v40 =	vshrl.u32 v60, $0x3;
	v56 =	vadd.f32 v38, v33  }
0x91: {  	v37 =	vbroadcast v37, $0x0;
	v41 =	vshrl.u32 v41, $0x3;
	[tilespmem:v43+s18+$0x0] =	vst.idx.msk $0xffff, v42;
	v42 =	vshrl.u32 v53, $0x3  }
0x92: {  	s31 =	simm.s32 $0x20;
	s1 =	simm.s32 $0x1F;
	v43 =	vshrl.u32 v63, $0x3;
	v38 =	vshrl.u32 v58, $0x3;
	[tilespmem:v39+s18+$0x0] =	vst.idx.msk $0xffff, v56;
	v39 =	vshrl.u32 v62, $0x3  }
.LBB2_3:
0x93: {  	v30 =	vmov v29;
	v29 =	vmov v28;
	v28 =	vmov v27;
	v27 =	vld [tilespmem:$0x1FF20]  }
0x94: {  	v6 =	vld [tilespmem:$0x1FF60]  }
0x95: {  	v14 =	vmov v13;
	v13 =	vmov v12;
	v12 =	vld [tilespmem:$0x1FF70]  }
0x96: {  	v18 =	vmov v17;
	v17 =	vmov v16;
	v16 =	vmov v15;
	v15 =	vld [tilespmem:$0x1FF80]  }
0x97: {  	v22 =	vmov v21;
	v21 =	vmov v20;
	v20 =	vmov v19;
	v19 =	vld [tilespmem:$0x1FF90]  }
0x98: {  	v26 =	vmov v25;
	v25 =	vmov v24;
	v24 =	vmov v23;
	v23 =	vld [tilespmem:$0x1FFA0]  }
0x99: {  	v44 =	vshll.u32 v44, v1;
	v53 =	vshll.u32 v50, v1;
	v62 =	vmov s1;
	v8 =	vmovc v32;
	v32 =	vmovc v31;
	v31 =	vld [tilespmem:$0x1FFB0]  }
0x9a: {  	v45 =	vshll.u32 v45, v1;
	v54 =	vshll.u32 v51, v1;
	s30 =	sadd.s32 $0x400, s30;
	v9 =	vld [tilespmem:$0x1FFF0];
	v50 =	vshrl.u32 v62, $0x3  }
0x9b: {  	v48 =	vshll.u32 v48, v1;
	v55 =	vshll.u32 v49, v1;
	v57 =	vld [tilespmem:s30+$0x1C0];
	v63 =	vshll.u32 v50, v1  }
0x9c: {  	v46 =	vshll.u32 v46, v1;
	v56 =	vshll.u32 v47, v1;
	v58 =	vld [tilespmem:s30+$0xFFFFFE00];
	v52 =	vbroadcast v63, $0x0  }
0x9d: {  	v38 =	vshll.u32 v38, v1;
	v59 =	vshll.u32 v42, v1;
	v60 =	vshll.u32 v43, v1;
	v10 =	vld [tilespmem:$0x1FF30]  }
0x9e: {  	v61 =	vshll.u32 v40, v1;
	v43 =	vld [tilespmem:s30+$0xFFFFFE40];
	v50 =	vbroadcast v44, $0x0;
	v40 =	vadd.s32 v27, v52  }
0x9f: {  	v2 =	vshll.u32 v41, v1;
	v0 =	vld [tilespmem:s30+$0xFFFFFEC0];
	v49 =	vbroadcast v45, $0x0;
	v44 =	vadd.s32 v6, v37  }
0xa0: {  	v62 =	vld [tilespmem:s30+$0xFFFFFE80];
	v51 =	vbroadcast v53, $0x0;
	v47 =	vbroadcast v54, $0x0;
	v63 =	vadd.s32 v12, v50  }
0xa1: {  	v45 =	vld [tilespmem:s30+$0xFFFFFF00];
	v54 =	vadd.f32 v57, v36;
	v57 =	vadd.f32 v58, v36;
	v58 =	vadd.s32 v19, v49  }
0xa2: {  	v53 =	vshll.u32 v39, v1;
	v3 =	vld [tilespmem:s30+$0xFFFFFF40];
	v42 =	vbroadcast v48, $0x0;
	v41 =	vadd.s32 v15, v51  }
0xa3: {  	v5 =	vld [tilespmem:s30+$0xFFFFFF80];
	v39 =	vbroadcast v55, $0x0;
	v4 =	vadd.s32 v23, v47;
	v43 =	vadd.f32 v43, v36;
	[tilespmem:v40+s18+$0x0] =	vst.idx.msk $0xffff, v54  }
0xa4: {  	v48 =	vbroadcast v46, $0x0;
	v46 =	vld [tilespmem:s30+$0x0];
	v0 =	vadd.f32 v0, v36;
	[tilespmem:v44+s18+$0x0] =	vst.idx.msk $0xffff, v57;
	v54 =	vadd.s32 v31, v42  }
0xa5: {  	v44 =	vadd.f32 v62, v36;
	[tilespmem:v63+s18+$0x0] =	vst.idx.msk $0xffff, v43;
	v57 =	vadd.s32 v9, v39;
	v62 =	vld [tilespmem:s30+$0xFFFFFFC0]  }
0xa6: {  	v63 =	vadd.f32 v45, v36;
	v45 =	vbroadcast v38, $0x0;
	v55 =	vld [tilespmem:s30+$0x1D0];
	[tilespmem:v58+s18+$0x0] =	vst.idx.msk $0xffff, v0  }
0xa7: {  	v0 =	vadd.f32 v3, v36;
	v3 =	vadd.s32 v27, v48;
	v58 =	vld [tilespmem:s30+$0x40];
	[tilespmem:v41+s18+$0x0] =	vst.idx.msk $0xffff, v44;
	v44 =	vbroadcast v56, $0x0  }
0xa8: {  	v43 =	vbroadcast v59, $0x0;
	v59 =	vld [tilespmem:s30+$0x100];
	v56 =	vadd.s32 v10, v52;
	[tilespmem:v4+s18+$0x0] =	vst.idx.msk $0xffff, v63;
	v4 =	vadd.f32 v5, v36  }
0xa9: {  	v46 =	vadd.f32 v46, v36;
	v40 =	vbroadcast v60, $0x0;
	v63 =	vld [tilespmem:s30+$0x80];
	v5 =	vadd.s32 v6, v44;
	[tilespmem:v54+s18+$0x0] =	vst.idx.msk $0xffff, v0  }
0xaa: {  	v38 =	vbroadcast v53, $0x0;
	v0 =	vadd.s32 v12, v45;
	v54 =	vld [tilespmem:s30+$0xC0];
	[tilespmem:v57+s18+$0x0] =	vst.idx.msk $0xffff, v4;
	v4 =	vadd.f32 v62, v36  }
0xab: {  	v41 =	vbroadcast v61, $0x0;
	v61 =	vld [tilespmem:s30+$0x140];
	v57 =	vadd.s32 v15, v43;
	v55 =	vadd.f32 v55, v35  }
0xac: {  	v60 =	vadd.s32 v19, v40;
	v6 =	vld [tilespmem:$0x1FFE0];
	[tilespmem:v3+s18+$0x0] =	vst.idx.msk $0xffff, v4;
	v3 =	vadd.f32 v58, v36  }
0xad: {  	[tilespmem:v56+s18+$0x0] =	vst.idx.msk $0xffff, v55;
	v55 =	vadd.s32 v31, v38;
	v31 =	vmov v32;
	v32 =	vmov v8;
	v8 =	vld [tilespmem:$0x1FF40]  }
0xae: {  	v56 =	vld [tilespmem:s30+$0x180];
	[tilespmem:v5+s18+$0x0] =	vst.idx.msk $0xffff, v46;
	v5 =	vadd.f32 v63, v36;
	v46 =	vbroadcast v2, $0x0  }
0xaf: {  	v4 =	vadd.s32 v23, v41;
	v2 =	vld [tilespmem:s30+$0xFFFFFE50];
	[tilespmem:v0+s18+$0x0] =	vst.idx.msk $0xffff, v3;
	v0 =	vadd.f32 v54, v36  }
0xb0: {  	v53 =	vld [tilespmem:s30+$0x1E0];
	[tilespmem:v57+s18+$0x0] =	vst.idx.msk $0xffff, v5;
	v57 =	vadd.s32 v9, v46  }
0xb1: {  	v58 =	vadd.s32 v6, v50;
	v54 =	vld [tilespmem:s30+$0xFFFFFE90];
	[tilespmem:v60+s18+$0x0] =	vst.idx.msk $0xffff, v0;
	v0 =	vadd.f32 v61, v36  }
0xb2: {  	v62 =	vld [tilespmem:s30+$0x10];
	v5 =	vadd.f32 v59, v36;
	v3 =	vadd.s32 v8, v52  }
0xb3: {  	v59 =	vld [tilespmem:s30+$0xFFFFFED0];
	[tilespmem:v55+s18+$0x0] =	vst.idx.msk $0xffff, v0;
	v0 =	vadd.f32 v56, v36  }
0xb4: {  	v15 =	vmov v16;
	v9 =	vld [tilespmem:$0x1FF50];
	[tilespmem:v4+s18+$0x0] =	vst.idx.msk $0xffff, v5;
	v2 =	vadd.f32 v2, v35  }
0xb5: {  	v19 =	vmov v20;
	v60 =	vadd.s32 v15, v51;
	v61 =	vld [tilespmem:s30+$0xFFFFFF10];
	v4 =	vadd.f32 v53, v34;
	[tilespmem:v57+s18+$0x0] =	vst.idx.msk $0xffff, v0  }
0xb6: {  	v23 =	vmov v24;
	v5 =	vadd.s32 v19, v49;
	v53 =	vld [tilespmem:s30+$0xFFFFFF50];
	[tilespmem:v58+s18+$0x0] =	vst.idx.msk $0xffff, v2  }
0xb7: {  	v27 =	vmov v28;
	v55 =	vadd.s32 v23, v47;
	v56 =	vld [tilespmem:s30+$0xFFFFFF90];
	[tilespmem:v3+s18+$0x0] =	vst.idx.msk $0xffff, v4  }
0xb8: {  	v2 =	vadd.f32 v59, v35;
	v3 =	vadd.f32 v54, v35;
	v4 =	vadd.s32 v27, v42;
	v0 =	vld [tilespmem:s30+$0x1F0]  }
0xb9: {  	v63 =	vld [tilespmem:s30+$0xFFFFFFD0];
	v52 =	vadd.s32 v9, v52;
	v58 =	vadd.f32 v62, v35;
	v54 =	vadd.s32 v31, v39  }
0xba: {  	v57 =	vld [tilespmem:s30+$0x110];
	v59 =	vadd.s32 v19, v40;
	[tilespmem:v60+s18+$0x0] =	vst.idx.msk $0xffff, v3;
	v3 =	vadd.f32 v61, v35  }
0xbb: {  	[tilespmem:v5+s18+$0x0] =	vst.idx.msk $0xffff, v2;
	v5 =	vadd.s32 v10, v48;
	v2 =	vadd.f32 v53, v35;
	v53 =	vld [tilespmem:s30+$0x50]  }
0xbc: {  	[tilespmem:v55+s18+$0x0] =	vst.idx.msk $0xffff, v3;
	v3 =	vadd.f32 v56, v35;
	v55 =	vadd.s32 v11, v44;
	v56 =	vld [tilespmem:s30+$0x90]  }
0xbd: {  	[tilespmem:v4+s18+$0x0] =	vst.idx.msk $0xffff, v2;
	v2 =	vadd.s32 v6, v45;
	v4 =	vld [tilespmem:s30+$0xD0];
	v0 =	vadd.f32 v0, v33  }
0xbe: {  	v20 =	vmov v21;
	[tilespmem:v54+s18+$0x0] =	vst.idx.msk $0xffff, v3;
	v3 =	vadd.f32 v63, v35;
	v54 =	vadd.s32 v15, v43  }
0xbf: {  	v60 =	vld [tilespmem:s30+$0x150];
	v61 =	vadd.s32 v20, v49;
	v49 =	vadd.s32 v22, v49;
	[tilespmem:v52+s18+$0x0] =	vst.idx.msk $0xffff, v0  }
0xc0: {  	[tilespmem:v5+s18+$0x0] =	vst.idx.msk $0xffff, v3;
	v0 =	vadd.f32 v53, v35;
	v3 =	vadd.s32 v23, v41;
	v5 =	vld [tilespmem:s30+$0x190]  }
0xc1: {  	v52 =	vld [tilespmem:s30+$0xFFFFFE10];
	v53 =	vadd.f32 v57, v35;
	[tilespmem:v55+s18+$0x0] =	vst.idx.msk $0xffff, v58;
	v63 =	vadd.f32 v56, v35  }
0xc2: {  	v55 =	vadd.s32 v27, v38;
	v56 =	vld [tilespmem:s30+$0xFFFFFE60];
	[tilespmem:v2+s18+$0x0] =	vst.idx.msk $0xffff, v0;
	v0 =	vadd.f32 v4, v35  }
0xc3: {  	v12 =	vmov v13;
	v6 =	vld [tilespmem:$0x1FFC0];
	v2 =	vadd.s32 v31, v46;
	v4 =	vadd.s32 v11, v37;
	[tilespmem:v54+s18+$0x0] =	vst.idx.msk $0xffff, v63  }
0xc4: {  	v16 =	vmov v17;
	v58 =	vld [tilespmem:s30+$0xFFFFFEA0];
	v54 =	vadd.s32 v12, v50;
	[tilespmem:v59+s18+$0x0] =	vst.idx.msk $0xffff, v0;
	v0 =	vadd.f32 v60, v35  }
0xc5: {  	v28 =	vmov v29;
	v57 =	vld [tilespmem:s30+$0xFFFFFEE0];
	v59 =	vadd.s32 v16, v51;
	[tilespmem:v3+s18+$0x0] =	vst.idx.msk $0xffff, v53;
	v3 =	vadd.f32 v5, v35  }
0xc6: {  	v24 =	vmovc v25;
	v60 =	vld [tilespmem:s30+$0xFFFFFF20];
	v5 =	vadd.f32 v52, v35;
	v52 =	vadd.s32 v28, v38;
	v38 =	vadd.s32 v30, v38  }
0xc7: {  	v62 =	vld [tilespmem:s30+$0xFFFFFF60];
	[tilespmem:v55+s18+$0x0] =	vst.idx.msk $0xffff, v0;
	v0 =	vadd.f32 v56, v34;
	v55 =	vadd.s32 v24, v47  }
0xc8: {  	v63 =	vld [tilespmem:s30+$0xFFFFFFA0];
	v56 =	vadd.s32 v6, v37;
	v47 =	vadd.s32 v26, v47;
	[tilespmem:v2+s18+$0x0] =	vst.idx.msk $0xffff, v3  }
0xc9: {  	[tilespmem:v4+s18+$0x0] =	vst.idx.msk $0xffff, v5;
	v2 =	vadd.f32 v58, v34;
	v3 =	vadd.s32 v28, v42;
	v4 =	vld [tilespmem:s30+$0xFFFFFFE0]  }
0xca: {  	v5 =	vadd.s32 v32, v39;
	v58 =	vld [tilespmem:s30+$0x60];
	[tilespmem:v54+s18+$0x0] =	vst.idx.msk $0xffff, v0;
	v0 =	vadd.f32 v57, v34  }
0xcb: {  	v42 =	vadd.s32 v30, v42;
	v54 =	vld [tilespmem:s30+$0x20];
	[tilespmem:v59+s18+$0x0] =	vst.idx.msk $0xffff, v2;
	v2 =	vadd.f32 v60, v34  }
0xcc: {  	v57 =	vadd.s32 v8, v48;
	v48 =	vadd.s32 v9, v48;
	v60 =	vld [tilespmem:s30+$0xE0];
	[tilespmem:v61+s18+$0x0] =	vst.idx.msk $0xffff, v0  }
0xcd: {  	v0 =	vadd.f32 v62, v34;
	v61 =	vadd.s32 v6, v44;
	v62 =	vld [tilespmem:s30+$0xA0];
	[tilespmem:v55+s18+$0x0] =	vst.idx.msk $0xffff, v2  }
0xce: {  	v59 =	vld [tilespmem:s30+$0xFFFFFE20];
	v2 =	vadd.f32 v63, v34;
	v63 =	vadd.s32 v12, v45;
	v55 =	vadd.s32 v32, v46  }
0xcf: {  	v53 =	vld [tilespmem:s30+$0xFFFFFE70];
	[tilespmem:v3+s18+$0x0] =	vst.idx.msk $0xffff, v0;
	v0 =	vadd.f32 v4, v34;
	v3 =	vadd.s32 v16, v43  }
0xd0: {  	v45 =	vadd.s32 v14, v45;
	v4 =	vld [tilespmem:s30+$0x120];
	[tilespmem:v5+s18+$0x0] =	vst.idx.msk $0xffff, v2;
	v2 =	vadd.f32 v54, v34  }
0xd1: {  	v5 =	vadd.s32 v20, v40;
	v54 =	vld [tilespmem:s30+$0x160];
	[tilespmem:v57+s18+$0x0] =	vst.idx.msk $0xffff, v0;
	v0 =	vadd.f32 v58, v34  }
0xd2: {  	v57 =	vadd.s32 v24, v41;
	v58 =	vld [tilespmem:s30+$0x1A0];
	[tilespmem:v61+s18+$0x0] =	vst.idx.msk $0xffff, v2;
	v2 =	vadd.f32 v62, v34  }
0xd3: {  	v6 =	vld [tilespmem:$0x1FFD0];
	v46 =	vadd.s32 v7, v46;
	v61 =	vadd.f32 v59, v34;
	[tilespmem:v63+s18+$0x0] =	vst.idx.msk $0xffff, v0  }
0xd4: {  	v41 =	vadd.s32 v26, v41;
	v0 =	vadd.f32 v60, v34;
	v60 =	vld [tilespmem:s30+$0xFFFFFEB0];
	[tilespmem:v3+s18+$0x0] =	vst.idx.msk $0xffff, v2  }
0xd5: {  	v2 =	vadd.f32 v4, v34;
	v3 =	vadd.s32 v14, v50;
	v4 =	vld [tilespmem:s30+$0xFFFFFEF0];
	[tilespmem:v56+s18+$0x0] =	vst.idx.msk $0xffff, v61  }
0xd6: {  	v50 =	vadd.s32 v18, v51;
	v51 =	vld [tilespmem:s30+$0xFFFFFF30];
	[tilespmem:v5+s18+$0x0] =	vst.idx.msk $0xffff, v0;
	v0 =	vadd.f32 v54, v34  }
0xd7: {  	s1 =	sadd.s32 $0x3, s31;
	v62 =	vadd.f32 v53, v33;
	[tilespmem:v57+s18+$0x0] =	vst.idx.msk $0xffff, v2;
	v2 =	vadd.f32 v58, v34;
	v57 =	vld [tilespmem:s30+$0xFFFFFF70]  }
0xd8: {  	v53 =	vld [tilespmem:s30+$0xFFFFFFB0];
	v44 =	vadd.s32 v6, v44;
	v37 =	vadd.s32 v6, v37;
	v56 =	vmov s1;
	s1 =	sadd.s32 $0x5, s31;
	[tilespmem:v52+s18+$0x0] =	vst.idx.msk $0xffff, v0  }
0xd9: {  	v5 =	vmov s31;
	v54 =	vmov s1;
	[tilespmem:v55+s18+$0x0] =	vst.idx.msk $0xffff, v2;
	v63 =	vadd.f32 v60, v33;
	v55 =	vld [tilespmem:s30+$0xFFFFFFF0]  }
0xda: {  	s0 =	sadd.s32 $0x1, s31;
	s9 =	sadd.s32 $0x2, s31;
	v5 =	vshrl.u32 v5, $0x3;
	[tilespmem:v3+s18+$0x0] =	vst.idx.msk $0xffff, v62;
	v3 =	vadd.f32 v4, v33;
	v4 =	vadd.s32 v7, v39;
	v39 =	vld [tilespmem:s30+$0x30]  }
0xdb: {  	v61 =	vld [tilespmem:s30+$0x70];
	v0 =	vmov s0;
	v2 =	vmov s9;
	s9 =	sadd.s32 $0x4, s31;
	v60 =	vadd.f32 v51, v33;
	[tilespmem:v50+s18+$0x0] =	vst.idx.msk $0xffff, v63  }
0xdc: {  	s1 =	sadd.s32 $0x7, s31;
	v5 =	vshll.u32 v5, v1;
	v52 =	vmov s9;
	v62 =	vld [tilespmem:s30+$0xB0];
	[tilespmem:v49+s18+$0x0] =	vst.idx.msk $0xffff, v3;
	v3 =	vadd.f32 v57, v33  }
0xdd: {  	v63 =	vadd.f32 v53, v33;
	v53 =	vmov s1;
	s1 =	sadd.s32 $0x9, s31;
	v51 =	vshrl.u32 v52, $0x3;
	[tilespmem:v47+s18+$0x0] =	vst.idx.msk $0xffff, v60;
	v47 =	vld [tilespmem:s30+$0x1B0]  }
0xde: {  	s9 =	sadd.s32 $0x6, s31;
	v50 =	vld [tilespmem:s30+$0xF0];
	v58 =	vmov s1;
	s1 =	sadd.s32 $0xB, s31;
	[tilespmem:v42+s18+$0x0] =	vst.idx.msk $0xffff, v3;
	v3 =	vadd.f32 v55, v33;
	v42 =	vadd.s32 v18, v43  }
0xdf: {  	v57 =	vmov s9;
	s9 =	sadd.s32 $0x8, s31;
	v60 =	vmov s1;
	v43 =	vld [tilespmem:s30+$0x130];
	[tilespmem:v4+s18+$0x0] =	vst.idx.msk $0xffff, v63;
	v4 =	vadd.f32 v39, v33  }
0xe0: {  	v55 =	vmov s9;
	s9 =	sadd.s32 $0xA, s31;
	v39 =	vadd.s32 v22, v40;
	v40 =	vld [tilespmem:s30+$0x170];
	[tilespmem:v48+s18+$0x0] =	vst.idx.msk $0xffff, v3;
	v3 =	vadd.f32 v61, v33  }
0xe1: {  	v49 =	vshrl.u32 v57, $0x3;
	v59 =	vmov s9;
	s9 =	sadd.s32 $0xC, s31;
	v48 =	vld [tilespmem:s30+$0xFFFFFE30];
	[tilespmem:v44+s18+$0x0] =	vst.idx.msk $0xffff, v4;
	v4 =	vadd.f32 v62, v33  }
0xe2: {  	s1 =	sadd.s32 $0xD, s31;
	v61 =	vmov s9;
	s9 =	sadd.s32 $0xE, s31;
	v44 =	vshrl.u32 v0, $0x3;
	v0 =	vadd.f32 v47, v33;
	[tilespmem:v45+s18+$0x0] =	vst.idx.msk $0xffff, v3  }
0xe3: {  	p1 =	slt.u32 s31, $0x70;
	v62 =	vmov s1;
	v63 =	vmov s9;
	v3 =	vadd.f32 v50, v33;
	[tilespmem:v42+s18+$0x0] =	vst.idx.msk $0xffff, v4  }
.Ltmp0:
0xe4: {  	v47 =	vshrl.u32 v55, $0x3;
	v50 =	vshrl.u32 v2, $0x3;
	v4 =	vadd.f32 v43, v33;
	[tilespmem:v46+s18+$0x0] =	vst.idx.msk $0xffff, v0;
	(pc) =	sbr.rel @p1 .LBB2_3-.Ltmp0, $4  }
0xe5: {  	v45 =	vshrl.u32 v56, $0x3;
	v46 =	vshrl.u32 v53, $0x3;
	[tilespmem:v39+s18+$0x0] =	vst.idx.msk $0xffff, v3;
	v3 =	vadd.f32 v40, v33  }
0xe6: {  	v29 =	vmovc v30;
	v42 =	vshrl.u32 v59, $0x3;
	v43 =	vshrl.u32 v60, $0x3;
	[tilespmem:v41+s18+$0x0] =	vst.idx.msk $0xffff, v4;
	v2 =	vadd.f32 v48, v33  }
0xe7: {  	v21 =	vmovc v22;
	v13 =	vmovc v14;
	v40 =	vshrl.u32 v61, $0x3;
	v39 =	vshrl.u32 v62, $0x3;
	v48 =	vshrl.u32 v54, $0x3;
	[tilespmem:v38+s18+$0x0] =	vst.idx.msk $0xffff, v3  }
0xe8: {  	v17 =	vmovc v18;
	v25 =	vmovc v26;
	s1 =	sadd.s32 $0xF, s31;
	s31 =	sadd.s32 $0x10, s31;
	v41 =	vshrl.u32 v63, $0x3;
	v38 =	vshrl.u32 v58, $0x3;
	[tilespmem:v37+s18+$0x0] =	vst.idx.msk $0xffff, v2;
	v37 =	vbroadcast v5, $0x0  }
0xe9: {  	v6 =	vld [tilespmem:$0x1FF20]  }
0xea: {  	v3 =	vmov s1;
	v9 =	vld [tilespmem:$0x1FF60]  }
0xeb: {  	v10 =	vld [tilespmem:$0x1FF70];
	v3 =	vshrl.u32 v3, $0x3  }
0xec: {  	v0 =	vshll.u32 v44, v1;
	s30 =	sadd.s32 $0x400, s30;
	v14 =	vld [tilespmem:$0x1FF80];
	v3 =	vshll.u32 v3, v1  }
0xed: {  	v2 =	vshll.u32 v50, v1;
	v4 =	vshll.u32 v45, v1;
	v60 =	vld [tilespmem:s30+$0x1C0];
	v3 =	vbroadcast v3, $0x0  }
0xee: {  	v5 =	vshll.u32 v51, v1;
	v50 =	vshll.u32 v38, v1;
	v52 =	vshll.u32 v43, v1;
	v61 =	vld [tilespmem:s30+$0xFFFFFE00]  }
0xef: {  	v43 =	vld [tilespmem:s30+$0xFFFFFE40];
	v38 =	vbroadcast v0, $0x0;
	v0 =	vshll.u32 v40, v1;
	v53 =	vadd.s32 v6, v3  }
0xf0: {  	v55 =	vld [tilespmem:s30+$0xFFFFFE80];
	v40 =	vbroadcast v2, $0x0;
	v2 =	vshll.u32 v39, v1;
	v54 =	vadd.s32 v9, v37  }
0xf1: {  	v39 =	vbroadcast v4, $0x0;
	v4 =	vshll.u32 v41, v1;
	v56 =	vadd.s32 v10, v38  }
0xf2: {  	v18 =	vld [tilespmem:$0x1FF90];
	v41 =	vbroadcast v5, $0x0;
	v58 =	vadd.s32 v14, v40;
	v5 =	vadd.f32 v60, v36  }
0xf3: {  	v44 =	vshll.u32 v48, v1;
	v57 =	vld [tilespmem:s30+$0xFFFFFEC0];
	v48 =	vadd.f32 v61, v36  }
0xf4: {  	v59 =	vld [tilespmem:s30+$0xFFFFFF00];
	v62 =	vadd.f32 v43, v36;
	[tilespmem:v53+s18+$0x0] =	vst.idx.msk $0xffff, v5  }
0xf5: {  	v63 =	vadd.f32 v55, v36;
	v22 =	vld [tilespmem:$0x1FFA0];
	[tilespmem:v54+s18+$0x0] =	vst.idx.msk $0xffff, v48  }
0xf6: {  	v26 =	vld [tilespmem:$0x1FFB0];
	[tilespmem:v56+s18+$0x0] =	vst.idx.msk $0xffff, v62  }
0xf7: {  	v30 =	vld [tilespmem:$0x1FFF0];
	[tilespmem:v58+s18+$0x0] =	vst.idx.msk $0xffff, v63  }
0xf8: {  	v45 =	vshll.u32 v49, v1;
	v8 =	vld [tilespmem:$0x1FF30]  }
0xf9: {  	v51 =	vshll.u32 v42, v1;
	v42 =	vbroadcast v44, $0x0;
	v49 =	vadd.s32 v18, v39;
	v60 =	vld [tilespmem:s30+$0xFFFFFF40]  }
0xfa: {  	v43 =	vbroadcast v45, $0x0;
	v53 =	vld [tilespmem:s30+$0xFFFFFF80];
	v5 =	vadd.s32 v22, v41  }
0xfb: {  	v46 =	vshll.u32 v46, v1;
	v47 =	vshll.u32 v47, v1;
	v54 =	vld [tilespmem:s30+$0x1D0];
	v48 =	vadd.s32 v26, v42  }
0xfc: {  	v44 =	vbroadcast v46, $0x0;
	v55 =	vadd.f32 v57, v36;
	v57 =	vld [tilespmem:s30+$0xFFFFFFC0];
	v56 =	vadd.s32 v30, v43  }
0xfd: {  	v45 =	vbroadcast v47, $0x0;
	v58 =	vadd.f32 v59, v36;
	v59 =	vld [tilespmem:s30+$0x0];
	v61 =	vadd.s32 v8, v3  }
0xfe: {  	v46 =	vbroadcast v50, $0x0;
	[tilespmem:v49+s18+$0x0] =	vst.idx.msk $0xffff, v55;
	v49 =	vadd.f32 v60, v36;
	v55 =	vadd.s32 v6, v44;
	v60 =	vld [tilespmem:s30+$0x40]  }
0xff: {  	v47 =	vbroadcast v51, $0x0;
	[tilespmem:v5+s18+$0x0] =	vst.idx.msk $0xffff, v58;
	v5 =	vadd.f32 v53, v36;
	v53 =	vadd.s32 v9, v45;
	v58 =	vld [tilespmem:s30+$0x80]  }
0x100: {  	v62 =	vadd.s32 v10, v46;
	v63 =	vld [tilespmem:s30+$0xC0];
	v50 =	vadd.f32 v54, v35;
	[tilespmem:v48+s18+$0x0] =	vst.idx.msk $0xffff, v49;
	v48 =	vbroadcast v52, $0x0  }
0x101: {  	v52 =	vadd.s32 v14, v47;
	[tilespmem:v56+s18+$0x0] =	vst.idx.msk $0xffff, v5;
	v5 =	vadd.f32 v57, v36  }
0x102: {  	v49 =	vbroadcast v0, $0x0;
	v0 =	vadd.f32 v59, v36;
	[tilespmem:v61+s18+$0x0] =	vst.idx.msk $0xffff, v50;
	v61 =	vadd.s32 v18, v48  }
0x103: {  	v50 =	vbroadcast v2, $0x0;
	v2 =	vadd.f32 v60, v36;
	[tilespmem:v55+s18+$0x0] =	vst.idx.msk $0xffff, v5  }
0x104: {  	v54 =	vld [tilespmem:s30+$0x100];
	[tilespmem:v53+s18+$0x0] =	vst.idx.msk $0xffff, v0;
	v0 =	vadd.f32 v58, v36  }
0x105: {  	v51 =	vbroadcast v4, $0x0;
	v4 =	vadd.f32 v63, v36;
	v57 =	vld [tilespmem:s30+$0x140];
	[tilespmem:v62+s18+$0x0] =	vst.idx.msk $0xffff, v2  }
0x106: {  	v5 =	vadd.s32 v22, v49;
	v9 =	vld [tilespmem:$0x1FF40];
	[tilespmem:v52+s18+$0x0] =	vst.idx.msk $0xffff, v0  }
0x107: {  	v58 =	vld [tilespmem:s30+$0x180];
	[tilespmem:v61+s18+$0x0] =	vst.idx.msk $0xffff, v4  }
0x108: {  	v61 =	vld [tilespmem:$0x1FFE0]  }
0x109: {  	v53 =	vadd.s32 v26, v50;
	v0 =	vld [tilespmem:s30+$0xFFFFFE90];
	v52 =	vadd.f32 v54, v36  }
0x10a: {  	v55 =	vld [tilespmem:s30+$0x1E0];
	v54 =	vadd.s32 v30, v51  }
0x10b: {  	v2 =	vld [tilespmem:s30+$0xFFFFFE50];
	[tilespmem:v5+s18+$0x0] =	vst.idx.msk $0xffff, v52;
	v5 =	vadd.s32 v15, v40  }
0x10c: {  	v57 =	vadd.f32 v57, v36;
	v59 =	vadd.s32 v9, v3  }
0x10d: {  	v63 =	vadd.f32 v58, v36;
	v4 =	vadd.s32 v61, v38  }
0x10e: {  	[tilespmem:v53+s18+$0x0] =	vst.idx.msk $0xffff, v57;
	v0 =	vadd.f32 v0, v35  }
0x10f: {  	v52 =	vld [tilespmem:s30+$0xFFFFFF10];
	v55 =	vadd.f32 v55, v34;
	[tilespmem:v54+s18+$0x0] =	vst.idx.msk $0xffff, v63  }
0x110: {  	v56 =	vld [tilespmem:s30+$0xFFFFFED0];
	v2 =	vadd.f32 v2, v35;
	[tilespmem:v5+s18+$0x0] =	vst.idx.msk $0xffff, v0  }
0x111: {  	v60 =	vadd.s32 v23, v41;
	v62 =	vld [tilespmem:s30+$0xFFFFFF90];
	[tilespmem:v59+s18+$0x0] =	vst.idx.msk $0xffff, v55  }
0x112: {  	v57 =	vld [tilespmem:s30+$0xFFFFFF50];
	[tilespmem:v4+s18+$0x0] =	vst.idx.msk $0xffff, v2  }
0x113: {  	v53 =	vadd.s32 v19, v39;
	v10 =	vld [tilespmem:$0x1FF50]  }
0x114: {  	v0 =	vadd.f32 v52, v35;
	v5 =	vld [tilespmem:s30+$0x10];
	v4 =	vadd.s32 v31, v43  }
0x115: {  	v63 =	vadd.s32 v27, v42;
	v2 =	vadd.f32 v56, v35;
	v56 =	vld [tilespmem:s30+$0xFFFFFFD0]  }
0x116: {  	v54 =	vld [tilespmem:s30+$0x1F0];
	[tilespmem:v60+s18+$0x0] =	vst.idx.msk $0xffff, v0;
	v60 =	vadd.s32 v11, v45  }
0x117: {  	v52 =	vadd.s32 v8, v44;
	v0 =	vadd.f32 v62, v35;
	v62 =	vld [tilespmem:s30+$0x90]  }
0x118: {  	[tilespmem:v53+s18+$0x0] =	vst.idx.msk $0xffff, v2;
	v2 =	vadd.f32 v57, v35;
	v3 =	vadd.s32 v10, v3  }
0x119: {  	v5 =	vadd.f32 v5, v35;
	v53 =	vld [tilespmem:s30+$0x50];
	[tilespmem:v4+s18+$0x0] =	vst.idx.msk $0xffff, v0;
	v4 =	vadd.s32 v15, v47  }
0x11a: {  	[tilespmem:v63+s18+$0x0] =	vst.idx.msk $0xffff, v2;
	v0 =	vadd.f32 v56, v35;
	v56 =	vld [tilespmem:s30+$0x110]  }
0x11b: {  	v54 =	vadd.f32 v54, v33;
	v2 =	vadd.s32 v61, v46;
	v63 =	vld [tilespmem:s30+$0xD0];
	[tilespmem:v60+s18+$0x0] =	vst.idx.msk $0xffff, v5  }
0x11c: {  	v5 =	vld [tilespmem:s30+$0xFFFFFE10];
	v60 =	vadd.f32 v62, v35;
	[tilespmem:v52+s18+$0x0] =	vst.idx.msk $0xffff, v0;
	v52 =	vadd.s32 v23, v49  }
0x11d: {  	v55 =	vld [tilespmem:s30+$0xFFFFFEA0];
	[tilespmem:v3+s18+$0x0] =	vst.idx.msk $0xffff, v54;
	v3 =	vadd.s32 v19, v48  }
0x11e: {  	v0 =	vadd.f32 v53, v35;
	v53 =	vld [tilespmem:s30+$0x190];
	[tilespmem:v4+s18+$0x0] =	vst.idx.msk $0xffff, v60;
	v4 =	vadd.s32 v11, v37  }
0x11f: {  	v56 =	vadd.f32 v56, v35;
	v54 =	vld [tilespmem:s30+$0x150]  }
0x120: {  	[tilespmem:v2+s18+$0x0] =	vst.idx.msk $0xffff, v0;
	v0 =	vld [tilespmem:s30+$0xFFFFFE60];
	v2 =	vadd.f32 v63, v35;
	v63 =	vadd.s32 v31, v51  }
0x121: {  	v5 =	vadd.f32 v5, v35;
	[tilespmem:v52+s18+$0x0] =	vst.idx.msk $0xffff, v56;
	v52 =	vadd.s32 v16, v40  }
0x122: {  	[tilespmem:v3+s18+$0x0] =	vst.idx.msk $0xffff, v2;
	v2 =	vadd.s32 v12, v38;
	v3 =	vld [tilespmem:s30+$0xFFFFFEE0]  }
0x123: {  	v62 =	vadd.s32 v27, v50;
	v53 =	vadd.f32 v53, v35;
	[tilespmem:v4+s18+$0x0] =	vst.idx.msk $0xffff, v5  }
0x124: {  	v4 =	vadd.f32 v55, v34;
	v54 =	vadd.f32 v54, v35;
	v35 =	vadd.s32 v20, v39  }
0x125: {  	v0 =	vadd.f32 v0, v34;
	[tilespmem:v63+s18+$0x0] =	vst.idx.msk $0xffff, v53  }
0x126: {  	v60 =	vld [tilespmem:s30+$0xFFFFFF60];
	[tilespmem:v52+s18+$0x0] =	vst.idx.msk $0xffff, v4  }
0x127: {  	v56 =	vld [tilespmem:s30+$0xFFFFFF20];
	[tilespmem:v2+s18+$0x0] =	vst.idx.msk $0xffff, v0;
	v0 =	vadd.f32 v3, v34  }
0x128: {  	v63 =	vld [tilespmem:s30+$0xFFFFFFA0];
	[tilespmem:v62+s18+$0x0] =	vst.idx.msk $0xffff, v54  }
0x129: {  	v55 =	vld [tilespmem:s30+$0xFFFFFFE0];
	v62 =	vadd.s32 v24, v41;
	[tilespmem:v35+s18+$0x0] =	vst.idx.msk $0xffff, v0  }
0x12a: {  	v5 =	vadd.s32 v28, v42;
	v58 =	vld [tilespmem:$0x1FFC0]  }
0x12b: {  	v2 =	vadd.s32 v32, v43;
	v3 =	vld [tilespmem:s30+$0x20]  }
0x12c: {  	v4 =	vadd.f32 v56, v34;
	v52 =	vadd.s32 v9, v44;
	v56 =	vld [tilespmem:s30+$0x60]  }
0x12d: {  	v0 =	vadd.f32 v60, v34;
	v60 =	vld [tilespmem:s30+$0xA0]  }
0x12e: {  	[tilespmem:v62+s18+$0x0] =	vst.idx.msk $0xffff, v4;
	v4 =	vadd.f32 v63, v34;
	v62 =	vadd.s32 v12, v46;
	v63 =	vld [tilespmem:s30+$0xE0]  }
0x12f: {  	[tilespmem:v5+s18+$0x0] =	vst.idx.msk $0xffff, v0;
	v0 =	vadd.f32 v55, v34;
	v35 =	vadd.s32 v58, v45  }
0x130: {  	[tilespmem:v2+s18+$0x0] =	vst.idx.msk $0xffff, v4;
	v2 =	vadd.f32 v3, v34;
	v3 =	vadd.s32 v20, v48;
	v4 =	vld [tilespmem:s30+$0x160]  }
0x131: {  	v5 =	vadd.s32 v16, v47;
	v55 =	vld [tilespmem:s30+$0x120];
	[tilespmem:v52+s18+$0x0] =	vst.idx.msk $0xffff, v0;
	v0 =	vadd.f32 v56, v34  }
0x132: {  	v59 =	vadd.s32 v28, v50;
	v52 =	vadd.s32 v24, v49;
	v56 =	vld [tilespmem:s30+$0x1A0]  }
0x133: {  	v57 =	vadd.f32 v60, v34;
	[tilespmem:v62+s18+$0x0] =	vst.idx.msk $0xffff, v0;
	v0 =	vld [tilespmem:s30+$0xFFFFFE70];
	v60 =	vadd.f32 v63, v34  }
0x134: {  	v62 =	vadd.s32 v32, v51;
	[tilespmem:v35+s18+$0x0] =	vst.idx.msk $0xffff, v2;
	v2 =	vld [tilespmem:s30+$0xFFFFFE20]  }
0x135: {  	v36 =	vld [tilespmem:s30+$0xFFFFFEF0];
	[tilespmem:v3+s18+$0x0] =	vst.idx.msk $0xffff, v60;
	v3 =	vadd.s32 v13, v38;
	v4 =	vadd.f32 v4, v34  }
0x136: {  	v63 =	vld [tilespmem:s30+$0xFFFFFEB0];
	[tilespmem:v5+s18+$0x0] =	vst.idx.msk $0xffff, v57;
	v5 =	vadd.s32 v58, v37;
	v55 =	vadd.f32 v55, v34  }
0x137: {  	v57 =	vadd.f32 v56, v34;
	[tilespmem:v59+s18+$0x0] =	vst.idx.msk $0xffff, v4;
	v4 =	vadd.s32 v21, v39  }
0x138: {  	v38 =	vadd.s32 v17, v40;
	[tilespmem:v52+s18+$0x0] =	vst.idx.msk $0xffff, v55;
	v0 =	vadd.f32 v0, v33  }
0x139: {  	v59 =	vld [tilespmem:s30+$0xFFFFFF70];
	[tilespmem:v62+s18+$0x0] =	vst.idx.msk $0xffff, v57;
	v2 =	vadd.f32 v2, v34  }
0x13a: {  	[tilespmem:v3+s18+$0x0] =	vst.idx.msk $0xffff, v0;
	v0 =	vadd.f32 v36, v33  }
0x13b: {  	v40 =	vld [tilespmem:s30+$0xFFFFFF30];
	[tilespmem:v5+s18+$0x0] =	vst.idx.msk $0xffff, v2;
	v2 =	vadd.f32 v63, v33  }
0x13c: {  	v62 =	vld [tilespmem:s30+$0xFFFFFFB0];
	[tilespmem:v4+s18+$0x0] =	vst.idx.msk $0xffff, v0  }
0x13d: {  	v60 =	vadd.s32 v25, v41;
	v63 =	vld [tilespmem:s30+$0xFFFFFFF0];
	[tilespmem:v38+s18+$0x0] =	vst.idx.msk $0xffff, v2  }
0x13e: {  	v0 =	vadd.f32 v59, v33;
	v5 =	vadd.s32 v29, v42;
	v59 =	vld [tilespmem:$0x1FFD0]  }
0x13f: {  	v3 =	vadd.s32 v7, v43  }
0x140: {  	v53 =	vadd.s32 v10, v44;
	v54 =	vld [tilespmem:s30+$0x70];
	v2 =	vadd.f32 v40, v33  }
0x141: {  	v52 =	vld [tilespmem:s30+$0x30]  }
0x142: {  	v56 =	vadd.s32 v13, v46;
	v57 =	vld [tilespmem:s30+$0xF0];
	[tilespmem:v60+s18+$0x0] =	vst.idx.msk $0xffff, v2;
	v2 =	vadd.f32 v62, v33  }
0x143: {  	v55 =	vld [tilespmem:s30+$0xB0];
	[tilespmem:v5+s18+$0x0] =	vst.idx.msk $0xffff, v0;
	v0 =	vadd.f32 v63, v33;
	v4 =	vadd.s32 v59, v45  }
0x144: {  	v46 =	vld [tilespmem:s30+$0xFFFFFE30];
	[tilespmem:v3+s18+$0x0] =	vst.idx.msk $0xffff, v2;
	v3 =	vadd.s32 v21, v48  }
0x145: {  	v60 =	vld [tilespmem:s30+$0x130];
	v5 =	vadd.s32 v17, v47;
	[tilespmem:v53+s18+$0x0] =	vst.idx.msk $0xffff, v0;
	v0 =	vadd.f32 v54, v33  }
0x146: {  	v62 =	vld [tilespmem:s30+$0x170];
	v2 =	vadd.f32 v52, v33;
	v48 =	vadd.s32 v59, v37  }
0x147: {  	v63 =	vadd.s32 v25, v49;
	v45 =	vld [tilespmem:s30+$0x1B0];
	[tilespmem:v56+s18+$0x0] =	vst.idx.msk $0xffff, v0;
	v0 =	vadd.f32 v57, v33  }
0x148: {  	[tilespmem:v4+s18+$0x0] =	vst.idx.msk $0xffff, v2;
	v2 =	vadd.f32 v55, v33;
	v4 =	vadd.s32 v29, v50  }
0x149: {  	v47 =	vadd.s32 v7, v51;
	[tilespmem:v3+s18+$0x0] =	vst.idx.msk $0xffff, v0;
	v3 =	vadd.f32 v46, v33  }
0x14a: {  	[tilespmem:v5+s18+$0x0] =	vst.idx.msk $0xffff, v2;
	v2 =	vadd.f32 v60, v33  }
0x14b: {  	v0 =	vadd.f32 v62, v33;
	[tilespmem:v48+s18+$0x0] =	vst.idx.msk $0xffff, v3  }
0x14c: {  	[tilespmem:v63+s18+$0x0] =	vst.idx.msk $0xffff, v2;
	v2 =	vadd.f32 v45, v33  }
0x14d: {  	[tilespmem:v4+s18+$0x0] =	vst.idx.msk $0xffff, v0  }
0x14e: {  	s30 =	simm.s32 $0x9;
	[tilespmem:v47+s18+$0x0] =	vst.idx.msk $0xffff, v2  }
0x14f: {  	v3 =	vmov s30;
	s30 =	simm.s32 $0xC;
	v36 =	vld [tilespmem:s29+$0x6440]  }
0x150: {  	s0 =	simm.s32 $0x0;
	s1 =	simm.s32 $0xA;
	v49 =	vmov s30;
	v3 =	vshrl.u32 v3, $0x3;
	v35 =	vld [tilespmem:s29+$0x6450]  }
0x151: {  	s9 =	simm.s32 $0x8;
	v3 =	vshll.u32 v3, v1;
	v0 =	vmov s0;
	v4 =	vmov s1;
	s1 =	simm.s32 $0xF;
	v34 =	vld [tilespmem:s29+$0x6460]  }
0x152: {  	v2 =	vmov s9;
	s9 =	simm.s32 $0xB;
	v0 =	vshrl.u32 v0, $0x3;
	v51 =	vmov s1;
	v33 =	vld [tilespmem:s29+$0x6470]  }
0x153: {  	v4 =	vshrl.u32 v4, $0x3;
	v5 =	vmov s9;
	v53 =	vshrl.u32 v51, $0x3;
	v57 =	vld [tilespmem:$0x1FF60]  }
0x154: {  	s9 =	simm.s32 $0xD;
	v0 =	vshll.u32 v0, v1;
	s29 =	simm.s32 $0xB9F0;
	v2 =	vshrl.u32 v2, $0x3;
	v60 =	vld [tilespmem:$0x1FF70];
	v37 =	vshll.u32 v53, v1  }
0x155: {  	v4 =	vshll.u32 v4, v1;
	v50 =	vmov s9;
	v41 =	vld [tilespmem:s29+$0xFFFFFFD0];
	v45 =	vbroadcast v37, $0x0  }
0x156: {  	s9 =	simm.s32 $0xE;
	v5 =	vshrl.u32 v5, $0x3;
	v54 =	vld [tilespmem:s29+$0xFFFFFC10];
	v2 =	vshll.u32 v2, v1;
	v37 =	vbroadcast v0, $0x0  }
0x157: {  	v39 =	vld [tilespmem:s29+$0xFFFFFC50];
	v52 =	vmov s9;
	v0 =	vshrl.u32 v49, $0x3;
	v43 =	vadd.s32 v6, v45  }
0x158: {  	v46 =	vld [tilespmem:s29+$0xFFFFFC90];
	v55 =	vshrl.u32 v50, $0x3;
	v5 =	vshll.u32 v5, v1;
	v44 =	vadd.s32 v57, v37  }
0x159: {  	v48 =	vld [tilespmem:s29+$0xFFFFFCD0];
	v40 =	vshrl.u32 v52, $0x3;
	v0 =	vshll.u32 v0, v1;
	v47 =	vadd.s32 v60, v37  }
0x15a: {  	v50 =	vld [tilespmem:s29+$0xFFFFFD10];
	v51 =	vshll.u32 v55, v1;
	v49 =	vadd.s32 v14, v37;
	v56 =	vadd.f32 v41, v36  }
0x15b: {  	v52 =	vld [tilespmem:s29+$0xFFFFFD50];
	v63 =	vadd.s32 v18, v37;
	v53 =	vshll.u32 v40, v1;
	v62 =	vadd.f32 v54, v36  }
0x15c: {  	v40 =	vadd.s32 v22, v37;
	v39 =	vadd.f32 v39, v36;
	[tilespmem:v43+s19+$0x0] =	vst.idx.msk $0xffff, v56;
	v43 =	vld [tilespmem:s29+$0xFFFFFD90]  }
0x15d: {  	v55 =	vadd.f32 v46, v36;
	v41 =	vadd.s32 v26, v37;
	[tilespmem:v44+s19+$0x0] =	vst.idx.msk $0xffff, v62;
	v44 =	vld [tilespmem:s29+$0xFFFFFFE0]  }
0x15e: {  	v46 =	vadd.s32 v30, v37;
	v56 =	vadd.f32 v48, v36;
	[tilespmem:v47+s19+$0x0] =	vst.idx.msk $0xffff, v39;
	v47 =	vld [tilespmem:s29+$0xFFFFFDD0]  }
0x15f: {  	v38 =	vbroadcast v2, $0x0;
	v2 =	vadd.s32 v8, v45;
	[tilespmem:v49+s19+$0x0] =	vst.idx.msk $0xffff, v55;
	v49 =	vld [tilespmem:s29+$0xFFFFFE10];
	v62 =	vadd.f32 v50, v36  }
0x160: {  	v50 =	vadd.s32 v6, v37;
	v39 =	vbroadcast v3, $0x0;
	[tilespmem:v63+s19+$0x0] =	vst.idx.msk $0xffff, v56;
	v63 =	vadd.f32 v52, v36;
	v52 =	vld [tilespmem:s29+$0xFFFFFE50]  }
0x161: {  	v54 =	vld [tilespmem:s29+$0xFFFFFE90];
	v48 =	vadd.s32 v57, v38;
	[tilespmem:v40+s19+$0x0] =	vst.idx.msk $0xffff, v62;
	v40 =	vbroadcast v4, $0x0;
	v3 =	vadd.f32 v43, v36  }
0x162: {  	v55 =	vld [tilespmem:s29+$0xFFFFFED0];
	v4 =	vadd.s32 v60, v39;
	[tilespmem:v41+s19+$0x0] =	vst.idx.msk $0xffff, v63;
	v41 =	vbroadcast v5, $0x0;
	v5 =	vadd.f32 v44, v35  }
0x163: {  	v63 =	vld [tilespmem:s29+$0xFFFFFF10];
	v62 =	vadd.s32 v14, v40;
	v43 =	vbroadcast v0, $0x0;
	[tilespmem:v46+s19+$0x0] =	vst.idx.msk $0xffff, v3;
	v3 =	vadd.f32 v47, v36  }
0x164: {  	v42 =	vbroadcast v51, $0x0;
	v0 =	vadd.f32 v49, v36;
	[tilespmem:v2+s19+$0x0] =	vst.idx.msk $0xffff, v5;
	v2 =	vadd.s32 v18, v41;
	v5 =	vld [tilespmem:s29+$0xFFFFFF50]  }
0x165: {  	v49 =	vadd.s32 v22, v43;
	[tilespmem:v50+s19+$0x0] =	vst.idx.msk $0xffff, v3;
	v3 =	vadd.f32 v52, v36;
	v50 =	vld [tilespmem:s29+$0xFFFFFFF0]  }
0x166: {  	v51 =	vld [tilespmem:s29+$0xFFFFFF90];
	v56 =	vadd.s32 v26, v42;
	v44 =	vbroadcast v53, $0x0;
	[tilespmem:v48+s19+$0x0] =	vst.idx.msk $0xffff, v0;
	v0 =	vadd.f32 v54, v36  }
0x167: {  	v52 =	vadd.s32 v9, v45;
	[tilespmem:v4+s19+$0x0] =	vst.idx.msk $0xffff, v3;
	v3 =	vld [tilespmem:s29+$0xFFFFFE20];
	v4 =	vadd.f32 v55, v36  }
0x168: {  	[tilespmem:v62+s19+$0x0] =	vst.idx.msk $0xffff, v0;
	v62 =	vadd.f32 v63, v36;
	v63 =	vadd.s32 v30, v44;
	v0 =	vld [tilespmem:s29+$0xFFFFFE60]  }
0x169: {  	[tilespmem:v2+s19+$0x0] =	vst.idx.msk $0xffff, v4;
	v2 =	vadd.s32 v11, v38;
	v4 =	vld [tilespmem:s29+$0xFFFFFEA0];
	v5 =	vadd.f32 v5, v36  }
0x16a: {  	v46 =	vadd.s32 v61, v39;
	[tilespmem:v49+s19+$0x0] =	vst.idx.msk $0xffff, v62;
	v49 =	vld [tilespmem:s29+$0xFFFFFEE0];
	v50 =	vadd.f32 v50, v34  }
0x16b: {  	v51 =	vadd.f32 v51, v36;
	[tilespmem:v56+s19+$0x0] =	vst.idx.msk $0xffff, v5;
	v5 =	vadd.s32 v15, v40;
	v56 =	vld [tilespmem:s29+$0xFFFFFF20]  }
0x16c: {  	v3 =	vadd.f32 v3, v35;
	[tilespmem:v52+s19+$0x0] =	vst.idx.msk $0xffff, v50;
	v50 =	vadd.s32 v19, v41;
	v62 =	vld [tilespmem:s29+$0xFFFFFF60]  }
0x16d: {  	[tilespmem:v63+s19+$0x0] =	vst.idx.msk $0xffff, v51;
	v63 =	vadd.s32 v23, v43;
	v0 =	vadd.f32 v0, v35;
	v54 =	vld [tilespmem:s29+$0x0]  }
0x16e: {  	[tilespmem:v2+s19+$0x0] =	vst.idx.msk $0xffff, v3;
	v2 =	vadd.f32 v4, v35;
	v3 =	vadd.s32 v27, v42;
	v4 =	vld [tilespmem:s29+$0xFFFFFFA0]  }
0x16f: {  	v45 =	vadd.s32 v10, v45;
	[tilespmem:v46+s19+$0x0] =	vst.idx.msk $0xffff, v0;
	v0 =	vld [tilespmem:s29+$0xFFFFFC20];
	v55 =	vadd.f32 v49, v35  }
0x170: {  	[tilespmem:v5+s19+$0x0] =	vst.idx.msk $0xffff, v2;
	v2 =	vld [tilespmem:s29+$0xFFFFFC60];
	v5 =	vadd.f32 v56, v35;
	v56 =	vadd.s32 v31, v44  }
0x171: {  	v46 =	vadd.s32 v11, v37;
	v49 =	vld [tilespmem:s29+$0xFFFFFCA0];
	[tilespmem:v50+s19+$0x0] =	vst.idx.msk $0xffff, v55;
	v62 =	vadd.f32 v62, v35  }
0x172: {  	v47 =	vld [tilespmem:s29+$0xFFFFFCE0];
	[tilespmem:v63+s19+$0x0] =	vst.idx.msk $0xffff, v5;
	v5 =	vadd.s32 v61, v37;
	v51 =	vadd.f32 v54, v33  }
0x173: {  	v63 =	vld [tilespmem:s29+$0xFFFFFD20];
	[tilespmem:v3+s19+$0x0] =	vst.idx.msk $0xffff, v62;
	v3 =	vadd.s32 v15, v37;
	v4 =	vadd.f32 v4, v35  }
0x174: {  	v55 =	vld [tilespmem:s29+$0xFFFFFD60];
	v54 =	vadd.s32 v19, v37;
	v0 =	vadd.f32 v0, v35;
	[tilespmem:v45+s19+$0x0] =	vst.idx.msk $0xffff, v51  }
0x175: {  	v2 =	vadd.f32 v2, v35;
	[tilespmem:v56+s19+$0x0] =	vst.idx.msk $0xffff, v4;
	v4 =	vadd.s32 v23, v37  }
0x176: {  	v45 =	vadd.s32 v21, v37;
	v56 =	vld [tilespmem:s29+$0xFFFFFDA0];
	[tilespmem:v46+s19+$0x0] =	vst.idx.msk $0xffff, v0;
	v0 =	vadd.f32 v49, v35  }
0x177: {  	v62 =	vld [tilespmem:s29+$0xFFFFFDE0];
	v46 =	vadd.s32 v27, v37;
	[tilespmem:v5+s19+$0x0] =	vst.idx.msk $0xffff, v2;
	v2 =	vadd.f32 v47, v35  }
0x178: {  	v5 =	vadd.s32 v31, v37;
	v47 =	vld [tilespmem:s29+$0xFFFFFE30];
	[tilespmem:v3+s19+$0x0] =	vst.idx.msk $0xffff, v0;
	v0 =	vadd.f32 v63, v35  }
0x179: {  	v3 =	vadd.s32 v8, v37;
	v63 =	vld [tilespmem:s29+$0xFFFFFE70];
	[tilespmem:v54+s19+$0x0] =	vst.idx.msk $0xffff, v2;
	v2 =	vadd.f32 v55, v35  }
0x17a: {  	v54 =	vadd.s32 v58, v38;
	v55 =	vld [tilespmem:s29+$0xFFFFFEB0];
	v38 =	vadd.s32 v59, v38;
	[tilespmem:v4+s19+$0x0] =	vst.idx.msk $0xffff, v0  }
0x17b: {  	v0 =	vadd.f32 v56, v35;
	v4 =	vadd.s32 v12, v39;
	v56 =	vld [tilespmem:s29+$0xFFFFFEF0];
	v39 =	vadd.s32 v13, v39  }
0x17c: {  	v49 =	vld [tilespmem:s29+$0xFFFFFF30];
	[tilespmem:v46+s19+$0x0] =	vst.idx.msk $0xffff, v2;
	v2 =	vadd.f32 v62, v35;
	v62 =	vadd.s32 v16, v40  }
0x17d: {  	[tilespmem:v5+s19+$0x0] =	vst.idx.msk $0xffff, v0;
	v0 =	vadd.f32 v47, v34;
	v5 =	vadd.s32 v20, v41;
	v47 =	vld [tilespmem:s29+$0xFFFFFF70]  }
0x17e: {  	v50 =	vld [tilespmem:s29+$0xFFFFFFB0];
	[tilespmem:v3+s19+$0x0] =	vst.idx.msk $0xffff, v2;
	v2 =	vadd.f32 v63, v34;
	v3 =	vadd.s32 v24, v43  }
0x17f: {  	[tilespmem:v54+s19+$0x0] =	vst.idx.msk $0xffff, v0;
	v0 =	vld [tilespmem:s29+$0xFFFFFC30];
	v63 =	vadd.f32 v55, v34;
	v54 =	vadd.s32 v28, v42  }
0x180: {  	v55 =	vadd.s32 v32, v44;
	[tilespmem:v4+s19+$0x0] =	vst.idx.msk $0xffff, v2;
	v2 =	vld [tilespmem:s29+$0xFFFFFC70];
	v4 =	vadd.f32 v56, v34  }
0x181: {  	v49 =	vadd.f32 v49, v34;
	v56 =	vadd.s32 v58, v37;
	[tilespmem:v62+s19+$0x0] =	vst.idx.msk $0xffff, v63;
	v62 =	vld [tilespmem:s29+$0xFFFFFCB0]  }
0x182: {  	[tilespmem:v5+s19+$0x0] =	vst.idx.msk $0xffff, v4;
	v4 =	vadd.s32 v12, v37;
	v5 =	vld [tilespmem:s29+$0xFFFFFCF0];
	v47 =	vadd.f32 v47, v34  }
0x183: {  	v50 =	vadd.f32 v50, v34;
	v63 =	vld [tilespmem:s29+$0xFFFFFD30];
	[tilespmem:v3+s19+$0x0] =	vst.idx.msk $0xffff, v49;
	v3 =	vadd.s32 v16, v37  }
0x184: {  	v51 =	vld [tilespmem:s29+$0xFFFFFD70];
	v0 =	vadd.f32 v0, v34;
	[tilespmem:v54+s19+$0x0] =	vst.idx.msk $0xffff, v47;
	v47 =	vadd.s32 v20, v37  }
0x185: {  	[tilespmem:v55+s19+$0x0] =	vst.idx.msk $0xffff, v50;
	v54 =	vadd.s32 v24, v37;
	v55 =	vld [tilespmem:s29+$0xFFFFFDB0];
	v2 =	vadd.f32 v2, v34  }
0x186: {  	[tilespmem:v56+s19+$0x0] =	vst.idx.msk $0xffff, v0;
	v0 =	vadd.f32 v62, v34;
	v56 =	vadd.s32 v28, v37;
	v62 =	vld [tilespmem:s29+$0xFFFFFDF0]  }
0x187: {  	[tilespmem:v4+s19+$0x0] =	vst.idx.msk $0xffff, v2;
	v2 =	vadd.f32 v5, v34;
	v4 =	vadd.s32 v32, v37;
	v5 =	vld [tilespmem:s29+$0xFFFFFE40]  }
0x188: {  	[tilespmem:v3+s19+$0x0] =	vst.idx.msk $0xffff, v0;
	v0 =	vadd.f32 v63, v34;
	v3 =	vadd.s32 v9, v37;
	v63 =	vld [tilespmem:s29+$0xFFFFFE80]  }
0x189: {  	v40 =	vadd.s32 v17, v40;
	v52 =	vld [tilespmem:s29+$0xFFFFFEC0];
	[tilespmem:v47+s19+$0x0] =	vst.idx.msk $0xffff, v2;
	v2 =	vadd.f32 v51, v34  }
0x18a: {  	v42 =	vadd.s32 v29, v42;
	v53 =	vld [tilespmem:s29+$0xFFFFFF00];
	[tilespmem:v54+s19+$0x0] =	vst.idx.msk $0xffff, v0;
	v0 =	vadd.f32 v55, v34  }
0x18b: {  	v44 =	vadd.s32 v7, v44;
	v54 =	vld [tilespmem:s29+$0xFFFFFF40];
	[tilespmem:v56+s19+$0x0] =	vst.idx.msk $0xffff, v2;
	v2 =	vadd.f32 v62, v34  }
0x18c: {  	[tilespmem:v4+s19+$0x0] =	vst.idx.msk $0xffff, v0;
	v0 =	vadd.f32 v5, v33;
	v4 =	vadd.s32 v21, v41;
	v5 =	vld [tilespmem:s29+$0xFFFFFF80]  }
0x18d: {  	v41 =	vld [tilespmem:s29+$0xFFFFFFC0];
	[tilespmem:v3+s19+$0x0] =	vst.idx.msk $0xffff, v2;
	v2 =	vadd.f32 v63, v33;
	v3 =	vadd.s32 v25, v43  }
0x18e: {  	v49 =	vadd.s32 v59, v37;
	v43 =	vld [tilespmem:s29+$0xFFFFFC40];
	[tilespmem:v38+s19+$0x0] =	vst.idx.msk $0xffff, v0;
	v0 =	vadd.f32 v52, v33  }
0x18f: {  	v50 =	vadd.s32 v7, v37;
	v46 =	vld [tilespmem:s29+$0xFFFFFC80];
	[tilespmem:v39+s19+$0x0] =	vst.idx.msk $0xffff, v2;
	v2 =	vadd.f32 v53, v33  }
0x190: {  	v47 =	vadd.s32 v25, v37;
	v56 =	vld [tilespmem:s29+$0xFFFFFCC0];
	[tilespmem:v40+s19+$0x0] =	vst.idx.msk $0xffff, v0;
	v0 =	vadd.f32 v54, v33  }
0x191: {  	s1 =	simm.s32 $0x10;
	v62 =	vadd.s32 v13, v37;
	v63 =	vld [tilespmem:s29+$0xFFFFFD00];
	[tilespmem:v4+s19+$0x0] =	vst.idx.msk $0xffff, v2;
	v2 =	vadd.f32 v5, v33  }
0x192: {  	v55 =	vmov s1;
	v4 =	vadd.s32 v17, v37;
	v5 =	vld [tilespmem:s29+$0xFFFFFD40];
	[tilespmem:v3+s19+$0x0] =	vst.idx.msk $0xffff, v0;
	v0 =	vadd.f32 v41, v33  }
0x193: {  	s9 =	simm.s32 $0x18;
	v51 =	vadd.s32 v10, v37;
	s1 =	simm.s32 $0x19;
	v48 =	vld [tilespmem:s29+$0xFFFFFD80];
	v38 =	vshrl.u32 v55, $0x3;
	v3 =	vadd.f32 v43, v33;
	[tilespmem:v42+s19+$0x0] =	vst.idx.msk $0xffff, v2  }
0x194: {  	v52 =	vld [tilespmem:s29+$0xFFFFFDC0];
	v39 =	vmov s9;
	s9 =	simm.s32 $0x1A;
	v40 =	vmov s1;
	v2 =	vadd.f32 v46, v33;
	[tilespmem:v44+s19+$0x0] =	vst.idx.msk $0xffff, v0  }
0x195: {  	v53 =	vld [tilespmem:s29+$0xFFFFFE00];
	s1 =	simm.s32 $0x1B;
	v41 =	vmov s9;
	s9 =	simm.s32 $0x1C;
	[tilespmem:v49+s19+$0x0] =	vst.idx.msk $0xffff, v3;
	v0 =	vadd.f32 v56, v33;
	v49 =	vadd.s32 v29, v37  }
0x196: {  	v54 =	vadd.f32 v63, v33;
	v42 =	vmov s1;
	v43 =	vmov s9;
	s1 =	simm.s32 $0x1D;
	s9 =	simm.s32 $0x1E;
	[tilespmem:v62+s19+$0x0] =	vst.idx.msk $0xffff, v2  }
0x197: {  	s31 =	simm.s32 $0x1F;
	s30 =	simm.s32 $0x20;
	v44 =	vmov s1;
	v46 =	vmov s9;
	[tilespmem:v4+s19+$0x0] =	vst.idx.msk $0xffff, v0;
	v55 =	vadd.f32 v5, v33  }
.LBB2_5:
0x198: {  	p1 =	slt.u32 s30, $0x70;
	v0 =	vshll.u32 v38, v1;
	v2 =	vmov s31;
	[tilespmem:v45+s19+$0x0] =	vst.idx.msk $0xffff, v54;
	v3 =	vadd.f32 v48, v33  }
0x199: {  	v4 =	vshrl.u32 v39, $0x3;
	v2 =	vshrl.u32 v2, $0x3;
	[tilespmem:v47+s19+$0x0] =	vst.idx.msk $0xffff, v55;
	v5 =	vadd.f32 v52, v33  }
0x19a: {  	v38 =	vshrl.u32 v40, $0x3;
	s29 =	sadd.s32 $0x400, s29;
	v2 =	vshll.u32 v2, v1;
	[tilespmem:v49+s19+$0x0] =	vst.idx.msk $0xffff, v3;
	v3 =	vadd.f32 v53, v33  }
0x19b: {  	v39 =	vshrl.u32 v41, $0x3;
	v40 =	vshrl.u32 v42, $0x3;
	v41 =	vld [tilespmem:s29+$0xFFFFFFD0];
	v45 =	vbroadcast v2, $0x0;
	[tilespmem:v50+s19+$0x0] =	vst.idx.msk $0xffff, v5  }
0x19c: {  	v37 =	vbroadcast v0, $0x0;
	v0 =	vshrl.u32 v43, $0x3;
	v5 =	vshrl.u32 v44, $0x3;
	v2 =	vld [tilespmem:s29+$0xFFFFFC10];
	[tilespmem:v51+s19+$0x0] =	vst.idx.msk $0xffff, v3  }
0x19d: {  	v42 =	vshrl.u32 v46, $0x3;
	v4 =	vshll.u32 v4, v1;
	v3 =	vld [tilespmem:s29+$0xFFFFFC50];
	v43 =	vadd.s32 v6, v45  }
0x19e: {  	v47 =	vshll.u32 v38, v1;
	v48 =	vshll.u32 v39, v1;
	v44 =	vadd.s32 v57, v37;
	v46 =	vld [tilespmem:s29+$0xFFFFFC90]  }
0x19f: {  	v49 =	vshll.u32 v40, v1;
	v0 =	vshll.u32 v0, v1;
	v38 =	vadd.s32 v60, v37;
	v39 =	vld [tilespmem:s29+$0xFFFFFCD0]  }
0x1a0: {  	v40 =	vadd.s32 v14, v37;
	v5 =	vshll.u32 v5, v1;
	v50 =	vld [tilespmem:s29+$0xFFFFFD10];
	v41 =	vadd.f32 v41, v36  }
0x1a1: {  	v53 =	vshll.u32 v42, v1;
	v51 =	vadd.s32 v18, v37;
	v2 =	vadd.f32 v2, v36;
	v52 =	vld [tilespmem:s29+$0xFFFFFD50]  }
0x1a2: {  	v42 =	vadd.s32 v22, v37;
	v3 =	vadd.f32 v3, v36;
	v54 =	vld [tilespmem:s29+$0xFFFFFD90];
	[tilespmem:v43+s19+$0x0] =	vst.idx.msk $0xffff, v41  }
0x1a3: {  	v41 =	vadd.s32 v26, v37;
	[tilespmem:v44+s19+$0x0] =	vst.idx.msk $0xffff, v2;
	v2 =	vadd.f32 v46, v36;
	v43 =	vld [tilespmem:s29+$0xFFFFFFE0]  }
0x1a4: {  	v44 =	vadd.s32 v30, v37;
	[tilespmem:v38+s19+$0x0] =	vst.idx.msk $0xffff, v3;
	v3 =	vadd.f32 v39, v36;
	v46 =	vld [tilespmem:s29+$0xFFFFFDD0]  }
0x1a5: {  	v38 =	vbroadcast v4, $0x0;
	v4 =	vadd.s32 v8, v45;
	[tilespmem:v40+s19+$0x0] =	vst.idx.msk $0xffff, v2;
	v2 =	vadd.f32 v50, v36;
	v50 =	vld [tilespmem:s29+$0xFFFFFE10]  }
0x1a6: {  	v39 =	vbroadcast v47, $0x0;
	[tilespmem:v51+s19+$0x0] =	vst.idx.msk $0xffff, v3;
	v3 =	vadd.f32 v52, v36;
	v51 =	vadd.s32 v6, v37;
	v52 =	vld [tilespmem:s29+$0xFFFFFE50]  }
0x1a7: {  	v40 =	vbroadcast v48, $0x0;
	v47 =	vadd.s32 v57, v38;
	[tilespmem:v42+s19+$0x0] =	vst.idx.msk $0xffff, v2;
	v2 =	vadd.f32 v54, v36;
	v54 =	vld [tilespmem:s29+$0xFFFFFE90]  }
0x1a8: {  	[tilespmem:v41+s19+$0x0] =	vst.idx.msk $0xffff, v3;
	v3 =	vadd.s32 v60, v39;
	v48 =	vld [tilespmem:s29+$0xFFFFFED0];
	v41 =	vbroadcast v49, $0x0;
	v49 =	vadd.f32 v43, v35  }
0x1a9: {  	v43 =	vbroadcast v0, $0x0;
	[tilespmem:v44+s19+$0x0] =	vst.idx.msk $0xffff, v2;
	v2 =	vadd.f32 v46, v36;
	v46 =	vadd.s32 v14, v40;
	v55 =	vld [tilespmem:s29+$0xFFFFFF10]  }
0x1aa: {  	v42 =	vbroadcast v5, $0x0;
	v0 =	vadd.f32 v50, v36;
	v50 =	vadd.s32 v18, v41;
	v56 =	vld [tilespmem:s29+$0xFFFFFF50];
	[tilespmem:v4+s19+$0x0] =	vst.idx.msk $0xffff, v49  }
0x1ab: {  	v4 =	vadd.s32 v22, v43;
	[tilespmem:v51+s19+$0x0] =	vst.idx.msk $0xffff, v2;
	v2 =	vadd.f32 v52, v36;
	v5 =	vld [tilespmem:s29+$0xFFFFFFF0]  }
0x1ac: {  	v44 =	vbroadcast v53, $0x0;
	[tilespmem:v47+s19+$0x0] =	vst.idx.msk $0xffff, v0;
	v0 =	vadd.f32 v54, v36;
	v47 =	vadd.s32 v26, v42;
	v49 =	vld [tilespmem:s29+$0xFFFFFF90]  }
0x1ad: {  	v51 =	vld [tilespmem:s29+$0xFFFFFE20];
	[tilespmem:v3+s19+$0x0] =	vst.idx.msk $0xffff, v2;
	v2 =	vadd.f32 v48, v36;
	v3 =	vadd.s32 v9, v45  }
0x1ae: {  	v48 =	vld [tilespmem:s29+$0xFFFFFE60];
	[tilespmem:v46+s19+$0x0] =	vst.idx.msk $0xffff, v0;
	v0 =	vadd.f32 v55, v36;
	v46 =	vadd.s32 v30, v44  }
0x1af: {  	v52 =	vadd.s32 v11, v38;
	v53 =	vld [tilespmem:s29+$0xFFFFFEA0];
	[tilespmem:v50+s19+$0x0] =	vst.idx.msk $0xffff, v2;
	v2 =	vadd.f32 v56, v36  }
0x1b0: {  	v50 =	vadd.s32 v61, v39;
	v54 =	vld [tilespmem:s29+$0xFFFFFEE0];
	[tilespmem:v4+s19+$0x0] =	vst.idx.msk $0xffff, v0;
	v0 =	vadd.f32 v5, v34  }
0x1b1: {  	v4 =	vadd.s32 v15, v40;
	v5 =	vld [tilespmem:s29+$0xFFFFFF20];
	[tilespmem:v47+s19+$0x0] =	vst.idx.msk $0xffff, v2;
	v2 =	vadd.f32 v49, v36  }
0x1b2: {  	v49 =	vadd.s32 v19, v41;
	v47 =	vadd.f32 v51, v35;
	v51 =	vld [tilespmem:s29+$0xFFFFFF60];
	[tilespmem:v3+s19+$0x0] =	vst.idx.msk $0xffff, v0  }
0x1b3: {  	v3 =	vadd.s32 v23, v43;
	v0 =	vadd.f32 v48, v35;
	[tilespmem:v46+s19+$0x0] =	vst.idx.msk $0xffff, v2;
	v2 =	vld [tilespmem:s29+$0x0]  }
0x1b4: {  	[tilespmem:v52+s19+$0x0] =	vst.idx.msk $0xffff, v47;
	v46 =	vadd.f32 v53, v35;
	v47 =	vadd.s32 v27, v42;
	v48 =	vld [tilespmem:s29+$0xFFFFFFA0]  }
0x1b5: {  	v45 =	vadd.s32 v10, v45;
	v52 =	vld [tilespmem:s29+$0xFFFFFC20];
	[tilespmem:v50+s19+$0x0] =	vst.idx.msk $0xffff, v0;
	v0 =	vadd.f32 v54, v35  }
0x1b6: {  	v50 =	vld [tilespmem:s29+$0xFFFFFC60];
	[tilespmem:v4+s19+$0x0] =	vst.idx.msk $0xffff, v46;
	v4 =	vadd.f32 v5, v35;
	v5 =	vadd.s32 v31, v44  }
0x1b7: {  	v46 =	vadd.s32 v11, v37;
	v53 =	vld [tilespmem:s29+$0xFFFFFCA0];
	[tilespmem:v49+s19+$0x0] =	vst.idx.msk $0xffff, v0;
	v0 =	vadd.f32 v51, v35  }
0x1b8: {  	v49 =	vadd.s32 v61, v37;
	v51 =	vld [tilespmem:s29+$0xFFFFFCE0];
	[tilespmem:v3+s19+$0x0] =	vst.idx.msk $0xffff, v4;
	v2 =	vadd.f32 v2, v33  }
0x1b9: {  	v3 =	vadd.s32 v15, v37;
	v4 =	vld [tilespmem:s29+$0xFFFFFD20];
	[tilespmem:v47+s19+$0x0] =	vst.idx.msk $0xffff, v0;
	v0 =	vadd.f32 v48, v35  }
0x1ba: {  	v48 =	vadd.s32 v19, v37;
	v47 =	vadd.f32 v52, v35;
	v52 =	vld [tilespmem:s29+$0xFFFFFD60];
	[tilespmem:v45+s19+$0x0] =	vst.idx.msk $0xffff, v2  }
0x1bb: {  	v45 =	vadd.s32 v23, v37;
	v2 =	vadd.f32 v50, v35;
	v50 =	vld [tilespmem:s29+$0xFFFFFDA0];
	[tilespmem:v5+s19+$0x0] =	vst.idx.msk $0xffff, v0  }
0x1bc: {  	v5 =	vadd.s32 v27, v37;
	[tilespmem:v46+s19+$0x0] =	vst.idx.msk $0xffff, v47;
	v0 =	vadd.f32 v53, v35;
	v46 =	vld [tilespmem:s29+$0xFFFFFDE0]  }
0x1bd: {  	v47 =	vadd.s32 v31, v37;
	[tilespmem:v49+s19+$0x0] =	vst.idx.msk $0xffff, v2;
	v2 =	vadd.f32 v51, v35;
	v49 =	vld [tilespmem:s29+$0xFFFFFE30]  }
0x1be: {  	[tilespmem:v3+s19+$0x0] =	vst.idx.msk $0xffff, v0;
	v0 =	vadd.f32 v4, v35;
	v3 =	vadd.s32 v8, v37;
	v4 =	vld [tilespmem:s29+$0xFFFFFE70]  }
0x1bf: {  	[tilespmem:v48+s19+$0x0] =	vst.idx.msk $0xffff, v2;
	v2 =	vadd.f32 v52, v35;
	v48 =	vadd.s32 v58, v38;
	v51 =	vld [tilespmem:s29+$0xFFFFFEB0]  }
0x1c0: {  	[tilespmem:v45+s19+$0x0] =	vst.idx.msk $0xffff, v0;
	v0 =	vadd.f32 v50, v35;
	v45 =	vadd.s32 v12, v39;
	v50 =	vld [tilespmem:s29+$0xFFFFFEF0]  }
0x1c1: {  	[tilespmem:v5+s19+$0x0] =	vst.idx.msk $0xffff, v2;
	v2 =	vadd.f32 v46, v35;
	v5 =	vadd.s32 v16, v40;
	v46 =	vld [tilespmem:s29+$0xFFFFFF30]  }
0x1c2: {  	[tilespmem:v47+s19+$0x0] =	vst.idx.msk $0xffff, v0;
	v0 =	vadd.f32 v49, v34;
	v47 =	vadd.s32 v20, v41;
	v49 =	vld [tilespmem:s29+$0xFFFFFF70]  }
0x1c3: {  	[tilespmem:v3+s19+$0x0] =	vst.idx.msk $0xffff, v2;
	v2 =	vadd.f32 v4, v34;
	v3 =	vadd.s32 v24, v43;
	v4 =	vld [tilespmem:s29+$0xFFFFFFB0]  }
0x1c4: {  	v52 =	vld [tilespmem:s29+$0xFFFFFC30];
	[tilespmem:v48+s19+$0x0] =	vst.idx.msk $0xffff, v0;
	v0 =	vadd.f32 v51, v34;
	v48 =	vadd.s32 v28, v42  }
0x1c5: {  	v51 =	vld [tilespmem:s29+$0xFFFFFC70];
	[tilespmem:v45+s19+$0x0] =	vst.idx.msk $0xffff, v2;
	v2 =	vadd.f32 v50, v34;
	v45 =	vadd.s32 v32, v44  }
0x1c6: {  	v50 =	vadd.s32 v58, v37;
	v53 =	vld [tilespmem:s29+$0xFFFFFCB0];
	[tilespmem:v5+s19+$0x0] =	vst.idx.msk $0xffff, v0;
	v0 =	vadd.f32 v46, v34  }
0x1c7: {  	v5 =	vadd.s32 v12, v37;
	v46 =	vld [tilespmem:s29+$0xFFFFFCF0];
	[tilespmem:v47+s19+$0x0] =	vst.idx.msk $0xffff, v2;
	v2 =	vadd.f32 v49, v34  }
0x1c8: {  	v47 =	vadd.s32 v16, v37;
	v49 =	vld [tilespmem:s29+$0xFFFFFD30];
	[tilespmem:v3+s19+$0x0] =	vst.idx.msk $0xffff, v0;
	v0 =	vadd.f32 v4, v34  }
0x1c9: {  	v4 =	vadd.s32 v20, v37;
	v3 =	vadd.f32 v52, v34;
	v52 =	vld [tilespmem:s29+$0xFFFFFD70];
	[tilespmem:v48+s19+$0x0] =	vst.idx.msk $0xffff, v2  }
0x1ca: {  	v48 =	vadd.s32 v24, v37;
	v2 =	vadd.f32 v51, v34;
	v51 =	vld [tilespmem:s29+$0xFFFFFDB0];
	[tilespmem:v45+s19+$0x0] =	vst.idx.msk $0xffff, v0  }
0x1cb: {  	[tilespmem:v50+s19+$0x0] =	vst.idx.msk $0xffff, v3;
	v0 =	vadd.f32 v53, v34;
	v3 =	vadd.s32 v28, v37;
	v45 =	vld [tilespmem:s29+$0xFFFFFDF0]  }
0x1cc: {  	[tilespmem:v5+s19+$0x0] =	vst.idx.msk $0xffff, v2;
	v2 =	vadd.f32 v46, v34;
	v5 =	vadd.s32 v32, v37;
	v46 =	vld [tilespmem:s29+$0xFFFFFE40]  }
0x1cd: {  	[tilespmem:v47+s19+$0x0] =	vst.idx.msk $0xffff, v0;
	v0 =	vadd.f32 v49, v34;
	v47 =	vadd.s32 v9, v37;
	v49 =	vld [tilespmem:s29+$0xFFFFFE80]  }
0x1ce: {  	[tilespmem:v4+s19+$0x0] =	vst.idx.msk $0xffff, v2;
	v2 =	vadd.f32 v52, v34;
	v4 =	vadd.s32 v59, v38;
	v38 =	vld [tilespmem:s29+$0xFFFFFEC0]  }
0x1cf: {  	v39 =	vadd.s32 v13, v39;
	[tilespmem:v48+s19+$0x0] =	vst.idx.msk $0xffff, v0;
	v0 =	vadd.f32 v51, v34;
	v48 =	vld [tilespmem:s29+$0xFFFFFF00]  }
0x1d0: {  	[tilespmem:v3+s19+$0x0] =	vst.idx.msk $0xffff, v2;
	v2 =	vadd.f32 v45, v34;
	v3 =	vadd.s32 v17, v40;
	v40 =	vld [tilespmem:s29+$0xFFFFFF40]  }
0x1d1: {  	[tilespmem:v5+s19+$0x0] =	vst.idx.msk $0xffff, v0;
	v0 =	vadd.f32 v46, v33;
	v5 =	vadd.s32 v21, v41;
	v41 =	vld [tilespmem:s29+$0xFFFFFF80]  }
0x1d2: {  	v43 =	vadd.s32 v25, v43;
	[tilespmem:v47+s19+$0x0] =	vst.idx.msk $0xffff, v2;
	v2 =	vadd.f32 v49, v33;
	v45 =	vld [tilespmem:s29+$0xFFFFFFC0]  }
0x1d3: {  	v46 =	vld [tilespmem:s29+$0xFFFFFC40];
	[tilespmem:v4+s19+$0x0] =	vst.idx.msk $0xffff, v0;
	v0 =	vadd.f32 v38, v33;
	v4 =	vadd.s32 v29, v42  }
0x1d4: {  	v44 =	vadd.s32 v7, v44;
	v38 =	vmov s30;
	v47 =	vld [tilespmem:s29+$0xFFFFFC80];
	[tilespmem:v39+s19+$0x0] =	vst.idx.msk $0xffff, v2;
	v2 =	vadd.f32 v48, v33  }
0x1d5: {  	s0 =	sadd.s32 $0x8, s30;
	v49 =	vadd.s32 v59, v37;
	v38 =	vshrl.u32 v38, $0x3;
	v50 =	vld [tilespmem:s29+$0xFFFFFCC0];
	[tilespmem:v3+s19+$0x0] =	vst.idx.msk $0xffff, v0;
	v0 =	vadd.f32 v40, v33  }
0x1d6: {  	v39 =	vmov s0;
	s0 =	sadd.s32 $0x9, s30;
	v3 =	vadd.s32 v13, v37;
	v51 =	vld [tilespmem:s29+$0xFFFFFD00];
	[tilespmem:v5+s19+$0x0] =	vst.idx.msk $0xffff, v2;
	v2 =	vadd.f32 v41, v33  }
0x1d7: {  	v40 =	vmov s0;
	s0 =	sadd.s32 $0xA, s30;
	v5 =	vadd.s32 v17, v37;
	v55 =	vld [tilespmem:s29+$0xFFFFFD40];
	[tilespmem:v43+s19+$0x0] =	vst.idx.msk $0xffff, v0;
	v0 =	vadd.f32 v45, v33  }
.Ltmp1:
0x1d8: {  	v41 =	vmov s0;
	s0 =	sadd.s32 $0xB, s30;
	v45 =	vadd.s32 v21, v37;
	v46 =	vadd.f32 v46, v33;
	v48 =	vld [tilespmem:s29+$0xFFFFFD80];
	[tilespmem:v4+s19+$0x0] =	vst.idx.msk $0xffff, v2;
	(pc) =	sbr.rel @p1 .LBB2_5-.Ltmp1, $4  }
0x1d9: {  	v42 =	vmov s0;
	s0 =	sadd.s32 $0xC, s30;
	v2 =	vadd.f32 v47, v33;
	v47 =	vadd.s32 v25, v37;
	v52 =	vld [tilespmem:s29+$0xFFFFFDC0];
	[tilespmem:v44+s19+$0x0] =	vst.idx.msk $0xffff, v0  }
0x1da: {  	v43 =	vmov s0;
	s0 =	sadd.s32 $0xD, s30;
	[tilespmem:v49+s19+$0x0] =	vst.idx.msk $0xffff, v46;
	v0 =	vadd.f32 v50, v33;
	v49 =	vadd.s32 v29, v37;
	v53 =	vld [tilespmem:s29+$0xFFFFFE00]  }
0x1db: {  	v44 =	vmov s0;
	s0 =	sadd.s32 $0xE, s30;
	v50 =	vadd.s32 v7, v37;
	[tilespmem:v3+s19+$0x0] =	vst.idx.msk $0xffff, v2;
	v54 =	vadd.f32 v51, v33  }
0x1dc: {  	s31 =	sadd.s32 $0xF, s30;
	s30 =	sadd.s32 $0x10, s30;
	v46 =	vmov s0;
	v51 =	vadd.s32 v10, v37;
	[tilespmem:v5+s19+$0x0] =	vst.idx.msk $0xffff, v0;
	v55 =	vadd.f32 v55, v33  }
0x1dd: {  	_ = 	snop  }
0x1de: {  	v0 =	vshll.u32 v38, v1  }
0x1df: {  	v2 =	vmov s31;
	v3 =	vadd.f32 v48, v33;
	v4 =	vshrl.u32 v39, $0x3  }
0x1e0: {  	v48 =	vshrl.u32 v40, $0x3;
	v56 =	vshrl.u32 v46, $0x3;
	v2 =	vshrl.u32 v2, $0x3  }
0x1e1: {  	[tilespmem:v45+s19+$0x0] =	vst.idx.msk $0xffff, v54;
	s29 =	sadd.s32 $0x400, s29;
	v5 =	vadd.f32 v52, v33;
	v37 =	vbroadcast v0, $0x0;
	v2 =	vshll.u32 v2, v1  }
0x1e2: {  	[tilespmem:v47+s19+$0x0] =	vst.idx.msk $0xffff, v55;
	v54 =	vld [tilespmem:s29+$0xFFFFFFD0];
	v0 =	vshrl.u32 v43, $0x3;
	v4 =	vshll.u32 v4, v1;
	v2 =	vbroadcast v2, $0x0  }
0x1e3: {  	v55 =	vshrl.u32 v44, $0x3;
	v47 =	vshll.u32 v48, v1;
	v52 =	vadd.f32 v53, v33;
	[tilespmem:v50+s19+$0x0] =	vst.idx.msk $0xffff, v5;
	v5 =	vld [tilespmem:s29+$0xFFFFFC10]  }
0x1e4: {  	v39 =	vld [tilespmem:s29+$0xFFFFFC50];
	[tilespmem:v49+s19+$0x0] =	vst.idx.msk $0xffff, v3;
	v3 =	vshrl.u32 v41, $0x3;
	v53 =	vshrl.u32 v42, $0x3;
	v44 =	vadd.s32 v6, v2  }
0x1e5: {  	v46 =	vld [tilespmem:s29+$0xFFFFFC90];
	v0 =	vshll.u32 v0, v1;
	v42 =	vshll.u32 v55, v1;
	v45 =	vadd.s32 v57, v37  }
0x1e6: {  	v62 =	vld [tilespmem:s29+$0xFFFFFCD0];
	v3 =	vshll.u32 v3, v1;
	v38 =	vadd.s32 v60, v37;
	v49 =	vshll.u32 v53, v1  }
0x1e7: {  	v40 =	vadd.s32 v14, v37;
	v50 =	vld [tilespmem:s29+$0xFFFFFD10];
	v53 =	vshll.u32 v56, v1;
	v41 =	vadd.f32 v54, v36  }
0x1e8: {  	v63 =	vld [tilespmem:s29+$0xFFFFFD50];
	[tilespmem:v51+s19+$0x0] =	vst.idx.msk $0xffff, v52;
	v51 =	vadd.s32 v18, v37;
	v5 =	vadd.f32 v5, v36  }
0x1e9: {  	v43 =	vadd.s32 v22, v37;
	v39 =	vadd.f32 v39, v36;
	v54 =	vld [tilespmem:s29+$0xFFFFFD90];
	[tilespmem:v44+s19+$0x0] =	vst.idx.msk $0xffff, v41  }
0x1ea: {  	[tilespmem:v45+s19+$0x0] =	vst.idx.msk $0xffff, v5;
	v5 =	vadd.f32 v46, v36;
	v41 =	vadd.s32 v26, v37;
	v44 =	vld [tilespmem:s29+$0xFFFFFFE0]  }
0x1eb: {  	v62 =	vadd.f32 v62, v36;
	[tilespmem:v38+s19+$0x0] =	vst.idx.msk $0xffff, v39;
	v45 =	vadd.s32 v30, v37;
	v46 =	vld [tilespmem:s29+$0xFFFFFDD0]  }
0x1ec: {  	v48 =	vld [tilespmem:s29+$0xFFFFFE10];
	v38 =	vbroadcast v4, $0x0;
	v4 =	vadd.s32 v8, v2;
	[tilespmem:v40+s19+$0x0] =	vst.idx.msk $0xffff, v5;
	v5 =	vadd.f32 v50, v36  }
0x1ed: {  	v52 =	vld [tilespmem:s29+$0xFFFFFE50];
	v63 =	vadd.f32 v63, v36;
	v39 =	vbroadcast v47, $0x0;
	[tilespmem:v51+s19+$0x0] =	vst.idx.msk $0xffff, v62;
	v51 =	vadd.s32 v6, v37  }
0x1ee: {  	v47 =	vadd.s32 v57, v38;
	v40 =	vbroadcast v3, $0x0;
	[tilespmem:v43+s19+$0x0] =	vst.idx.msk $0xffff, v5;
	v5 =	vadd.f32 v54, v36;
	v54 =	vld [tilespmem:s29+$0xFFFFFE90]  }
0x1ef: {  	v62 =	vld [tilespmem:s29+$0xFFFFFED0];
	v3 =	vadd.s32 v60, v39;
	[tilespmem:v41+s19+$0x0] =	vst.idx.msk $0xffff, v63;
	v41 =	vbroadcast v49, $0x0;
	v44 =	vadd.f32 v44, v35  }
0x1f0: {  	v56 =	vld [tilespmem:s29+$0xFFFFFF10];
	v43 =	vbroadcast v0, $0x0;
	v63 =	vadd.s32 v14, v40;
	[tilespmem:v45+s19+$0x0] =	vst.idx.msk $0xffff, v5;
	v5 =	vadd.f32 v46, v36  }
0x1f1: {  	v42 =	vbroadcast v42, $0x0;
	v0 =	vadd.f32 v48, v36;
	v49 =	vld [tilespmem:s29+$0xFFFFFF50];
	v48 =	vadd.s32 v18, v41;
	[tilespmem:v4+s19+$0x0] =	vst.idx.msk $0xffff, v44  }
0x1f2: {  	[tilespmem:v51+s19+$0x0] =	vst.idx.msk $0xffff, v5;
	v4 =	vadd.f32 v52, v36;
	v5 =	vadd.s32 v22, v43;
	v51 =	vld [tilespmem:s29+$0xFFFFFFF0]  }
0x1f3: {  	[tilespmem:v47+s19+$0x0] =	vst.idx.msk $0xffff, v0;
	v47 =	vadd.s32 v26, v42;
	v52 =	vld [tilespmem:s29+$0xFFFFFF90];
	v44 =	vbroadcast v53, $0x0;
	v0 =	vadd.f32 v54, v36  }
0x1f4: {  	v53 =	vld [tilespmem:s29+$0xFFFFFE20];
	[tilespmem:v3+s19+$0x0] =	vst.idx.msk $0xffff, v4;
	v3 =	vadd.f32 v62, v36;
	v4 =	vadd.s32 v9, v2  }
0x1f5: {  	v45 =	vadd.s32 v30, v44;
	v50 =	vld [tilespmem:s29+$0xFFFFFE60];
	[tilespmem:v63+s19+$0x0] =	vst.idx.msk $0xffff, v0;
	v0 =	vadd.f32 v56, v36  }
0x1f6: {  	v62 =	vadd.s32 v11, v38;
	v63 =	vld [tilespmem:s29+$0xFFFFFEA0];
	[tilespmem:v48+s19+$0x0] =	vst.idx.msk $0xffff, v3;
	v3 =	vadd.f32 v49, v36  }
0x1f7: {  	v48 =	vadd.s32 v61, v39;
	v49 =	vld [tilespmem:s29+$0xFFFFFEE0];
	[tilespmem:v5+s19+$0x0] =	vst.idx.msk $0xffff, v0;
	v0 =	vadd.f32 v51, v34  }
0x1f8: {  	v5 =	vadd.s32 v15, v40;
	v51 =	vld [tilespmem:s29+$0xFFFFFF20];
	[tilespmem:v47+s19+$0x0] =	vst.idx.msk $0xffff, v3;
	v3 =	vadd.f32 v52, v36  }
0x1f9: {  	v56 =	vadd.f32 v53, v35;
	v47 =	vadd.s32 v19, v41;
	v52 =	vld [tilespmem:s29+$0xFFFFFF60];
	[tilespmem:v4+s19+$0x0] =	vst.idx.msk $0xffff, v0  }
0x1fa: {  	v0 =	vadd.f32 v50, v35;
	v4 =	vadd.s32 v23, v43;
	[tilespmem:v45+s19+$0x0] =	vst.idx.msk $0xffff, v3;
	v3 =	vld [tilespmem:s29+$0x0]  }
0x1fb: {  	[tilespmem:v62+s19+$0x0] =	vst.idx.msk $0xffff, v56;
	v45 =	vadd.s32 v27, v42;
	v62 =	vadd.f32 v63, v35;
	v46 =	vld [tilespmem:s29+$0xFFFFFFA0]  }
0x1fc: {  	v2 =	vadd.s32 v10, v2;
	v63 =	vld [tilespmem:s29+$0xFFFFFC20];
	[tilespmem:v48+s19+$0x0] =	vst.idx.msk $0xffff, v0;
	v0 =	vadd.f32 v49, v35  }
0x1fd: {  	v36 =	vadd.s32 v31, v44;
	v48 =	vld [tilespmem:s29+$0xFFFFFC60];
	[tilespmem:v5+s19+$0x0] =	vst.idx.msk $0xffff, v62;
	v5 =	vadd.f32 v51, v35  }
0x1fe: {  	v56 =	vld [tilespmem:s29+$0xFFFFFCA0];
	v49 =	vadd.s32 v11, v37;
	[tilespmem:v47+s19+$0x0] =	vst.idx.msk $0xffff, v0;
	v0 =	vadd.f32 v52, v35  }
0x1ff: {  	v62 =	vld [tilespmem:s29+$0xFFFFFCE0];
	v47 =	vadd.s32 v61, v37;
	[tilespmem:v4+s19+$0x0] =	vst.idx.msk $0xffff, v5;
	v3 =	vadd.f32 v3, v33  }
0x200: {  	v4 =	vadd.s32 v15, v37;
	v5 =	vld [tilespmem:s29+$0xFFFFFD20];
	[tilespmem:v45+s19+$0x0] =	vst.idx.msk $0xffff, v0;
	v0 =	vadd.f32 v46, v35  }
0x201: {  	v54 =	vld [tilespmem:s29+$0xFFFFFD60];
	v53 =	vadd.s32 v19, v37;
	v63 =	vadd.f32 v63, v35;
	[tilespmem:v2+s19+$0x0] =	vst.idx.msk $0xffff, v3  }
0x202: {  	v55 =	vld [tilespmem:s29+$0xFFFFFDA0];
	v2 =	vadd.f32 v48, v35;
	v3 =	vadd.s32 v23, v37;
	[tilespmem:v36+s19+$0x0] =	vst.idx.msk $0xffff, v0  }
0x203: {  	v11 =	vmov v61;
	v61 =	vld [tilespmem:s29+$0xFFFFFDE0];
	[tilespmem:v49+s19+$0x0] =	vst.idx.msk $0xffff, v63;
	v0 =	vadd.f32 v56, v35;
	v56 =	vadd.s32 v27, v37  }
0x204: {  	v63 =	vld [tilespmem:s29+$0xFFFFFE30];
	[tilespmem:v47+s19+$0x0] =	vst.idx.msk $0xffff, v2;
	v2 =	vadd.f32 v62, v35;
	v62 =	vadd.s32 v31, v37  }
0x205: {  	[tilespmem:v4+s19+$0x0] =	vst.idx.msk $0xffff, v0;
	v0 =	vadd.f32 v5, v35;
	v4 =	vadd.s32 v8, v37;
	v5 =	vld [tilespmem:s29+$0xFFFFFE70]  }
0x206: {  	v52 =	vadd.s32 v58, v38;
	[tilespmem:v53+s19+$0x0] =	vst.idx.msk $0xffff, v2;
	v2 =	vadd.f32 v54, v35;
	v53 =	vld [tilespmem:s29+$0xFFFFFEB0]  }
0x207: {  	v54 =	vld [tilespmem:s29+$0xFFFFFEF0];
	[tilespmem:v3+s19+$0x0] =	vst.idx.msk $0xffff, v0;
	v0 =	vadd.f32 v55, v35;
	v3 =	vadd.s32 v12, v39  }
0x208: {  	v55 =	vadd.s32 v16, v40;
	[tilespmem:v56+s19+$0x0] =	vst.idx.msk $0xffff, v2;
	v2 =	vadd.f32 v61, v35;
	v56 =	vld [tilespmem:s29+$0xFFFFFF30]  }
0x209: {  	v45 =	vadd.s32 v20, v41;
	v61 =	vld [tilespmem:s29+$0xFFFFFF70];
	[tilespmem:v62+s19+$0x0] =	vst.idx.msk $0xffff, v0;
	v0 =	vadd.f32 v63, v34  }
0x20a: {  	[tilespmem:v4+s19+$0x0] =	vst.idx.msk $0xffff, v2;
	v2 =	vadd.f32 v5, v34;
	v4 =	vadd.s32 v24, v43;
	v5 =	vld [tilespmem:s29+$0xFFFFFFB0]  }
0x20b: {  	v46 =	vadd.s32 v28, v42;
	v62 =	vld [tilespmem:s29+$0xFFFFFC30];
	[tilespmem:v52+s19+$0x0] =	vst.idx.msk $0xffff, v0;
	v0 =	vadd.f32 v53, v34  }
0x20c: {  	v63 =	vld [tilespmem:s29+$0xFFFFFC70];
	[tilespmem:v3+s19+$0x0] =	vst.idx.msk $0xffff, v2;
	v2 =	vadd.f32 v54, v34;
	v3 =	vadd.s32 v32, v44  }
0x20d: {  	v48 =	vadd.s32 v58, v37;
	v54 =	vld [tilespmem:s29+$0xFFFFFCB0];
	[tilespmem:v55+s19+$0x0] =	vst.idx.msk $0xffff, v0;
	v0 =	vadd.f32 v56, v34  }
0x20e: {  	v55 =	vadd.s32 v12, v37;
	v56 =	vld [tilespmem:s29+$0xFFFFFCF0];
	[tilespmem:v45+s19+$0x0] =	vst.idx.msk $0xffff, v2;
	v2 =	vadd.f32 v61, v34  }
0x20f: {  	v8 =	vmov v58;
	v58 =	vadd.s32 v16, v37;
	v61 =	vld [tilespmem:s29+$0xFFFFFD30];
	[tilespmem:v4+s19+$0x0] =	vst.idx.msk $0xffff, v0;
	v0 =	vadd.f32 v5, v34  }
0x210: {  	v4 =	vadd.f32 v62, v34;
	v5 =	vadd.s32 v20, v37;
	v62 =	vld [tilespmem:s29+$0xFFFFFD70];
	[tilespmem:v46+s19+$0x0] =	vst.idx.msk $0xffff, v2  }
0x211: {  	v52 =	vld [tilespmem:s29+$0xFFFFFDB0];
	v2 =	vadd.f32 v63, v34;
	v63 =	vadd.s32 v24, v37;
	[tilespmem:v3+s19+$0x0] =	vst.idx.msk $0xffff, v0  }
0x212: {  	[tilespmem:v48+s19+$0x0] =	vst.idx.msk $0xffff, v4;
	v0 =	vadd.f32 v54, v34;
	v3 =	vadd.s32 v28, v37;
	v4 =	vld [tilespmem:s29+$0xFFFFFDF0]  }
0x213: {  	v53 =	vadd.s32 v32, v37;
	v54 =	vld [tilespmem:s29+$0xFFFFFE40];
	[tilespmem:v55+s19+$0x0] =	vst.idx.msk $0xffff, v2;
	v2 =	vadd.f32 v56, v34  }
0x214: {  	v55 =	vadd.s32 v9, v37;
	v56 =	vld [tilespmem:s29+$0xFFFFFE80];
	[tilespmem:v58+s19+$0x0] =	vst.idx.msk $0xffff, v0;
	v0 =	vadd.f32 v61, v34  }
0x215: {  	v49 =	vld [tilespmem:s29+$0xFFFFFC40];
	[tilespmem:v5+s19+$0x0] =	vst.idx.msk $0xffff, v2;
	v2 =	vadd.f32 v62, v34;
	v5 =	vadd.s32 v59, v38  }
0x216: {  	v39 =	vadd.s32 v13, v39;
	v58 =	vld [tilespmem:s29+$0xFFFFFEC0];
	[tilespmem:v63+s19+$0x0] =	vst.idx.msk $0xffff, v0;
	v0 =	vadd.f32 v52, v34  }
0x217: {  	v61 =	vld [tilespmem:s29+$0xFFFFFF00];
	v52 =	vadd.s32 v59, v37;
	[tilespmem:v3+s19+$0x0] =	vst.idx.msk $0xffff, v2;
	v2 =	vadd.f32 v4, v34  }
0x218: {  	v3 =	vadd.s32 v17, v40;
	v4 =	vld [tilespmem:s29+$0xFFFFFF40];
	[tilespmem:v53+s19+$0x0] =	vst.idx.msk $0xffff, v0;
	v0 =	vadd.f32 v54, v33  }
0x219: {  	v62 =	vadd.s32 v21, v41;
	v63 =	vld [tilespmem:s29+$0xFFFFFF80];
	[tilespmem:v55+s19+$0x0] =	vst.idx.msk $0xffff, v2;
	v2 =	vadd.f32 v56, v33  }
0x21a: {  	v47 =	vadd.s32 v25, v43;
	v48 =	vld [tilespmem:s29+$0xFFFFFFC0];
	v56 =	vadd.f32 v49, v33;
	[tilespmem:v5+s19+$0x0] =	vst.idx.msk $0xffff, v0  }
0x21b: {  	v50 =	vld [tilespmem:s29+$0xFFFFFC80];
	v0 =	vadd.f32 v58, v33;
	v5 =	vadd.s32 v29, v42;
	[tilespmem:v39+s19+$0x0] =	vst.idx.msk $0xffff, v2  }
0x21c: {  	v51 =	vadd.s32 v7, v44;
	v53 =	vld [tilespmem:s29+$0xFFFFFCC0];
	v2 =	vadd.f32 v61, v33;
	[tilespmem:v52+s19+$0x0] =	vst.idx.msk $0xffff, v56  }
0x21d: {  	[tilespmem:v3+s19+$0x0] =	vst.idx.msk $0xffff, v0;
	v0 =	vadd.f32 v4, v33;
	v3 =	vadd.s32 v13, v37;
	v4 =	vld [tilespmem:s29+$0xFFFFFD00]  }
0x21e: {  	v54 =	vadd.s32 v17, v37;
	v55 =	vld [tilespmem:s29+$0xFFFFFD40];
	[tilespmem:v62+s19+$0x0] =	vst.idx.msk $0xffff, v2;
	v2 =	vadd.f32 v63, v33  }
0x21f: {  	v9 =	vmov v59;
	v59 =	vld [tilespmem:s29+$0xFFFFFD80];
	v58 =	vadd.s32 v21, v37;
	[tilespmem:v47+s19+$0x0] =	vst.idx.msk $0xffff, v0;
	v0 =	vadd.f32 v48, v33  }
0x220: {  	v61 =	vld [tilespmem:s29+$0xFFFFFDC0];
	[tilespmem:v5+s19+$0x0] =	vst.idx.msk $0xffff, v2;
	v2 =	vadd.f32 v50, v33;
	v5 =	vadd.s32 v25, v37  }
0x221: {  	v62 =	vadd.s32 v29, v37;
	v63 =	vld [tilespmem:s29+$0xFFFFFE00];
	[tilespmem:v51+s19+$0x0] =	vst.idx.msk $0xffff, v0;
	v0 =	vadd.f32 v53, v33  }
0x222: {  	[tilespmem:v3+s19+$0x0] =	vst.idx.msk $0xffff, v2;
	v2 =	vadd.f32 v4, v33;
	v3 =	vadd.s32 v7, v37  }
0x223: {  	v4 =	vadd.s32 v10, v37;
	[tilespmem:v54+s19+$0x0] =	vst.idx.msk $0xffff, v0;
	v0 =	vadd.f32 v55, v33  }
0x224: {  	[tilespmem:v58+s19+$0x0] =	vst.idx.msk $0xffff, v2;
	v2 =	vadd.f32 v59, v33  }
0x225: {  	s0 =	sshll.u32 s26, $0x14;
	[tilespmem:v5+s19+$0x0] =	vst.idx.msk $0xffff, v0;
	v0 =	vadd.f32 v61, v33  }
0x226: {  	s0 =	sor.u32 s7, s0;
	[tilespmem:v62+s19+$0x0] =	vst.idx.msk $0xffff, v2;
	v2 =	vadd.f32 v63, v33  }
0x227: {  	s0 =	sshrl.u32 s0, $0x3;
	[tilespmem:v3+s19+$0x0] =	vst.idx.msk $0xffff, v0  }
0x228: {  	s1 =	simm.s32 $0x11600;
	s30 =	sadd.s32 s2, s0;
	[tilespmem:v4+s19+$0x0] =	vst.idx.msk $0xffff, v2  }
0x229: {  	[hbm4b:s30+s3] =	stream.linear.scatter [tilespmem:s1], [sflag:$0x3], $0x80, $0x38;
	[tilespmem:$0x19E00] =	vst v63  }
0x22a: {  	s9 =	simm.s32 $0x11688;
	s1 =	sadd.s32 $0x10, s30  }
0x22b: {  	[hbm4b:s1+s3] =	stream.linear.scatter [tilespmem:s9], [sflag:$0x3], $0x80, $0x38;
	[tilespmem:$0x19E00] =	vst v63  }
0x22c: {  	s1 =	simm.s32 $0x11710;
	s9 =	sadd.s32 $0x20, s30  }
0x22d: {  	[hbm4b:s9+s3] =	stream.linear.scatter [tilespmem:s1], [sflag:$0x3], $0x80, $0x38;
	[tilespmem:$0x19E00] =	vst v63  }
0x22e: {  	s1 =	simm.s32 $0x11798;
	s9 =	sadd.s32 $0x30, s30  }
0x22f: {  	[hbm4b:s9+s3] =	stream.linear.scatter [tilespmem:s1], [sflag:$0x3], $0x80, $0x38;
	[tilespmem:$0x19E00] =	vst v63  }
0x230: {  	s1 =	simm.s32 $0x11820;
	s9 =	sadd.s32 $0x40, s30  }
0x231: {  	[hbm4b:s9+s3] =	stream.linear.scatter [tilespmem:s1], [sflag:$0x3], $0x80, $0x38;
	[tilespmem:$0x19E00] =	vst v63  }
0x232: {  	s31 =	simm.s32 $0x2200;
	s1 =	simm.s32 $0x118A8;
	s9 =	sadd.s32 $0x50, s30  }
0x233: {  	[hbm4b:s9+s3] =	stream.linear.scatter [tilespmem:s1], [sflag:$0x3], $0x80, $0x38;
	[tilespmem:$0x19E00] =	vst v63  }
0x234: {  	s0 =	sadd.s32 $0x70, s30;
	s1 =	simm.s32 $0x11930;
	s9 =	sadd.s32 $0x60, s30  }
0x235: {  	[hbm4b:s9+s3] =	stream.linear.scatter [tilespmem:s1], [sflag:$0x3], $0x80, $0x38;
	[tilespmem:$0x19E00] =	vst v63  }
0x236: {  	s29 =	simm.s32 $0x440;
	s30 =	sadd.s32 $0x1000, s30;
	s1 =	simm.s32 $0x119B8  }
.LBB2_7:
0x237: {  	[hbm4b:s0+s3] =	stream.linear.scatter [tilespmem:s1], [sflag:$0x3], $0x80, $0x38;
	[tilespmem:$0x19E00] =	vst v63  }
0x238: {  	s0 =	smov.u32 s29;
	s1 =	smov.u32 s31  }
0x239: {  	s9 =	sadd.s32 $0x1100, s31;
	s29 =	sshra.s32 s1, $0x2;
	s1 =	sadd.s32 $0x11600, s0  }
0x23a: {  	[hbm4b:s30+s3] =	stream.linear.scatter [tilespmem:s1], [sflag:$0x3], $0x80, $0x38;
	[tilespmem:$0x19E00] =	vst v63  }
0x23b: {  	p1 =	sne.s32 s31, $0xFF00;
	s31 =	sadd.s32 $0x10, s30;
	s1 =	sadd.s32 $0x11688, s0  }
0x23c: {  	[hbm4b:s31+s3] =	stream.linear.scatter [tilespmem:s1], [sflag:$0x3], $0x80, $0x38;
	[tilespmem:$0x19E00] =	vst v63  }
0x23d: {  	s1 =	sadd.s32 $0x11710, s0;
	s31 =	sadd.s32 $0x20, s30  }
0x23e: {  	[hbm4b:s31+s3] =	stream.linear.scatter [tilespmem:s1], [sflag:$0x3], $0x80, $0x38;
	[tilespmem:$0x19E00] =	vst v63  }
0x23f: {  	s1 =	sadd.s32 $0x11798, s0;
	s31 =	sadd.s32 $0x30, s30  }
0x240: {  	[hbm4b:s31+s3] =	stream.linear.scatter [tilespmem:s1], [sflag:$0x3], $0x80, $0x38;
	[tilespmem:$0x19E00] =	vst v63  }
0x241: {  	s1 =	sadd.s32 $0x11820, s0;
	s31 =	sadd.s32 $0x40, s30  }
0x242: {  	[hbm4b:s31+s3] =	stream.linear.scatter [tilespmem:s1], [sflag:$0x3], $0x80, $0x38;
	[tilespmem:$0x19E00] =	vst v63  }
0x243: {  	s1 =	sadd.s32 $0x118A8, s0;
	s31 =	sadd.s32 $0x50, s30  }
0x244: {  	[hbm4b:s31+s3] =	stream.linear.scatter [tilespmem:s1], [sflag:$0x3], $0x80, $0x38;
	[tilespmem:$0x19E00] =	vst v63  }
.Ltmp2:
0x245: {  	_ = 	snop;
	(pc) =	sbr.rel @p1 .LBB2_7-.Ltmp2, $4  }
0x246: {  	s1 =	sadd.s32 $0x11930, s0;
	s31 =	sadd.s32 $0x60, s30  }
0x247: {  	[hbm4b:s31+s3] =	stream.linear.scatter [tilespmem:s1], [sflag:$0x3], $0x80, $0x38;
	[tilespmem:$0x19E00] =	vst v63  }
0x248: {  	s1 =	sadd.s32 $0x119B8, s0  }
0x249: {  	s0 =	sadd.s32 $0x70, s30;
	s30 =	sadd.s32 $0x1000, s30;
	s31 =	smov.u32 s9  }
0x24a: {  	[hbm4b:s0+s3] =	stream.linear.scatter [tilespmem:s1], [sflag:$0x3], $0x80, $0x38;
	[tilespmem:$0x19E00] =	vst v63  }
0x24b: {  	s9 =	sadd.s32 $0x11600, s29  }
0x24c: {  	[hbm4b:s30+s3] =	stream.linear.scatter [tilespmem:s9], [sflag:$0x3], $0x80, $0x38;
	[tilespmem:$0x19E00] =	vst v63  }
0x24d: {  	s1 =	sadd.s32 $0x11688, s29;
	s9 =	sadd.s32 $0x10, s30  }
0x24e: {  	[hbm4b:s9+s3] =	stream.linear.scatter [tilespmem:s1], [sflag:$0x3], $0x80, $0x38;
	[tilespmem:$0x19E00] =	vst v63  }
0x24f: {  	s1 =	sadd.s32 $0x11710, s29;
	s9 =	sadd.s32 $0x20, s30  }
0x250: {  	[hbm4b:s9+s3] =	stream.linear.scatter [tilespmem:s1], [sflag:$0x3], $0x80, $0x38;
	[tilespmem:$0x19E00] =	vst v63  }
0x251: {  	s1 =	sadd.s32 $0x11798, s29;
	s9 =	sadd.s32 $0x30, s30  }
0x252: {  	[hbm4b:s9+s3] =	stream.linear.scatter [tilespmem:s1], [sflag:$0x3], $0x80, $0x38;
	[tilespmem:$0x19E00] =	vst v63  }
0x253: {  	s1 =	sadd.s32 $0x11820, s29;
	s9 =	sadd.s32 $0x40, s30  }
0x254: {  	[hbm4b:s9+s3] =	stream.linear.scatter [tilespmem:s1], [sflag:$0x3], $0x80, $0x38;
	[tilespmem:$0x19E00] =	vst v63  }
0x255: {  	p1 =	seq.s32 s26, $0x31;
	s1 =	sadd.s32 $0x118A8, s29;
	s9 =	sadd.s32 $0x50, s30  }
0x256: {  	[hbm4b:s9+s3] =	stream.linear.scatter [tilespmem:s1], [sflag:$0x3], $0x80, $0x38;
	[tilespmem:$0x19E00] =	vst v63  }
0x257: {  	s0 =	sshll.u32 @!p1 s26, $0x9;
	s1 =	sadd.s32 $0x11930, s29;
	s9 =	sadd.s32 $0x60, s30  }
0x258: {  	[hbm4b:s9+s3] =	stream.linear.scatter [tilespmem:s1], [sflag:$0x3], $0x80, $0x38;
	[tilespmem:$0x19E00] =	vst v63  }
0x259: {  	s0 =	sand.u32 @!p1 $0x3FFFFE00, s0;
	s1 =	sadd.s32 $0x119B8, s29;
	s9 =	sadd.s32 $0x70, s30  }
0x25a: {  	[hbm4b:s9+s3] =	stream.linear.scatter [tilespmem:s1], [sflag:$0x3], $0x80, $0x38;
	[tilespmem:$0x19E00] =	vst v63  }
0x25b: {  	s29 =	simm.s32 @!p1 $0x9600;
	s1 =	sadd.s32 @!p1 $0x200, s0;
	s9 =	simm.s32 @!p1 $0x80  }
0x25c: {  	[tilespmem:s29], [sflag:$0x1] =	stream.indirect.gather @!p1 [hbm4b:s4+s9], $0x40, s1, s9, $0xb8;
	[tilespmem:$0x19E00] =	vst v63  }
0x25d: {  	s0 =	sadd.s32 @!p1 $0x280, s0;
	s1 =	simm.s32 @!p1 $0xB600  }
0x25e: {  	[tilespmem:s1], [sflag:$0x1] =	stream.indirect.gather @!p1 [hbm4b:s4+s9], $0x40, s0, s9, $0xb8;
	[tilespmem:$0x19E00] =	vst v63  }
0x25f: {  	s9 =	simm.s32 $0x0;
	s0 =	simm.s32 $0x1  }
0x260: {  	s1 =	simm.s32 $0x2;
	_ =	swait.ge [sflag:s20], $0x2000;
	v0 =	vmov s9;
	s9 =	simm.s32 $0x3  }
0x261: {  	v2 =	vmov s0;
	v3 =	vmov s1;
	s0 =	simm.s32 $0x4;
	s1 =	simm.s32 $0x5;
	[sflag:s20] =	ssyncset.done $0x0;
	v0 =	vshrl.u32 v0, $0x3  }
0x262: {  	v4 =	vmov s9;
	s9 =	simm.s32 $0x6;
	v5 =	vmov s0;
	v33 =	vmov s1;
	s0 =	simm.s32 $0x7;
	[sflag:s20] =	ssyncadd.s32 $0xFFFFE000  }
0x263: {  	s1 =	simm.s32 $0x8;
	v2 =	vshrl.u32 v2, $0x3;
	v3 =	vshrl.u32 v3, $0x3;
	v34 =	vmov s9;
	s9 =	simm.s32 $0x9;
	_ =	swait.ge [sflag:s20], $0x2000  }
0x264: {  	v35 =	vmov s0;
	v36 =	vmov s1;
	s0 =	simm.s32 $0xA;
	s1 =	simm.s32 $0xB;
	v0 =	vshll.u32 v0, v1;
	[sflag:s20] =	ssyncset.done $0x0  }
0x265: {  	v4 =	vshrl.u32 v4, $0x3;
	v37 =	vmov s9;
	s9 =	simm.s32 $0xC;
	v38 =	vmov s0;
	s0 =	simm.s32 @!p0 $0x4;
	[sflag:s20] =	ssyncadd.s32 $0xFFFFE000  }
0x266: {  	v5 =	vshrl.u32 v5, $0x3;
	v39 =	vmov s1;
	s1 =	simm.s32 $0xD;
	v40 =	vmov s9;
	s9 =	simm.s32 $0xE;
	_ =	swait.ge @!p0 [sflag:s0], $0x4000  }
0x267: {  	v44 =	vshrl.u32 v34, $0x3;
	v41 =	vmov s1;
	s1 =	simm.s32 $0xF;
	v42 =	vmov s9;
	s9 =	sshll.u32 s28, $0x7;
	[sflag:s0] =	ssyncset.done @!p0 $0x0  }
0x268: {  	v45 =	vshrl.u32 v35, $0x3;
	v46 =	vshrl.u32 v36, $0x3;
	v62 =	vmov s1;
	s29 =	sand.u32 $0x3FFFFF80, s9;
	[sflag:s0] =	ssyncadd.s32 @!p0 $0xFFFFC000  }
0x269: {  	v47 =	vshrl.u32 v37, $0x3;
	v37 =	vbroadcast v0, $0x0;
	v63 =	vshrl.u32 v62, $0x3;
	v36 =	vld [tilespmem:s29+$0x6400]  }
0x26a: {  	s30 =	simm.s32 $0xD800;
	v0 =	vshrl.u32 v41, $0x3;
	v41 =	vshrl.u32 v42, $0x3;
	v42 =	vshll.u32 v63, v1;
	v35 =	vld [tilespmem:s29+$0x6410]  }
0x26b: {  	v43 =	vshrl.u32 v33, $0x3;
	v48 =	vshll.u32 v44, v1;
	v52 =	vbroadcast v42, $0x0;
	v44 =	vld [tilespmem:s30+$0x1C0]  }
0x26c: {  	v2 =	vshll.u32 v2, v1;
	v3 =	vshll.u32 v3, v1;
	v40 =	vshrl.u32 v40, $0x3;
	v42 =	vld [tilespmem:s30+$0xFFFFFE00]  }
0x26d: {  	v50 =	vbroadcast v2, $0x0;
	v2 =	vshll.u32 v40, v1;
	v54 =	vld [tilespmem:s30+$0xFFFFFE40];
	v40 =	vadd.s32 v6, v52  }
0x26e: {  	v4 =	vshll.u32 v4, v1;
	v51 =	vbroadcast v3, $0x0;
	v55 =	vadd.s32 v57, v37;
	v56 =	vld [tilespmem:s30+$0xFFFFFE80]  }
0x26f: {  	v5 =	vshll.u32 v5, v1;
	v53 =	vshll.u32 v47, v1;
	v3 =	vadd.s32 v60, v50;
	v34 =	vld [tilespmem:s29+$0x6420]  }
0x270: {  	v58 =	vadd.s32 v14, v51;
	v47 =	vbroadcast v5, $0x0;
	v33 =	vld [tilespmem:s29+$0x6430];
	v5 =	vadd.f32 v44, v36  }
0x271: {  	v43 =	vshll.u32 v43, v1;
	v49 =	vbroadcast v4, $0x0;
	v63 =	vmovc v57;
	v57 =	vld [tilespmem:s30+$0xFFFFFEC0];
	v42 =	vadd.f32 v42, v36  }
0x272: {  	v59 =	vld [tilespmem:s30+$0xFFFFFF00];
	v44 =	vbroadcast v43, $0x0;
	v43 =	vadd.f32 v54, v36;
	[tilespmem:v40+s21+$0x0] =	vst.idx.msk $0xffff, v5  }
0x273: {  	v7 =	vmov v60;
	v60 =	vadd.s32 v18, v49;
	v61 =	vld [tilespmem:s30+$0xFFFFFF40];
	[tilespmem:v55+s21+$0x0] =	vst.idx.msk $0xffff, v42;
	v5 =	vadd.f32 v56, v36  }
0x274: {  	v45 =	vshll.u32 v45, v1;
	v4 =	vshll.u32 v41, v1;
	v41 =	vbroadcast v48, $0x0;
	v62 =	vld [tilespmem:s30+$0xFFFFFF80];
	[tilespmem:v3+s21+$0x0] =	vst.idx.msk $0xffff, v43  }
0x275: {  	v46 =	vshll.u32 v46, v1;
	v40 =	vadd.s32 v26, v44;
	v56 =	vld [tilespmem:s30+$0xFFFFFFC0];
	[tilespmem:v58+s21+$0x0] =	vst.idx.msk $0xffff, v5  }
0x276: {  	v48 =	vbroadcast v45, $0x0;
	v3 =	vadd.f32 v57, v36;
	v43 =	vadd.s32 v30, v41;
	v10 =	vld [tilespmem:$0x1FF30]  }
0x277: {  	v45 =	vbroadcast v46, $0x0;
	v54 =	vadd.s32 v22, v47;
	v42 =	vadd.f32 v59, v36;
	v57 =	vld [tilespmem:s30+$0x0]  }
0x278: {  	v46 =	vbroadcast v53, $0x0;
	v59 =	vadd.s32 v6, v48;
	[tilespmem:v60+s21+$0x0] =	vst.idx.msk $0xffff, v3;
	v3 =	vadd.f32 v61, v36;
	v60 =	vld [tilespmem:s30+$0x40]  }
0x279: {  	v38 =	vshrl.u32 v38, $0x3;
	v53 =	vadd.s32 v63, v45;
	v55 =	vld [tilespmem:s30+$0x1D0];
	v5 =	vadd.f32 v62, v36  }
0x27a: {  	v38 =	vshll.u32 v38, v1;
	[tilespmem:v40+s21+$0x0] =	vst.idx.msk $0xffff, v3;
	v3 =	vadd.s32 v7, v46  }
0x27b: {  	[tilespmem:v43+s21+$0x0] =	vst.idx.msk $0xffff, v5;
	v5 =	vadd.f32 v56, v36;
	v58 =	vadd.s32 v10, v52  }
0x27c: {  	v0 =	vshll.u32 v0, v1;
	[tilespmem:v54+s21+$0x0] =	vst.idx.msk $0xffff, v42;
	v40 =	vbroadcast v2, $0x0;
	v2 =	vadd.f32 v57, v36  }
0x27d: {  	v42 =	vbroadcast v38, $0x0;
	v38 =	vbroadcast v0, $0x0;
	[tilespmem:v59+s21+$0x0] =	vst.idx.msk $0xffff, v5;
	v0 =	vadd.f32 v60, v36  }
0x27e: {  	v39 =	vshrl.u32 v39, $0x3;
	v54 =	vld [tilespmem:s30+$0x80];
	v55 =	vadd.f32 v55, v35;
	[tilespmem:v53+s21+$0x0] =	vst.idx.msk $0xffff, v2  }
0x27f: {  	v39 =	vshll.u32 v39, v1;
	v61 =	vld [tilespmem:s30+$0xC0];
	[tilespmem:v3+s21+$0x0] =	vst.idx.msk $0xffff, v0  }
0x280: {  	v39 =	vbroadcast v39, $0x0;
	v43 =	vbroadcast v4, $0x0;
	v4 =	vld [tilespmem:s30+$0xFFFFFE50];
	[tilespmem:v58+s21+$0x0] =	vst.idx.msk $0xffff, v55  }
0x281: {  	v56 =	vadd.s32 v14, v42;
	v7 =	vld [tilespmem:$0x1FF40]  }
0x282: {  	v62 =	vld [tilespmem:s30+$0x100];
	v57 =	vadd.s32 v18, v39  }
0x283: {  	v63 =	vld [tilespmem:s30+$0x140];
	v59 =	vadd.s32 v11, v50  }
0x284: {  	v5 =	vadd.s32 v22, v40;
	v2 =	vadd.f32 v54, v36;
	v55 =	vld [tilespmem:s30+$0x1E0]  }
0x285: {  	v53 =	vadd.s32 v26, v38;
	v54 =	vld [tilespmem:s30+$0x180];
	v0 =	vadd.f32 v61, v36  }
0x286: {  	v4 =	vadd.f32 v4, v35;
	v58 =	vld [tilespmem:s30+$0xFFFFFE90];
	[tilespmem:v56+s21+$0x0] =	vst.idx.msk $0xffff, v2;
	v3 =	vadd.s32 v7, v52  }
0x287: {  	v2 =	vadd.f32 v62, v36;
	v56 =	vadd.s32 v30, v43;
	[tilespmem:v57+s21+$0x0] =	vst.idx.msk $0xffff, v0  }
0x288: {  	v60 =	vld [tilespmem:s30+$0xFFFFFED0];
	v0 =	vadd.f32 v63, v36;
	v57 =	vadd.s32 v15, v51;
	[tilespmem:v59+s21+$0x0] =	vst.idx.msk $0xffff, v4  }
0x289: {  	v61 =	vld [tilespmem:s30+$0xFFFFFF10];
	[tilespmem:v5+s21+$0x0] =	vst.idx.msk $0xffff, v2;
	v2 =	vadd.f32 v55, v34  }
0x28a: {  	v5 =	vadd.s32 v19, v49;
	[tilespmem:v53+s21+$0x0] =	vst.idx.msk $0xffff, v0;
	v0 =	vadd.f32 v54, v36  }
0x28b: {  	v63 =	vld [tilespmem:s30+$0xFFFFFFD0];
	v53 =	vadd.s32 v23, v47;
	[tilespmem:v3+s21+$0x0] =	vst.idx.msk $0xffff, v2;
	v2 =	vadd.f32 v58, v35  }
0x28c: {  	v54 =	vld [tilespmem:s30+$0xFFFFFF90];
	[tilespmem:v56+s21+$0x0] =	vst.idx.msk $0xffff, v0  }
0x28d: {  	v4 =	vadd.f32 v60, v35;
	v55 =	vld [tilespmem:s30+$0xFFFFFF50];
	[tilespmem:v57+s21+$0x0] =	vst.idx.msk $0xffff, v2  }
0x28e: {  	v2 =	vadd.f32 v61, v35;
	v14 =	vld [tilespmem:$0x1FF50]  }
0x28f: {  	v60 =	vld [tilespmem:s30+$0x10];
	v3 =	vadd.s32 v27, v44;
	[tilespmem:v5+s21+$0x0] =	vst.idx.msk $0xffff, v4  }
0x290: {  	v62 =	vadd.s32 v31, v41;
	v0 =	vld [tilespmem:s30+$0x1F0];
	[tilespmem:v53+s21+$0x0] =	vst.idx.msk $0xffff, v2  }
0x291: {  	v6 =	vld [tilespmem:$0x1FF00]  }
0x292: {  	v61 =	vadd.f32 v55, v35;
	v5 =	vadd.s32 v10, v48;
	v2 =	vadd.f32 v54, v35;
	v54 =	vld [tilespmem:s30+$0x90]  }
0x293: {  	v55 =	vld [tilespmem:s30+$0x50];
	v52 =	vadd.s32 v14, v52  }
0x294: {  	v56 =	vadd.s32 v15, v42;
	[tilespmem:v3+s21+$0x0] =	vst.idx.msk $0xffff, v61  }
0x295: {  	v4 =	vld [tilespmem:s30+$0xD0];
	v3 =	vadd.s32 v11, v46;
	[tilespmem:v62+s21+$0x0] =	vst.idx.msk $0xffff, v2;
	v2 =	vadd.f32 v63, v35  }
0x296: {  	v59 =	vadd.s32 v19, v39;
	v58 =	vld [tilespmem:s30+$0x110];
	v0 =	vadd.f32 v0, v33;
	v53 =	vadd.s32 v6, v45  }
0x297: {  	v57 =	vadd.f32 v60, v35;
	v60 =	vld [tilespmem:s30+$0x150];
	[tilespmem:v5+s21+$0x0] =	vst.idx.msk $0xffff, v2;
	v62 =	vadd.f32 v54, v35  }
0x298: {  	v2 =	vadd.s32 v23, v40;
	v5 =	vld [tilespmem:s30+$0x190];
	[tilespmem:v52+s21+$0x0] =	vst.idx.msk $0xffff, v0;
	v0 =	vadd.f32 v55, v35  }
0x299: {  	v54 =	vadd.s32 v27, v38;
	[tilespmem:v56+s21+$0x0] =	vst.idx.msk $0xffff, v62;
	v52 =	vld [tilespmem:s30+$0xFFFFFE10]  }
0x29a: {  	v55 =	vld [tilespmem:s30+$0xFFFFFE60];
	[tilespmem:v3+s21+$0x0] =	vst.idx.msk $0xffff, v0;
	v0 =	vadd.f32 v4, v35;
	v3 =	vadd.s32 v31, v43  }
0x29b: {  	[tilespmem:v53+s21+$0x0] =	vst.idx.msk $0xffff, v57;
	v4 =	vadd.s32 v6, v37;
	v57 =	vld [tilespmem:s30+$0xFFFFFEA0];
	v53 =	vadd.f32 v58, v35  }
0x29c: {  	v56 =	vadd.s32 v12, v50;
	v58 =	vld [tilespmem:s30+$0xFFFFFEE0];
	[tilespmem:v59+s21+$0x0] =	vst.idx.msk $0xffff, v0;
	v0 =	vadd.f32 v60, v35  }
0x29d: {  	v59 =	vadd.s32 v16, v51;
	v60 =	vld [tilespmem:s30+$0xFFFFFF20];
	[tilespmem:v2+s21+$0x0] =	vst.idx.msk $0xffff, v53;
	v2 =	vadd.f32 v5, v35  }
0x29e: {  	v63 =	vld [tilespmem:s30+$0xFFFFFF60];
	v5 =	vadd.f32 v52, v35;
	v52 =	vadd.s32 v20, v49;
	[tilespmem:v54+s21+$0x0] =	vst.idx.msk $0xffff, v0  }
0x29f: {  	v61 =	vadd.s32 v24, v47;
	v62 =	vld [tilespmem:s30+$0xFFFFFFA0];
	v0 =	vadd.f32 v55, v34;
	[tilespmem:v3+s21+$0x0] =	vst.idx.msk $0xffff, v2  }
0x2a0: {  	[tilespmem:v4+s21+$0x0] =	vst.idx.msk $0xffff, v5;
	v2 =	vadd.f32 v57, v34;
	v3 =	vadd.s32 v28, v44;
	v4 =	vld [tilespmem:s30+$0xFFFFFFE0]  }
0x2a1: {  	v5 =	vadd.s32 v32, v41;
	[tilespmem:v56+s21+$0x0] =	vst.idx.msk $0xffff, v0;
	v0 =	vadd.f32 v58, v34;
	v56 =	vld [tilespmem:s30+$0x20]  }
0x2a2: {  	v57 =	vadd.s32 v7, v48;
	v58 =	vld [tilespmem:s30+$0x60];
	[tilespmem:v59+s21+$0x0] =	vst.idx.msk $0xffff, v2;
	v2 =	vadd.f32 v60, v34  }
0x2a3: {  	v47 =	vadd.s32 v25, v47;
	v60 =	vld [tilespmem:s30+$0xA0];
	[tilespmem:v52+s21+$0x0] =	vst.idx.msk $0xffff, v0;
	v0 =	vadd.f32 v63, v34  }
0x2a4: {  	v59 =	vld [tilespmem:s30+$0xFFFFFE20];
	v63 =	vadd.s32 v8, v45;
	[tilespmem:v61+s21+$0x0] =	vst.idx.msk $0xffff, v2;
	v2 =	vadd.f32 v62, v34  }
0x2a5: {  	v61 =	vadd.s32 v12, v46;
	v62 =	vld [tilespmem:s30+$0xE0];
	[tilespmem:v3+s21+$0x0] =	vst.idx.msk $0xffff, v0;
	v0 =	vadd.f32 v4, v34  }
0x2a6: {  	v50 =	vadd.s32 v13, v50;
	v3 =	vld [tilespmem:s30+$0x120];
	[tilespmem:v5+s21+$0x0] =	vst.idx.msk $0xffff, v2;
	v5 =	vadd.s32 v16, v42  }
0x2a7: {  	v4 =	vld [tilespmem:s30+$0x160];
	v2 =	vadd.f32 v56, v34;
	[tilespmem:v57+s21+$0x0] =	vst.idx.msk $0xffff, v0;
	v57 =	vadd.s32 v20, v39  }
0x2a8: {  	v49 =	vadd.s32 v21, v49;
	v56 =	vld [tilespmem:s30+$0x1A0];
	v0 =	vadd.f32 v58, v34;
	v58 =	vadd.s32 v24, v40  }
0x2a9: {  	v53 =	vld [tilespmem:s30+$0xFFFFFE70];
	v52 =	vadd.s32 v28, v38;
	[tilespmem:v63+s21+$0x0] =	vst.idx.msk $0xffff, v2;
	v2 =	vadd.f32 v60, v34  }
0x2aa: {  	v54 =	vadd.s32 v32, v43;
	v60 =	vld [tilespmem:s30+$0xFFFFFEB0];
	[tilespmem:v61+s21+$0x0] =	vst.idx.msk $0xffff, v0;
	v0 =	vadd.f32 v62, v34  }
0x2ab: {  	v55 =	vadd.s32 v8, v37;
	v61 =	vld [tilespmem:s30+$0xFFFFFEF0];
	v3 =	vadd.f32 v3, v34;
	[tilespmem:v5+s21+$0x0] =	vst.idx.msk $0xffff, v2  }
0x2ac: {  	v4 =	vadd.f32 v4, v34;
	v5 =	vadd.s32 v17, v51;
	v51 =	vld [tilespmem:s30+$0xFFFFFF30];
	[tilespmem:v57+s21+$0x0] =	vst.idx.msk $0xffff, v0  }
0x2ad: {  	s9 =	simm.s32 $0x10;
	v37 =	vadd.s32 v9, v37;
	v56 =	vadd.f32 v56, v34;
	v57 =	vld [tilespmem:s30+$0xFFFFFF70];
	[tilespmem:v58+s21+$0x0] =	vst.idx.msk $0xffff, v3  }
0x2ae: {  	v44 =	vadd.s32 v29, v44;
	v48 =	vadd.s32 v14, v48;
	v2 =	vmov s9;
	v58 =	vld [tilespmem:s30+$0xFFFFFFB0];
	[tilespmem:v52+s21+$0x0] =	vst.idx.msk $0xffff, v4  }
0x2af: {  	v45 =	vadd.s32 v9, v45;
	v0 =	vshrl.u32 v2, $0x3;
	v2 =	vadd.f32 v59, v34;
	v59 =	vld [tilespmem:s30+$0xFFFFFFF0];
	[tilespmem:v54+s21+$0x0] =	vst.idx.msk $0xffff, v56  }
0x2b0: {  	v38 =	vadd.s32 v29, v38;
	v46 =	vadd.s32 v13, v46;
	v53 =	vadd.f32 v53, v33;
	v7 =	vld [tilespmem:$0x1FF10]  }
0x2b1: {  	v42 =	vadd.s32 v17, v42;
	v52 =	vadd.f32 v60, v33;
	v60 =	vld [tilespmem:s30+$0x30];
	[tilespmem:v55+s21+$0x0] =	vst.idx.msk $0xffff, v2  }
0x2b2: {  	s1 =	simm.s32 $0x11;
	v39 =	vadd.s32 v21, v39;
	v56 =	vadd.f32 v61, v33;
	v55 =	vld [tilespmem:s30+$0x70];
	[tilespmem:v50+s21+$0x0] =	vst.idx.msk $0xffff, v53  }
0x2b3: {  	v40 =	vadd.s32 v25, v40;
	s9 =	simm.s32 $0x12;
	v3 =	vmov s1;
	v51 =	vadd.f32 v51, v33;
	[tilespmem:v5+s21+$0x0] =	vst.idx.msk $0xffff, v52  }
0x2b4: {  	v4 =	vmov s9;
	s1 =	simm.s32 $0x13;
	[tilespmem:v49+s21+$0x0] =	vst.idx.msk $0xffff, v56;
	v50 =	vadd.f32 v57, v33;
	v57 =	vld [tilespmem:s30+$0xB0];
	v52 =	vadd.f32 v58, v33  }
0x2b5: {  	v54 =	vmov s1;
	s1 =	simm.s32 $0x15;
	v58 =	vld [tilespmem:s30+$0xF0];
	v49 =	vadd.f32 v59, v33;
	[tilespmem:v47+s21+$0x0] =	vst.idx.msk $0xffff, v51;
	v41 =	vadd.s32 v7, v41  }
0x2b6: {  	s9 =	simm.s32 $0x14;
	v0 =	vshll.u32 v0, v1;
	v53 =	vmov s1;
	s1 =	simm.s32 $0x17;
	v59 =	vld [tilespmem:s30+$0x130];
	v51 =	vadd.f32 v60, v33;
	[tilespmem:v44+s21+$0x0] =	vst.idx.msk $0xffff, v50  }
0x2b7: {  	v2 =	vmov s9;
	s9 =	simm.s32 $0x16;
	v56 =	vmov s1;
	s1 =	simm.s32 $0x19;
	v60 =	vld [tilespmem:s30+$0x170];
	v63 =	vadd.f32 v55, v33;
	[tilespmem:v48+s21+$0x0] =	vst.idx.msk $0xffff, v49  }
0x2b8: {  	v10 =	vbroadcast v0, $0x0;
	v5 =	vmov s9;
	s9 =	simm.s32 $0x18;
	v61 =	vmov s1;
	v50 =	vld [tilespmem:s30+$0x1B0];
	[tilespmem:v45+s21+$0x0] =	vst.idx.msk $0xffff, v51  }
0x2b9: {  	v47 =	vmov s9;
	v43 =	vadd.s32 v7, v43;
	[tilespmem:v46+s21+$0x0] =	vst.idx.msk $0xffff, v63;
	v55 =	vadd.f32 v57, v33  }
0x2ba: {  	s1 =	simm.s32 $0x1B;
	v44 =	vshrl.u32 v3, $0x3;
	v47 =	vshrl.u32 v47, $0x3;
	v48 =	vadd.f32 v58, v33;
	[tilespmem:v41+s21+$0x0] =	vst.idx.msk $0xffff, v52;
	v52 =	vld [tilespmem:s30+$0xFFFFFE30]  }
0x2bb: {  	v45 =	vshrl.u32 v54, $0x3;
	v51 =	vshrl.u32 v2, $0x3;
	v57 =	vmov s1;
	s1 =	simm.s32 $0x1D;
	[tilespmem:v42+s21+$0x0] =	vst.idx.msk $0xffff, v55  }
0x2bc: {  	s9 =	simm.s32 $0x1A;
	v46 =	vshrl.u32 v56, $0x3;
	v49 =	vadd.f32 v59, v33;
	v59 =	vmov s1;
	[tilespmem:v39+s21+$0x0] =	vst.idx.msk $0xffff, v48  }
0x2bd: {  	v60 =	vadd.f32 v60, v33;
	v41 =	vmov s9;
	v3 =	vadd.f32 v50, v33;
	[tilespmem:$0x1FEF0] =	vst v33  }
0x2be: {  	s9 =	simm.s32 $0x1C;
	v50 =	vshrl.u32 v4, $0x3;
	v48 =	vshrl.u32 v53, $0x3;
	v39 =	vshrl.u32 v59, $0x3;
	[tilespmem:v40+s21+$0x0] =	vst.idx.msk $0xffff, v49  }
0x2bf: {  	v58 =	vmov s9;
	s9 =	simm.s32 $0x1E;
	v42 =	vshrl.u32 v41, $0x3;
	[tilespmem:v38+s21+$0x0] =	vst.idx.msk $0xffff, v60;
	v63 =	vadd.f32 v52, v33  }
0x2c0: {  	v62 =	vmov s9;
	v49 =	vshrl.u32 v5, $0x3;
	v38 =	vshrl.u32 v61, $0x3;
	[tilespmem:v43+s21+$0x0] =	vst.idx.msk $0xffff, v3  }
0x2c1: {  	s31 =	simm.s32 $0x20;
	s1 =	simm.s32 $0x1F;
	v43 =	vshrl.u32 v57, $0x3;
	v40 =	vshrl.u32 v58, $0x3;
	v41 =	vshrl.u32 v62, $0x3;
	[tilespmem:v37+s21+$0x0] =	vst.idx.msk $0xffff, v63  }
.LBB2_9:
0x2c2: {  	v30 =	vmovc v11;
	v11 =	vmov v15;
	v15 =	vmov v19;
	v19 =	vmov v23  }
0x2c3: {  	v23 =	vmovc v27;
	v27 =	vmovc v31;
	v31 =	vmov v8;
	v8 =	vmov v12;
	v12 =	vmov v16  }
0x2c4: {  	v16 =	vmovc v20;
	v20 =	vmovc v24;
	v24 =	vmov v28;
	v28 =	vmov v32;
	v32 =	vmov v9  }
0x2c5: {  	v9 =	vmovc v13;
	v13 =	vmovc v17;
	v17 =	vmov v21;
	v21 =	vmov v25;
	v25 =	vmov v29;
	v29 =	vld [tilespmem:$0x1FF20]  }
0x2c6: {  	v37 =	vld [tilespmem:$0x1FF60]  }
0x2c7: {  	v7 =	vld [tilespmem:$0x1FF70]  }
0x2c8: {  	v14 =	vld [tilespmem:$0x1FF90]  }
0x2c9: {  	v18 =	vld [tilespmem:$0x1FFA0]  }
0x2ca: {  	v22 =	vld [tilespmem:$0x1FFB0]  }
0x2cb: {  	s30 =	sadd.s32 $0x400, s30;
	v26 =	vld [tilespmem:$0x1FFF0]  }
0x2cc: {  	v0 =	vshll.u32 v44, v1;
	v44 =	vshll.u32 v48, v1;
	v48 =	vld [tilespmem:s30+$0x1C0]  }
0x2cd: {  	v2 =	vshll.u32 v50, v1;
	v3 =	vmov s1;
	v55 =	vshll.u32 v43, v1;
	v43 =	vld [tilespmem:s30+$0xFFFFFE40]  }
0x2ce: {  	v4 =	vshll.u32 v45, v1;
	v5 =	vshll.u32 v51, v1;
	v3 =	vshrl.u32 v3, $0x3;
	v57 =	vld [tilespmem:s30+$0xFFFFFE80]  }
0x2cf: {  	v45 =	vshll.u32 v49, v1;
	v50 =	vbroadcast v0, $0x0;
	v59 =	vld [tilespmem:s30+$0xFFFFFEC0];
	v3 =	vshll.u32 v3, v1  }
0x2d0: {  	v46 =	vshll.u32 v46, v1;
	v53 =	vshll.u32 v47, v1;
	v60 =	vld [tilespmem:s30+$0xFFFFFF00];
	v52 =	vbroadcast v3, $0x0  }
0x2d1: {  	v38 =	vshll.u32 v38, v1;
	v0 =	vshll.u32 v40, v1;
	v3 =	vld [tilespmem:s30+$0xFFFFFE00];
	v58 =	vadd.s32 v7, v50  }
0x2d2: {  	[tilespmem:$0x1FEE0] =	vst v10;
	v49 =	vbroadcast v4, $0x0;
	v40 =	vadd.s32 v29, v52;
	v56 =	vadd.s32 v37, v10;
	v10 =	vld [tilespmem:$0x1FF80]  }
0x2d3: {  	v54 =	vshll.u32 v42, v1;
	v51 =	vbroadcast v2, $0x0;
	v62 =	vld [tilespmem:s30+$0xFFFFFF40];
	v33 =	vadd.f32 v48, v36  }
0x2d4: {  	v42 =	vbroadcast v44, $0x0;
	v6 =	vld [tilespmem:s30+$0xFFFFFF80];
	v61 =	vadd.s32 v14, v49;
	v43 =	vadd.f32 v43, v36  }
0x2d5: {  	v2 =	vshll.u32 v39, v1;
	v4 =	vshll.u32 v41, v1;
	v48 =	vbroadcast v46, $0x0;
	v46 =	vld [tilespmem:s30+$0x0]  }
0x2d6: {  	v47 =	vbroadcast v5, $0x0;
	v5 =	vadd.s32 v22, v42;
	v3 =	vadd.f32 v3, v36;
	[tilespmem:v58+s21+$0x0] =	vst.idx.msk $0xffff, v43;
	v58 =	vld [tilespmem:s30+$0xFFFFFFC0]  }
0x2d7: {  	v41 =	vadd.s32 v10, v51;
	[tilespmem:v40+s21+$0x0] =	vst.idx.msk $0xffff, v33;
	v40 =	vadd.f32 v59, v36;
	v33 =	vmov v1;
	v1 =	vld [tilespmem:$0x1FF30]  }
0x2d8: {  	[tilespmem:v56+s21+$0x0] =	vst.idx.msk $0xffff, v3;
	v43 =	vbroadcast v54, $0x0;
	v54 =	vld [tilespmem:s30+$0xC0]  }
0x2d9: {  	v39 =	vbroadcast v45, $0x0;
	v44 =	vbroadcast v53, $0x0;
	v56 =	vld [tilespmem:s30+$0x1D0];
	[tilespmem:v61+s21+$0x0] =	vst.idx.msk $0xffff, v40;
	v40 =	vadd.f32 v62, v36  }
0x2da: {  	v45 =	vbroadcast v38, $0x0;
	v63 =	vadd.s32 v18, v47;
	v3 =	vadd.f32 v57, v36;
	v61 =	vld [tilespmem:s30+$0x80]  }
0x2db: {  	v38 =	vbroadcast v2, $0x0;
	v57 =	vadd.s32 v26, v39;
	v59 =	vadd.s32 v29, v48;
	v62 =	vld [tilespmem:s30+$0x140];
	[tilespmem:v5+s21+$0x0] =	vst.idx.msk $0xffff, v40  }
0x2dc: {  	v5 =	vadd.s32 v7, v45;
	v40 =	vbroadcast v55, $0x0;
	v7 =	vld [tilespmem:$0x1FF40];
	[tilespmem:v41+s21+$0x0] =	vst.idx.msk $0xffff, v3;
	v3 =	vadd.f32 v60, v36  }
0x2dd: {  	v29 =	vmovc v25;
	v53 =	vadd.s32 v1, v52;
	v60 =	vld [tilespmem:s30+$0x40];
	v41 =	vbroadcast v0, $0x0;
	v0 =	vadd.f32 v46, v36  }
0x2de: {  	v25 =	vmovc v21;
	v21 =	vmovc v17;
	v46 =	vbroadcast v4, $0x0;
	v4 =	vld [tilespmem:s30+$0xFFFFFE50];
	v55 =	vadd.f32 v56, v35;
	v56 =	vadd.s32 v10, v43  }
0x2df: {  	v17 =	vmov v13;
	v10 =	vld [tilespmem:$0x1FF50];
	[tilespmem:v63+s21+$0x0] =	vst.idx.msk $0xffff, v3;
	v3 =	vadd.f32 v6, v36;
	v6 =	vadd.s32 v37, v44  }
0x2e0: {  	v13 =	vmovc v9;
	v9 =	vmovc v32;
	v32 =	vmov v28;
	v28 =	vmov v24;
	v24 =	vmov v20;
	v37 =	vld [tilespmem:s30+$0xFFFFFF10]  }
0x2e1: {  	v20 =	vmovc v16;
	v16 =	vmov v12;
	v12 =	vmov v8;
	[tilespmem:v57+s21+$0x0] =	vst.idx.msk $0xffff, v3;
	v3 =	vadd.f32 v58, v36;
	v57 =	vld [tilespmem:s30+$0x100]  }
0x2e2: {  	v8 =	vmov v31;
	v58 =	vadd.s32 v14, v40;
	v14 =	vld [tilespmem:$0x1FEF0];
	[tilespmem:v53+s21+$0x0] =	vst.idx.msk $0xffff, v55;
	v2 =	vadd.f32 v60, v36  }
0x2e3: {  	v31 =	vmov v27;
	v4 =	vadd.f32 v4, v35;
	[tilespmem:v59+s21+$0x0] =	vst.idx.msk $0xffff, v3;
	v3 =	vadd.s32 v18, v41;
	v53 =	vld [tilespmem:s30+$0x1E0]  }
0x2e4: {  	v27 =	vmov v23;
	v55 =	vld [tilespmem:s30+$0x180];
	[tilespmem:v6+s21+$0x0] =	vst.idx.msk $0xffff, v0;
	v0 =	vadd.f32 v61, v36;
	v6 =	vadd.s32 v22, v38  }
0x2e5: {  	v23 =	vmov v19;
	v60 =	vld [tilespmem:$0x1FF00];
	[tilespmem:v5+s21+$0x0] =	vst.idx.msk $0xffff, v2;
	v2 =	vadd.f32 v54, v36;
	v5 =	vadd.s32 v7, v52  }
0x2e6: {  	v19 =	vmov v15;
	v54 =	vld [tilespmem:s30+$0xFFFFFE90];
	[tilespmem:v56+s21+$0x0] =	vst.idx.msk $0xffff, v0;
	v0 =	vadd.f32 v57, v36;
	v56 =	vadd.s32 v26, v46  }
0x2e7: {  	v15 =	vmov v11;
	v59 =	vld [tilespmem:s30+$0xFFFFFED0];
	v57 =	vadd.s32 v30, v50;
	[tilespmem:v58+s21+$0x0] =	vst.idx.msk $0xffff, v2;
	v2 =	vadd.f32 v62, v36  }
0x2e8: {  	v18 =	vld [tilespmem:$0x1FEE0];
	v58 =	vadd.s32 v15, v51;
	[tilespmem:v3+s21+$0x0] =	vst.idx.msk $0xffff, v0;
	v0 =	vadd.f32 v53, v34  }
0x2e9: {  	v3 =	vadd.s32 v19, v49;
	v53 =	vld [tilespmem:s30+$0xFFFFFF50];
	[tilespmem:v6+s21+$0x0] =	vst.idx.msk $0xffff, v2;
	v2 =	vadd.f32 v55, v36  }
0x2ea: {  	v61 =	vld [tilespmem:s30+$0xFFFFFF90];
	v52 =	vadd.s32 v10, v52;
	v6 =	vadd.s32 v23, v47;
	[tilespmem:v5+s21+$0x0] =	vst.idx.msk $0xffff, v0  }
0x2eb: {  	v0 =	vadd.f32 v54, v35;
	v5 =	vadd.s32 v27, v42;
	[tilespmem:v56+s21+$0x0] =	vst.idx.msk $0xffff, v2;
	v2 =	vld [tilespmem:s30+$0x1F0]  }
0x2ec: {  	v62 =	vadd.f32 v59, v35;
	v54 =	vadd.s32 v31, v39;
	[tilespmem:v57+s21+$0x0] =	vst.idx.msk $0xffff, v4;
	v56 =	vld [tilespmem:s30+$0xFFFFFFD0]  }
0x2ed: {  	v4 =	vadd.s32 v1, v48;
	[tilespmem:v58+s21+$0x0] =	vst.idx.msk $0xffff, v0;
	v0 =	vadd.f32 v37, v35;
	v37 =	vld [tilespmem:s30+$0x10]  }
0x2ee: {  	v58 =	vadd.s32 v19, v40;
	[tilespmem:v3+s21+$0x0] =	vst.idx.msk $0xffff, v62;
	v3 =	vadd.f32 v53, v35;
	v53 =	vld [tilespmem:s30+$0x50]  }
0x2ef: {  	v55 =	vld [tilespmem:s30+$0x90];
	[tilespmem:v6+s21+$0x0] =	vst.idx.msk $0xffff, v0;
	v0 =	vadd.f32 v61, v35;
	v6 =	vadd.s32 v60, v44  }
0x2f0: {  	[tilespmem:v5+s21+$0x0] =	vst.idx.msk $0xffff, v3;
	v3 =	vadd.s32 v30, v45;
	v5 =	vld [tilespmem:s30+$0xD0];
	v2 =	vadd.f32 v2, v14  }
0x2f1: {  	v61 =	vld [tilespmem:s30+$0xFFFFFE10];
	[tilespmem:v54+s21+$0x0] =	vst.idx.msk $0xffff, v0;
	v0 =	vadd.f32 v56, v35;
	v54 =	vadd.s32 v15, v43  }
0x2f2: {  	v62 =	vld [tilespmem:s30+$0x110];
	v56 =	vadd.s32 v24, v41;
	v57 =	vadd.f32 v37, v35;
	[tilespmem:v52+s21+$0x0] =	vst.idx.msk $0xffff, v2  }
0x2f3: {  	v37 =	vld [tilespmem:s30+$0x150];
	[tilespmem:v4+s21+$0x0] =	vst.idx.msk $0xffff, v0;
	v0 =	vadd.f32 v53, v35;
	v2 =	vadd.s32 v23, v41  }
0x2f4: {  	v4 =	vld [tilespmem:s30+$0x190];
	v53 =	vadd.s32 v27, v38;
	v41 =	vadd.s32 v25, v41;
	[tilespmem:v6+s21+$0x0] =	vst.idx.msk $0xffff, v57  }
0x2f5: {  	v6 =	vadd.f32 v55, v35;
	v55 =	vld [tilespmem:s30+$0xFFFFFE60];
	[tilespmem:v3+s21+$0x0] =	vst.idx.msk $0xffff, v0;
	v0 =	vadd.f32 v5, v35  }
0x2f6: {  	v3 =	vadd.s32 v31, v46;
	v5 =	vadd.s32 v60, v18;
	v60 =	vadd.f32 v61, v35  }
0x2f7: {  	v57 =	vld [tilespmem:s30+$0xFFFFFEA0];
	[tilespmem:v54+s21+$0x0] =	vst.idx.msk $0xffff, v6;
	v6 =	vadd.f32 v62, v35;
	v54 =	vadd.s32 v12, v50  }
0x2f8: {  	v62 =	vld [tilespmem:s30+$0xFFFFFEE0];
	[tilespmem:v58+s21+$0x0] =	vst.idx.msk $0xffff, v0;
	v0 =	vadd.f32 v37, v35;
	v58 =	vadd.s32 v16, v51  }
0x2f9: {  	v37 =	vld [tilespmem:s30+$0xFFFFFF20];
	[tilespmem:v2+s21+$0x0] =	vst.idx.msk $0xffff, v6;
	v2 =	vadd.f32 v4, v35;
	v6 =	vadd.s32 v20, v49  }
0x2fa: {  	v63 =	vld [tilespmem:$0x1FF10];
	v49 =	vadd.s32 v21, v49;
	[tilespmem:v53+s21+$0x0] =	vst.idx.msk $0xffff, v0;
	v0 =	vadd.f32 v55, v34  }
0x2fb: {  	v61 =	vld [tilespmem:s30+$0xFFFFFF60];
	v53 =	vadd.s32 v24, v47;
	v47 =	vadd.s32 v25, v47;
	[tilespmem:v3+s21+$0x0] =	vst.idx.msk $0xffff, v2  }
0x2fc: {  	v55 =	vld [tilespmem:s30+$0xFFFFFFA0];
	[tilespmem:v5+s21+$0x0] =	vst.idx.msk $0xffff, v60;
	v2 =	vadd.f32 v57, v34;
	v3 =	vadd.s32 v28, v42  }
0x2fd: {  	v4 =	vld [tilespmem:s30+$0xFFFFFFE0];
	v5 =	vadd.s32 v32, v39;
	[tilespmem:v54+s21+$0x0] =	vst.idx.msk $0xffff, v0;
	v0 =	vadd.f32 v62, v34  }
0x2fe: {  	v42 =	vadd.s32 v29, v42;
	v62 =	vld [tilespmem:s30+$0x20];
	[tilespmem:v58+s21+$0x0] =	vst.idx.msk $0xffff, v2;
	v2 =	vadd.f32 v37, v34  }
0x2ff: {  	v60 =	vld [tilespmem:s30+$0x60];
	v37 =	vadd.s32 v7, v48;
	v48 =	vadd.s32 v10, v48;
	[tilespmem:v6+s21+$0x0] =	vst.idx.msk $0xffff, v0  }
0x300: {  	v0 =	vadd.f32 v61, v34;
	v6 =	vadd.s32 v8, v44;
	v61 =	vld [tilespmem:s30+$0xA0];
	v44 =	vadd.s32 v9, v44  }
0x301: {  	[tilespmem:v53+s21+$0x0] =	vst.idx.msk $0xffff, v2;
	v2 =	vadd.f32 v55, v34;
	v53 =	vadd.s32 v12, v45;
	v55 =	vld [tilespmem:s30+$0xE0]  }
0x302: {  	[tilespmem:v3+s21+$0x0] =	vst.idx.msk $0xffff, v0;
	v0 =	vadd.f32 v4, v34;
	v3 =	vadd.s32 v16, v43;
	v4 =	vld [tilespmem:s30+$0x120]  }
0x303: {  	[tilespmem:v5+s21+$0x0] =	vst.idx.msk $0xffff, v2;
	v2 =	vadd.f32 v62, v34;
	v5 =	vadd.s32 v20, v40;
	v62 =	vld [tilespmem:s30+$0x160]  }
0x304: {  	v45 =	vadd.s32 v13, v45;
	[tilespmem:v37+s21+$0x0] =	vst.idx.msk $0xffff, v0;
	v0 =	vadd.f32 v60, v34;
	v37 =	vld [tilespmem:s30+$0x1A0]  }
0x305: {  	v60 =	vld [tilespmem:s30+$0xFFFFFE20];
	[tilespmem:v6+s21+$0x0] =	vst.idx.msk $0xffff, v2;
	v2 =	vadd.f32 v61, v34;
	v6 =	vadd.s32 v28, v38  }
0x306: {  	v61 =	vld [tilespmem:s30+$0xFFFFFE70];
	[tilespmem:v53+s21+$0x0] =	vst.idx.msk $0xffff, v0;
	v0 =	vadd.f32 v55, v34;
	v53 =	vadd.s32 v32, v46  }
0x307: {  	v59 =	vld [tilespmem:s30+$0xFFFFFEB0];
	v55 =	vadd.s32 v8, v18;
	[tilespmem:v3+s21+$0x0] =	vst.idx.msk $0xffff, v2;
	v2 =	vadd.f32 v4, v34  }
0x308: {  	v3 =	vadd.s32 v13, v50;
	v4 =	vld [tilespmem:s30+$0xFFFFFEF0];
	[tilespmem:v5+s21+$0x0] =	vst.idx.msk $0xffff, v0;
	v0 =	vadd.f32 v62, v34  }
0x309: {  	v50 =	vadd.s32 v17, v51;
	v51 =	vld [tilespmem:s30+$0xFFFFFF30];
	[tilespmem:v56+s21+$0x0] =	vst.idx.msk $0xffff, v2;
	v2 =	vadd.f32 v37, v34  }
0x30a: {  	v38 =	vadd.s32 v29, v38;
	v62 =	vmov s31;
	v37 =	vadd.f32 v60, v34;
	v60 =	vld [tilespmem:s30+$0xFFFFFF70];
	[tilespmem:v6+s21+$0x0] =	vst.idx.msk $0xffff, v0  }
0x30b: {  	s0 =	sadd.s32 $0x1, s31;
	v46 =	vadd.s32 v63, v46;
	v5 =	vshrl.u32 v62, $0x3;
	v6 =	vadd.f32 v61, v14;
	v61 =	vld [tilespmem:s30+$0xFFFFFFB0];
	[tilespmem:v53+s21+$0x0] =	vst.idx.msk $0xffff, v2  }
0x30c: {  	s9 =	sadd.s32 $0x2, s31;
	v54 =	vld [tilespmem:s30+$0xFFFFFFF0];
	v62 =	vadd.f32 v59, v14;
	v0 =	vmov s0;
	v5 =	vshll.u32 v5, v33;
	[tilespmem:v55+s21+$0x0] =	vst.idx.msk $0xffff, v37  }
0x30d: {  	s1 =	sadd.s32 $0x3, s31;
	v2 =	vmov s9;
	[tilespmem:v3+s21+$0x0] =	vst.idx.msk $0xffff, v6;
	v3 =	vadd.f32 v4, v14;
	v4 =	vadd.s32 v63, v39;
	v6 =	vld [tilespmem:s30+$0x30]  }
0x30e: {  	v55 =	vmov s1;
	s9 =	sadd.s32 $0x4, s31;
	s1 =	sadd.s32 $0x5, s31;
	v10 =	vbroadcast v5, $0x0;
	[tilespmem:v50+s21+$0x0] =	vst.idx.msk $0xffff, v62;
	v37 =	vadd.f32 v51, v14;
	v51 =	vld [tilespmem:s30+$0x70]  }
0x30f: {  	v39 =	vmov s9;
	v53 =	vmov s1;
	s1 =	sadd.s32 $0x7, s31;
	[tilespmem:v49+s21+$0x0] =	vst.idx.msk $0xffff, v3;
	v3 =	vadd.f32 v60, v14;
	v60 =	vld [tilespmem:s30+$0xB0]  }
0x310: {  	v50 =	vshrl.u32 v2, $0x3;
	v52 =	vmov s1;
	s1 =	sadd.s32 $0x9, s31;
	[tilespmem:v47+s21+$0x0] =	vst.idx.msk $0xffff, v37;
	v47 =	vld [tilespmem:s30+$0x1B0];
	v61 =	vadd.f32 v61, v14  }
0x311: {  	s9 =	sadd.s32 $0x6, s31;
	v62 =	vld [tilespmem:s30+$0xF0];
	v57 =	vmov s1;
	s1 =	sadd.s32 $0xB, s31;
	[tilespmem:v42+s21+$0x0] =	vst.idx.msk $0xffff, v3;
	v3 =	vadd.f32 v54, v14;
	v42 =	vadd.s32 v17, v43  }
0x312: {  	v56 =	vmov s9;
	s9 =	sadd.s32 $0x8, s31;
	v59 =	vmov s1;
	v43 =	vld [tilespmem:s30+$0x130];
	[tilespmem:v4+s21+$0x0] =	vst.idx.msk $0xffff, v61;
	v37 =	vadd.f32 v6, v14  }
0x313: {  	s1 =	sadd.s32 $0xD, s31;
	v54 =	vmov s9;
	s9 =	sadd.s32 $0xA, s31;
	v6 =	vadd.s32 v21, v40;
	v40 =	vld [tilespmem:s30+$0x170];
	[tilespmem:v48+s21+$0x0] =	vst.idx.msk $0xffff, v3;
	v3 =	vadd.f32 v51, v14  }
0x314: {  	v58 =	vmov s9;
	s9 =	sadd.s32 $0xC, s31;
	v61 =	vmov s1;
	v48 =	vld [tilespmem:s30+$0xFFFFFE30];
	[tilespmem:v44+s21+$0x0] =	vst.idx.msk $0xffff, v37;
	v49 =	vadd.f32 v60, v14  }
0x315: {  	v60 =	vmov s9;
	v44 =	vshrl.u32 v0, $0x3;
	v0 =	vadd.f32 v47, v14;
	[tilespmem:v45+s21+$0x0] =	vst.idx.msk $0xffff, v3  }
0x316: {  	p0 =	slt.u32 s31, $0x70;
	s9 =	sadd.s32 $0xE, s31;
	v37 =	vadd.s32 v9, v18;
	v47 =	vshrl.u32 v54, $0x3;
	v3 =	vadd.f32 v62, v14;
	[tilespmem:v42+s21+$0x0] =	vst.idx.msk $0xffff, v49  }
.Ltmp3:
0x317: {  	v62 =	vmov s9;
	v45 =	vshrl.u32 v55, $0x3;
	v51 =	vadd.f32 v43, v14;
	[tilespmem:v46+s21+$0x0] =	vst.idx.msk $0xffff, v0;
	(pc) =	sbr.rel @p0 .LBB2_9-.Ltmp3, $4  }
0x318: {  	v49 =	vshrl.u32 v56, $0x3;
	v46 =	vshrl.u32 v52, $0x3;
	[tilespmem:v6+s21+$0x0] =	vst.idx.msk $0xffff, v3;
	v3 =	vadd.f32 v40, v14  }
0x319: {  	v42 =	vshrl.u32 v58, $0x3;
	v43 =	vshrl.u32 v59, $0x3;
	[tilespmem:v41+s21+$0x0] =	vst.idx.msk $0xffff, v51;
	v2 =	vadd.f32 v48, v14  }
0x31a: {  	v40 =	vshrl.u32 v60, $0x3;
	v51 =	vshrl.u32 v39, $0x3;
	v48 =	vshrl.u32 v53, $0x3;
	[tilespmem:v38+s21+$0x0] =	vst.idx.msk $0xffff, v3  }
0x31b: {  	v11 =	vmovc v30;
	v1 =	vmovc v33;
	s1 =	sadd.s32 $0xF, s31;
	s31 =	sadd.s32 $0x10, s31;
	v39 =	vshrl.u32 v61, $0x3;
	v41 =	vshrl.u32 v62, $0x3;
	v38 =	vshrl.u32 v57, $0x3;
	[tilespmem:v37+s21+$0x0] =	vst.idx.msk $0xffff, v2  }
0x31c: {  	v7 =	vld [tilespmem:$0x1FF60];
	_ =	sdelay $0x1  }
0x31d: {  	v3 =	vmov s1;
	v33 =	vld [tilespmem:$0x1FF20]  }
0x31e: {  	s30 =	sadd.s32 $0x400, s30;
	v14 =	vld [tilespmem:$0x1FF80];
	v3 =	vshrl.u32 v3, $0x3  }
0x31f: {  	v60 =	vld [tilespmem:s30+$0x1C0];
	v3 =	vshll.u32 v3, v1  }
0x320: {  	v37 =	vmov v10;
	v3 =	vbroadcast v3, $0x0;
	v53 =	vadd.s32 v7, v10;
	v10 =	vld [tilespmem:$0x1FF70]  }
0x321: {  	v61 =	vld [tilespmem:s30+$0xFFFFFE00]  }
0x322: {  	v0 =	vshll.u32 v44, v1;
	v2 =	vshll.u32 v50, v1;
	v18 =	vld [tilespmem:$0x1FF90];
	v52 =	vadd.s32 v33, v3  }
0x323: {  	v44 =	vshll.u32 v49, v1;
	v49 =	vshll.u32 v38, v1;
	v62 =	vld [tilespmem:s30+$0xFFFFFE40];
	v38 =	vbroadcast v0, $0x0  }
0x324: {  	v0 =	vshll.u32 v40, v1;
	v54 =	vld [tilespmem:s30+$0xFFFFFE80];
	v40 =	vbroadcast v2, $0x0  }
0x325: {  	v4 =	vshll.u32 v45, v1;
	v56 =	vld [tilespmem:s30+$0xFFFFFEC0];
	v60 =	vadd.f32 v60, v36;
	v55 =	vadd.s32 v10, v38  }
0x326: {  	v6 =	vshll.u32 v48, v1;
	v58 =	vld [tilespmem:s30+$0xFFFFFF00];
	v57 =	vadd.s32 v14, v40;
	v61 =	vadd.f32 v61, v36  }
0x327: {  	v50 =	vshll.u32 v42, v1;
	v2 =	vshll.u32 v39, v1;
	v59 =	vld [tilespmem:s30+$0xFFFFFF40];
	[tilespmem:v52+s21+$0x0] =	vst.idx.msk $0xffff, v60  }
0x328: {  	v39 =	vbroadcast v4, $0x0;
	v42 =	vbroadcast v6, $0x0;
	v6 =	vadd.f32 v62, v36;
	v22 =	vld [tilespmem:$0x1FFA0];
	[tilespmem:v53+s21+$0x0] =	vst.idx.msk $0xffff, v61  }
0x329: {  	v62 =	vadd.f32 v54, v36;
	v26 =	vld [tilespmem:$0x1FFB0]  }
0x32a: {  	v5 =	vshll.u32 v51, v1;
	v48 =	vadd.s32 v18, v39;
	v52 =	vld [tilespmem:s30+$0xFFFFFF80];
	[tilespmem:v55+s21+$0x0] =	vst.idx.msk $0xffff, v6  }
0x32b: {  	v45 =	vshll.u32 v46, v1;
	v4 =	vshll.u32 v41, v1;
	v41 =	vbroadcast v5, $0x0;
	v30 =	vld [tilespmem:$0x1FFF0];
	[tilespmem:v57+s21+$0x0] =	vst.idx.msk $0xffff, v62  }
0x32c: {  	v46 =	vshll.u32 v47, v1;
	v51 =	vshll.u32 v43, v1;
	v43 =	vbroadcast v44, $0x0;
	v62 =	vld [tilespmem:$0x1FF30]  }
0x32d: {  	v44 =	vbroadcast v45, $0x0;
	v6 =	vadd.f32 v56, v36;
	v56 =	vld [tilespmem:s30+$0xFFFFFFC0];
	v5 =	vadd.s32 v22, v41  }
0x32e: {  	v45 =	vbroadcast v46, $0x0;
	v57 =	vld [tilespmem:s30+$0x0];
	v53 =	vadd.s32 v26, v42  }
0x32f: {  	v54 =	vld [tilespmem:s30+$0x1D0];
	[tilespmem:v48+s21+$0x0] =	vst.idx.msk $0xffff, v6;
	v6 =	vadd.f32 v59, v36;
	v59 =	vadd.s32 v33, v44  }
0x330: {  	v47 =	vadd.f32 v58, v36;
	v33 =	vadd.f32 v52, v36;
	v52 =	vadd.s32 v7, v45  }
0x331: {  	v46 =	vbroadcast v49, $0x0;
	v60 =	vld [tilespmem:s30+$0x40];
	v58 =	vadd.s32 v62, v3  }
0x332: {  	v55 =	vadd.s32 v30, v43;
	[tilespmem:v5+s21+$0x0] =	vst.idx.msk $0xffff, v47;
	v5 =	vadd.f32 v56, v36  }
0x333: {  	v49 =	vbroadcast v0, $0x0;
	v0 =	vadd.f32 v57, v36;
	[tilespmem:v53+s21+$0x0] =	vst.idx.msk $0xffff, v6;
	v6 =	vadd.s32 v10, v46  }
0x334: {  	v47 =	vbroadcast v50, $0x0;
	v50 =	vadd.f32 v54, v35;
	[tilespmem:v59+s21+$0x0] =	vst.idx.msk $0xffff, v5  }
0x335: {  	[tilespmem:v52+s21+$0x0] =	vst.idx.msk $0xffff, v0  }
0x336: {  	[tilespmem:v58+s21+$0x0] =	vst.idx.msk $0xffff, v50;
	v50 =	vbroadcast v2, $0x0;
	v2 =	vadd.f32 v60, v36  }
0x337: {  	v61 =	vld [tilespmem:s30+$0x80];
	[tilespmem:v55+s21+$0x0] =	vst.idx.msk $0xffff, v33  }
0x338: {  	v53 =	vld [tilespmem:s30+$0xC0];
	[tilespmem:v6+s21+$0x0] =	vst.idx.msk $0xffff, v2  }
0x339: {  	v48 =	vbroadcast v51, $0x0;
	v60 =	vld [tilespmem:$0x1FF40]  }
0x33a: {  	v54 =	vadd.s32 v14, v47;
	v33 =	vld [tilespmem:s30+$0x100]  }
0x33b: {  	v56 =	vadd.s32 v18, v48;
	v57 =	vld [tilespmem:s30+$0x140]  }
0x33c: {  	v5 =	vadd.s32 v22, v49;
	v58 =	vld [tilespmem:s30+$0x1E0]  }
0x33d: {  	v51 =	vbroadcast v4, $0x0;
	v0 =	vadd.f32 v61, v36;
	v59 =	vld [tilespmem:s30+$0x180];
	v52 =	vadd.s32 v26, v50  }
0x33e: {  	v4 =	vadd.f32 v53, v36;
	v2 =	vld [tilespmem:s30+$0xFFFFFE50];
	v6 =	vadd.s32 v60, v3  }
0x33f: {  	[tilespmem:v54+s21+$0x0] =	vst.idx.msk $0xffff, v0;
	v0 =	vld [tilespmem:s30+$0xFFFFFE90];
	v54 =	vadd.s32 v30, v51;
	v33 =	vadd.f32 v33, v36  }
0x340: {  	v55 =	vld [tilespmem:s30+$0xFFFFFED0];
	v61 =	vadd.f32 v57, v36;
	[tilespmem:v56+s21+$0x0] =	vst.idx.msk $0xffff, v4;
	v4 =	vadd.s32 v11, v38  }
0x341: {  	v53 =	vld [tilespmem:s30+$0xFFFFFF10];
	[tilespmem:v5+s21+$0x0] =	vst.idx.msk $0xffff, v33;
	v5 =	vadd.s32 v15, v40;
	v57 =	vadd.f32 v58, v34  }
0x342: {  	v33 =	vadd.f32 v59, v36;
	[tilespmem:v52+s21+$0x0] =	vst.idx.msk $0xffff, v61;
	v52 =	vadd.s32 v19, v39;
	v61 =	vld [tilespmem:s30+$0xFFFFFF50]  }
0x343: {  	v2 =	vadd.f32 v2, v35;
	[tilespmem:v6+s21+$0x0] =	vst.idx.msk $0xffff, v57;
	v6 =	vadd.s32 v23, v41  }
0x344: {  	v0 =	vadd.f32 v0, v35;
	[tilespmem:v54+s21+$0x0] =	vst.idx.msk $0xffff, v33;
	v33 =	vadd.s32 v27, v42;
	v57 =	vld [tilespmem:s30+$0xFFFFFF90]  }
0x345: {  	[tilespmem:v4+s21+$0x0] =	vst.idx.msk $0xffff, v2;
	v2 =	vadd.f32 v55, v35  }
0x346: {  	[tilespmem:v5+s21+$0x0] =	vst.idx.msk $0xffff, v0;
	v0 =	vadd.f32 v53, v35  }
0x347: {  	v59 =	vld [tilespmem:$0x1FF50];
	[tilespmem:v52+s21+$0x0] =	vst.idx.msk $0xffff, v2;
	v2 =	vadd.f32 v61, v35  }
0x348: {  	v54 =	vld [tilespmem:s30+$0x1F0];
	[tilespmem:v6+s21+$0x0] =	vst.idx.msk $0xffff, v0  }
0x349: {  	v0 =	vadd.f32 v57, v35;
	v57 =	vld [tilespmem:$0x1FF00];
	[tilespmem:v33+s21+$0x0] =	vst.idx.msk $0xffff, v2  }
0x34a: {  	v33 =	vld [tilespmem:$0x1FEF0]  }
0x34b: {  	v4 =	vadd.s32 v31, v43;
	v55 =	vld [tilespmem:s30+$0xFFFFFFD0]  }
0x34c: {  	v5 =	vld [tilespmem:s30+$0x10];
	v3 =	vadd.s32 v59, v3  }
0x34d: {  	v52 =	vadd.s32 v62, v44;
	v61 =	vld [tilespmem:s30+$0x50]  }
0x34e: {  	v56 =	vld [tilespmem:s30+$0x90];
	v6 =	vadd.s32 v57, v45  }
0x34f: {  	v36 =	vld [tilespmem:s30+$0xD0];
	v2 =	vadd.s32 v11, v46;
	v54 =	vadd.f32 v54, v33  }
0x350: {  	[tilespmem:v4+s21+$0x0] =	vst.idx.msk $0xffff, v0;
	v0 =	vadd.f32 v55, v35;
	v4 =	vadd.s32 v15, v47;
	v55 =	vld [tilespmem:s30+$0x110]  }
0x351: {  	v5 =	vadd.f32 v5, v35;
	[tilespmem:v3+s21+$0x0] =	vst.idx.msk $0xffff, v54;
	v3 =	vadd.s32 v19, v48;
	v54 =	vld [tilespmem:s30+$0x150]  }
0x352: {  	v53 =	vld [tilespmem:s30+$0x190];
	[tilespmem:v52+s21+$0x0] =	vst.idx.msk $0xffff, v0;
	v0 =	vadd.f32 v61, v35;
	v61 =	vadd.s32 v23, v49  }
0x353: {  	[tilespmem:v6+s21+$0x0] =	vst.idx.msk $0xffff, v5;
	v5 =	vld [tilespmem:s30+$0xFFFFFE10];
	v6 =	vadd.f32 v56, v35;
	v56 =	vadd.s32 v27, v50  }
0x354: {  	[tilespmem:v2+s21+$0x0] =	vst.idx.msk $0xffff, v0;
	v0 =	vld [tilespmem:s30+$0xFFFFFE60];
	v2 =	vadd.f32 v36, v35;
	v36 =	vadd.s32 v31, v51  }
0x355: {  	v58 =	vadd.s32 v57, v37;
	v55 =	vadd.f32 v55, v35;
	[tilespmem:v4+s21+$0x0] =	vst.idx.msk $0xffff, v6;
	v6 =	vld [tilespmem:s30+$0xFFFFFEA0]  }
0x356: {  	[tilespmem:v3+s21+$0x0] =	vst.idx.msk $0xffff, v2;
	v2 =	vadd.s32 v12, v38;
	v3 =	vld [tilespmem:s30+$0xFFFFFEE0];
	v54 =	vadd.f32 v54, v35  }
0x357: {  	v53 =	vadd.f32 v53, v35;
	v52 =	vadd.s32 v16, v40;
	[tilespmem:v61+s21+$0x0] =	vst.idx.msk $0xffff, v55;
	v61 =	vld [tilespmem:s30+$0xFFFFFF20]  }
0x358: {  	v5 =	vadd.f32 v5, v35;
	[tilespmem:v56+s21+$0x0] =	vst.idx.msk $0xffff, v54;
	v35 =	vadd.s32 v20, v39;
	v54 =	vld [tilespmem:s30+$0xFFFFFF60]  }
0x359: {  	v0 =	vadd.f32 v0, v34;
	[tilespmem:v36+s21+$0x0] =	vst.idx.msk $0xffff, v53;
	v36 =	vadd.s32 v24, v41;
	v53 =	vld [tilespmem:s30+$0xFFFFFFA0]  }
0x35a: {  	[tilespmem:v58+s21+$0x0] =	vst.idx.msk $0xffff, v5;
	v58 =	vadd.f32 v6, v34;
	v5 =	vadd.s32 v28, v42;
	v6 =	vld [tilespmem:s30+$0xFFFFFFE0]  }
0x35b: {  	[tilespmem:v2+s21+$0x0] =	vst.idx.msk $0xffff, v0;
	v0 =	vadd.f32 v3, v34;
	v2 =	vadd.s32 v32, v43;
	v3 =	vld [tilespmem:s30+$0x20]  }
0x35c: {  	v55 =	vld [tilespmem:s30+$0x60];
	v61 =	vadd.f32 v61, v34;
	[tilespmem:v52+s21+$0x0] =	vst.idx.msk $0xffff, v58;
	v52 =	vadd.s32 v60, v44  }
0x35d: {  	[tilespmem:v35+s21+$0x0] =	vst.idx.msk $0xffff, v0;
	v0 =	vadd.f32 v54, v34;
	v35 =	vadd.s32 v8, v45;
	v54 =	vld [tilespmem:s30+$0xA0]  }
0x35e: {  	[tilespmem:v36+s21+$0x0] =	vst.idx.msk $0xffff, v61;
	v36 =	vadd.s32 v12, v46;
	v61 =	vld [tilespmem:s30+$0xE0];
	v58 =	vadd.f32 v53, v34  }
0x35f: {  	[tilespmem:v5+s21+$0x0] =	vst.idx.msk $0xffff, v0;
	v0 =	vadd.f32 v6, v34;
	v5 =	vadd.s32 v16, v47;
	v6 =	vld [tilespmem:s30+$0x120]  }
0x360: {  	v4 =	vld [tilespmem:s30+$0x160];
	[tilespmem:v2+s21+$0x0] =	vst.idx.msk $0xffff, v58;
	v2 =	vadd.f32 v3, v34;
	v3 =	vadd.s32 v20, v48  }
0x361: {  	[tilespmem:v52+s21+$0x0] =	vst.idx.msk $0xffff, v0;
	v0 =	vadd.f32 v55, v34;
	v52 =	vadd.s32 v24, v49;
	v55 =	vld [tilespmem:s30+$0x1A0]  }
0x362: {  	[tilespmem:v35+s21+$0x0] =	vst.idx.msk $0xffff, v2;
	v2 =	vld [tilespmem:s30+$0xFFFFFE20];
	v58 =	vadd.f32 v54, v34;
	v54 =	vadd.s32 v28, v50  }
0x363: {  	v53 =	vadd.s32 v32, v51;
	v61 =	vadd.f32 v61, v34;
	[tilespmem:v36+s21+$0x0] =	vst.idx.msk $0xffff, v0;
	v0 =	vld [tilespmem:s30+$0xFFFFFE70]  }
0x364: {  	v56 =	vld [tilespmem:s30+$0xFFFFFEB0];
	[tilespmem:v5+s21+$0x0] =	vst.idx.msk $0xffff, v58;
	v5 =	vadd.s32 v8, v37;
	v6 =	vadd.f32 v6, v34  }
0x365: {  	v4 =	vadd.f32 v4, v34;
	v58 =	vld [tilespmem:s30+$0xFFFFFEF0];
	[tilespmem:v3+s21+$0x0] =	vst.idx.msk $0xffff, v61;
	v3 =	vadd.s32 v13, v38  }
0x366: {  	v38 =	vld [tilespmem:s30+$0xFFFFFF30];
	[tilespmem:v52+s21+$0x0] =	vst.idx.msk $0xffff, v6;
	v6 =	vadd.s32 v17, v40;
	v61 =	vadd.f32 v55, v34  }
0x367: {  	[tilespmem:v54+s21+$0x0] =	vst.idx.msk $0xffff, v4;
	v2 =	vadd.f32 v2, v34;
	v4 =	vadd.s32 v21, v39;
	v34 =	vld [tilespmem:s30+$0xFFFFFF70]  }
0x368: {  	v52 =	vadd.s32 v25, v41;
	v54 =	vld [tilespmem:s30+$0xFFFFFFB0];
	v0 =	vadd.f32 v0, v33;
	[tilespmem:v53+s21+$0x0] =	vst.idx.msk $0xffff, v61  }
0x369: {  	v55 =	vadd.s32 v29, v42;
	[tilespmem:v5+s21+$0x0] =	vst.idx.msk $0xffff, v2;
	v2 =	vadd.f32 v56, v33;
	v56 =	vld [tilespmem:s30+$0xFFFFFFF0]  }
0x36a: {  	[tilespmem:v3+s21+$0x0] =	vst.idx.msk $0xffff, v0;
	v0 =	vadd.f32 v58, v33;
	v3 =	vadd.s32 v63, v43;
	v58 =	vld [tilespmem:s30+$0x30]  }
0x36b: {  	v61 =	vld [tilespmem:s30+$0x70];
	[tilespmem:v6+s21+$0x0] =	vst.idx.msk $0xffff, v2;
	v2 =	vadd.f32 v38, v33;
	v6 =	vadd.s32 v59, v44  }
0x36c: {  	v44 =	vadd.s32 v9, v45;
	v45 =	vld [tilespmem:s30+$0xB0];
	[tilespmem:v4+s21+$0x0] =	vst.idx.msk $0xffff, v0;
	v0 =	vadd.f32 v34, v33  }
0x36d: {  	v53 =	vld [tilespmem:s30+$0xF0];
	[tilespmem:v52+s21+$0x0] =	vst.idx.msk $0xffff, v2;
	v2 =	vadd.f32 v54, v33;
	v52 =	vadd.s32 v13, v46  }
0x36e: {  	v54 =	vadd.s32 v17, v47;
	[tilespmem:v55+s21+$0x0] =	vst.idx.msk $0xffff, v0;
	v0 =	vadd.f32 v56, v33;
	v55 =	vld [tilespmem:s30+$0x130]  }
0x36f: {  	v56 =	vld [tilespmem:s30+$0x170];
	[tilespmem:v3+s21+$0x0] =	vst.idx.msk $0xffff, v2;
	v2 =	vadd.f32 v58, v33;
	v3 =	vadd.s32 v21, v48  }
0x370: {  	v58 =	vld [tilespmem:s30+$0x1B0];
	[tilespmem:v6+s21+$0x0] =	vst.idx.msk $0xffff, v0;
	v0 =	vadd.f32 v61, v33;
	v6 =	vadd.s32 v25, v49  }
0x371: {  	v61 =	vld [tilespmem:s30+$0xFFFFFE30];
	[tilespmem:v44+s21+$0x0] =	vst.idx.msk $0xffff, v2;
	v2 =	vadd.f32 v45, v33;
	v44 =	vadd.s32 v29, v50  }
0x372: {  	v45 =	vadd.s32 v63, v51;
	[tilespmem:v52+s21+$0x0] =	vst.idx.msk $0xffff, v0;
	v0 =	vadd.f32 v53, v33  }
0x373: {  	v37 =	vadd.s32 v9, v37;
	[tilespmem:v54+s21+$0x0] =	vst.idx.msk $0xffff, v2;
	v2 =	vadd.f32 v55, v33  }
0x374: {  	[tilespmem:v3+s21+$0x0] =	vst.idx.msk $0xffff, v0;
	v0 =	vadd.f32 v56, v33  }
0x375: {  	[tilespmem:v6+s21+$0x0] =	vst.idx.msk $0xffff, v2;
	v2 =	vadd.f32 v58, v33  }
0x376: {  	v3 =	vadd.f32 v61, v33;
	[tilespmem:v44+s21+$0x0] =	vst.idx.msk $0xffff, v0  }
0x377: {  	[tilespmem:v45+s21+$0x0] =	vst.idx.msk $0xffff, v2  }
0x378: {  	[tilespmem:v37+s21+$0x0] =	vst.idx.msk $0xffff, v3  }
0x379: {  	s0 =	simm.s32 $0x0;
	s1 =	simm.s32 $0x8;
	s9 =	simm.s32 $0x9;
	v36 =	vld [tilespmem:s29+$0x6440]  }
0x37a: {  	v0 =	vmov s0;
	s0 =	simm.s32 $0xA;
	v2 =	vmov s1;
	v3 =	vmov s9;
	s1 =	simm.s32 $0xB;
	v35 =	vld [tilespmem:s29+$0x6450]  }
0x37b: {  	s9 =	simm.s32 $0xC;
	v46 =	vmov s0;
	v0 =	vshrl.u32 v0, $0x3;
	v47 =	vmov s1;
	s1 =	simm.s32 $0xF;
	v34 =	vld [tilespmem:s29+$0x6460]  }
0x37c: {  	v6 =	vmov s9;
	v0 =	vshll.u32 v0, v1;
	v56 =	vld [tilespmem:$0x1FF20];
	v49 =	vmov s1  }
0x37d: {  	s9 =	simm.s32 $0xD;
	v33 =	vld [tilespmem:s29+$0x6470];
	s29 =	simm.s32 $0xF9F0;
	v2 =	vshrl.u32 v2, $0x3;
	v3 =	vshrl.u32 v3, $0x3;
	v51 =	vshrl.u32 v49, $0x3  }
0x37e: {  	v4 =	vshrl.u32 v46, $0x3;
	v48 =	vmov s9;
	v52 =	vld [tilespmem:s29+$0xFFFFFFD0];
	v37 =	vshll.u32 v51, v1  }
0x37f: {  	v5 =	vshrl.u32 v47, $0x3;
	v53 =	vld [tilespmem:s29+$0xFFFFFC10];
	v2 =	vshll.u32 v2, v1;
	v45 =	vbroadcast v37, $0x0  }
0x380: {  	s9 =	simm.s32 $0xE;
	v38 =	vld [tilespmem:s29+$0xFFFFFC50];
	v3 =	vshll.u32 v3, v1;
	v4 =	vshll.u32 v4, v1;
	v37 =	vbroadcast v0, $0x0  }
0x381: {  	v44 =	vld [tilespmem:s29+$0xFFFFFC90];
	v50 =	vmov s9;
	v5 =	vshll.u32 v5, v1;
	v42 =	vadd.s32 v56, v45  }
0x382: {  	v47 =	vld [tilespmem:s29+$0xFFFFFCD0];
	v39 =	vshrl.u32 v50, $0x3;
	v0 =	vshrl.u32 v6, $0x3;
	v43 =	vadd.s32 v7, v37  }
0x383: {  	v58 =	vld [tilespmem:s29+$0xFFFFFD10];
	v6 =	vshrl.u32 v48, $0x3;
	v0 =	vshll.u32 v0, v1;
	v46 =	vadd.s32 v10, v37  }
0x384: {  	v61 =	vld [tilespmem:s29+$0xFFFFFD50];
	v6 =	vshll.u32 v6, v1;
	v48 =	vadd.s32 v14, v37;
	v40 =	vadd.f32 v52, v36  }
0x385: {  	v41 =	vadd.f32 v53, v36;
	v50 =	vadd.s32 v18, v37;
	v52 =	vshll.u32 v39, v1  }
0x386: {  	v38 =	vadd.f32 v38, v36;
	[tilespmem:v42+s22+$0x0] =	vst.idx.msk $0xffff, v40;
	v40 =	vadd.s32 v22, v37;
	v42 =	vld [tilespmem:s29+$0xFFFFFD90]  }
0x387: {  	v49 =	vld [tilespmem:s29+$0xFFFFFE10];
	v54 =	vadd.f32 v44, v36;
	[tilespmem:v43+s22+$0x0] =	vst.idx.msk $0xffff, v41;
	v41 =	vadd.s32 v26, v37  }
0x388: {  	v55 =	vadd.f32 v47, v36;
	v58 =	vadd.f32 v58, v36;
	[tilespmem:v46+s22+$0x0] =	vst.idx.msk $0xffff, v38;
	v43 =	vld [tilespmem:s29+$0xFFFFFFE0]  }
0x389: {  	v47 =	vld [tilespmem:s29+$0xFFFFFDD0];
	v61 =	vadd.f32 v61, v36;
	v46 =	vadd.s32 v30, v37;
	[tilespmem:v48+s22+$0x0] =	vst.idx.msk $0xffff, v54;
	v38 =	vbroadcast v2, $0x0  }
0x38a: {  	v39 =	vbroadcast v3, $0x0;
	v2 =	vadd.s32 v62, v45;
	[tilespmem:v50+s22+$0x0] =	vst.idx.msk $0xffff, v55;
	v50 =	vadd.s32 v56, v37  }
0x38b: {  	v51 =	vld [tilespmem:s29+$0xFFFFFE50];
	v48 =	vadd.s32 v7, v38;
	[tilespmem:v40+s22+$0x0] =	vst.idx.msk $0xffff, v58;
	v3 =	vadd.f32 v42, v36;
	v40 =	vbroadcast v4, $0x0  }
0x38c: {  	v53 =	vld [tilespmem:s29+$0xFFFFFE90];
	[tilespmem:v41+s22+$0x0] =	vst.idx.msk $0xffff, v61;
	v58 =	vadd.s32 v10, v39;
	v41 =	vbroadcast v5, $0x0;
	v42 =	vbroadcast v6, $0x0  }
0x38d: {  	v54 =	vld [tilespmem:s29+$0xFFFFFED0];
	v61 =	vadd.f32 v43, v35;
	v43 =	vbroadcast v0, $0x0;
	v0 =	vadd.f32 v49, v36  }
0x38e: {  	[tilespmem:v46+s22+$0x0] =	vst.idx.msk $0xffff, v3;
	v3 =	vadd.f32 v47, v36;
	v46 =	vadd.s32 v14, v40;
	v47 =	vld [tilespmem:s29+$0xFFFFFF10]  }
0x38f: {  	v5 =	vld [tilespmem:s29+$0xFFFFFF50];
	v55 =	vadd.s32 v26, v42;
	[tilespmem:v2+s22+$0x0] =	vst.idx.msk $0xffff, v61;
	v2 =	vadd.s32 v18, v41  }
0x390: {  	v6 =	vadd.s32 v22, v43;
	[tilespmem:v50+s22+$0x0] =	vst.idx.msk $0xffff, v3;
	v3 =	vadd.f32 v51, v36;
	v49 =	vld [tilespmem:s29+$0xFFFFFFF0]  }
0x391: {  	v44 =	vbroadcast v52, $0x0;
	[tilespmem:v48+s22+$0x0] =	vst.idx.msk $0xffff, v0;
	v0 =	vadd.f32 v53, v36;
	v61 =	vadd.s32 v60, v45;
	v50 =	vld [tilespmem:s29+$0xFFFFFF90]  }
0x392: {  	v52 =	vadd.s32 v23, v43;
	[tilespmem:v58+s22+$0x0] =	vst.idx.msk $0xffff, v3;
	v3 =	vld [tilespmem:s29+$0xFFFFFE20];
	v58 =	vadd.f32 v54, v36  }
0x393: {  	[tilespmem:v46+s22+$0x0] =	vst.idx.msk $0xffff, v0;
	v0 =	vld [tilespmem:s29+$0xFFFFFE60];
	v53 =	vadd.f32 v47, v36;
	v47 =	vadd.s32 v30, v44  }
0x394: {  	v5 =	vadd.f32 v5, v36;
	[tilespmem:v2+s22+$0x0] =	vst.idx.msk $0xffff, v58;
	v2 =	vadd.s32 v57, v38;
	v54 =	vld [tilespmem:s29+$0xFFFFFEA0]  }
0x395: {  	[tilespmem:v6+s22+$0x0] =	vst.idx.msk $0xffff, v53;
	v6 =	vadd.s32 v11, v39;
	v46 =	vld [tilespmem:s29+$0xFFFFFEE0];
	v49 =	vadd.f32 v49, v34  }
0x396: {  	[tilespmem:v55+s22+$0x0] =	vst.idx.msk $0xffff, v5;
	v55 =	vadd.s32 v15, v40;
	v50 =	vadd.f32 v50, v36;
	v58 =	vld [tilespmem:s29+$0xFFFFFF20]  }
0x397: {  	v3 =	vadd.f32 v3, v35;
	[tilespmem:v61+s22+$0x0] =	vst.idx.msk $0xffff, v49;
	v49 =	vadd.s32 v19, v41;
	v61 =	vld [tilespmem:s29+$0xFFFFFF60]  }
0x398: {  	v45 =	vadd.s32 v59, v45;
	v0 =	vadd.f32 v0, v35;
	[tilespmem:v47+s22+$0x0] =	vst.idx.msk $0xffff, v50;
	v53 =	vld [tilespmem:s29+$0x0]  }
0x399: {  	[tilespmem:v2+s22+$0x0] =	vst.idx.msk $0xffff, v3;
	v2 =	vadd.f32 v54, v35;
	v3 =	vadd.s32 v27, v42;
	v54 =	vld [tilespmem:s29+$0xFFFFFFA0]  }
0x39a: {  	v51 =	vadd.s32 v59, v37;
	[tilespmem:v6+s22+$0x0] =	vst.idx.msk $0xffff, v0;
	v0 =	vld [tilespmem:s29+$0xFFFFFC20];
	v6 =	vadd.f32 v46, v35  }
0x39b: {  	[tilespmem:v55+s22+$0x0] =	vst.idx.msk $0xffff, v2;
	v2 =	vld [tilespmem:s29+$0xFFFFFC60];
	v55 =	vadd.f32 v58, v35;
	v58 =	vadd.s32 v31, v44  }
0x39c: {  	v48 =	vld [tilespmem:s29+$0xFFFFFCA0];
	[tilespmem:v49+s22+$0x0] =	vst.idx.msk $0xffff, v6;
	v6 =	vadd.s32 v57, v37;
	v61 =	vadd.f32 v61, v35  }
0x39d: {  	v5 =	vadd.s32 v11, v37;
	[tilespmem:v52+s22+$0x0] =	vst.idx.msk $0xffff, v55;
	v52 =	vld [tilespmem:s29+$0xFFFFFCE0];
	v50 =	vadd.f32 v53, v33  }
0x39e: {  	v53 =	vld [tilespmem:s29+$0xFFFFFD20];
	[tilespmem:v3+s22+$0x0] =	vst.idx.msk $0xffff, v61;
	v3 =	vadd.s32 v15, v37;
	v4 =	vadd.f32 v54, v35  }
0x39f: {  	v55 =	vld [tilespmem:s29+$0xFFFFFD60];
	v54 =	vadd.s32 v19, v37;
	v0 =	vadd.f32 v0, v35;
	[tilespmem:v45+s22+$0x0] =	vst.idx.msk $0xffff, v50  }
0x3a0: {  	v57 =	vadd.s32 v23, v37;
	v47 =	vld [tilespmem:s29+$0xFFFFFF70];
	v2 =	vadd.f32 v2, v35;
	[tilespmem:v58+s22+$0x0] =	vst.idx.msk $0xffff, v4  }
0x3a1: {  	v45 =	vadd.s32 v21, v37;
	v58 =	vld [tilespmem:s29+$0xFFFFFDA0];
	[tilespmem:v6+s22+$0x0] =	vst.idx.msk $0xffff, v0;
	v0 =	vadd.f32 v48, v35  }
0x3a2: {  	v61 =	vld [tilespmem:s29+$0xFFFFFDE0];
	v6 =	vadd.s32 v27, v37;
	[tilespmem:v5+s22+$0x0] =	vst.idx.msk $0xffff, v2;
	v2 =	vadd.f32 v52, v35  }
0x3a3: {  	v50 =	vadd.s32 v63, v37;
	v5 =	vadd.s32 v31, v37;
	v52 =	vld [tilespmem:s29+$0xFFFFFE30];
	[tilespmem:v3+s22+$0x0] =	vst.idx.msk $0xffff, v0  }
0x3a4: {  	v0 =	vadd.f32 v53, v35;
	v3 =	vadd.s32 v62, v37;
	v53 =	vld [tilespmem:s29+$0xFFFFFE70];
	[tilespmem:v54+s22+$0x0] =	vst.idx.msk $0xffff, v2  }
0x3a5: {  	v2 =	vadd.f32 v55, v35;
	v54 =	vadd.s32 v8, v38;
	v55 =	vld [tilespmem:s29+$0xFFFFFEB0];
	v47 =	vadd.f32 v47, v34  }
0x3a6: {  	[tilespmem:v57+s22+$0x0] =	vst.idx.msk $0xffff, v0;
	v0 =	vadd.f32 v58, v35;
	v57 =	vadd.s32 v12, v39;
	v58 =	vld [tilespmem:s29+$0xFFFFFEF0]  }
0x3a7: {  	[tilespmem:v6+s22+$0x0] =	vst.idx.msk $0xffff, v2;
	v2 =	vadd.f32 v61, v35;
	v6 =	vadd.s32 v16, v40;
	v61 =	vld [tilespmem:s29+$0xFFFFFF30]  }
0x3a8: {  	[tilespmem:v5+s22+$0x0] =	vst.idx.msk $0xffff, v0;
	v0 =	vadd.f32 v52, v34;
	v52 =	vadd.s32 v20, v41  }
0x3a9: {  	v49 =	vld [tilespmem:s29+$0xFFFFFFB0];
	[tilespmem:v3+s22+$0x0] =	vst.idx.msk $0xffff, v2;
	v2 =	vadd.f32 v53, v34;
	v3 =	vadd.s32 v24, v43  }
0x3aa: {  	[tilespmem:v54+s22+$0x0] =	vst.idx.msk $0xffff, v0;
	v0 =	vld [tilespmem:s29+$0xFFFFFC30];
	v53 =	vadd.f32 v55, v34;
	v54 =	vadd.s32 v28, v42  }
0x3ab: {  	[tilespmem:v57+s22+$0x0] =	vst.idx.msk $0xffff, v2;
	v2 =	vld [tilespmem:s29+$0xFFFFFC70];
	v55 =	vadd.f32 v58, v34;
	v57 =	vadd.s32 v32, v44  }
0x3ac: {  	v58 =	vld [tilespmem:s29+$0xFFFFFCB0];
	[tilespmem:v6+s22+$0x0] =	vst.idx.msk $0xffff, v53;
	v6 =	vadd.s32 v8, v37;
	v48 =	vadd.f32 v61, v34  }
0x3ad: {  	v38 =	vadd.s32 v9, v38;
	v61 =	vadd.s32 v12, v37;
	[tilespmem:v52+s22+$0x0] =	vst.idx.msk $0xffff, v55;
	v52 =	vld [tilespmem:s29+$0xFFFFFCF0]  }
0x3ae: {  	v49 =	vadd.f32 v49, v34;
	v53 =	vld [tilespmem:s29+$0xFFFFFD30];
	[tilespmem:v3+s22+$0x0] =	vst.idx.msk $0xffff, v48;
	v3 =	vadd.s32 v16, v37  }
0x3af: {  	v0 =	vadd.f32 v0, v34;
	[tilespmem:v54+s22+$0x0] =	vst.idx.msk $0xffff, v47;
	v47 =	vadd.s32 v20, v37;
	v54 =	vld [tilespmem:s29+$0xFFFFFD70]  }
0x3b0: {  	v55 =	vadd.s32 v24, v37;
	v2 =	vadd.f32 v2, v34;
	[tilespmem:v57+s22+$0x0] =	vst.idx.msk $0xffff, v49;
	v57 =	vld [tilespmem:s29+$0xFFFFFDB0]  }
0x3b1: {  	[tilespmem:v6+s22+$0x0] =	vst.idx.msk $0xffff, v0;
	v0 =	vadd.f32 v58, v34;
	v6 =	vadd.s32 v28, v37;
	v58 =	vld [tilespmem:s29+$0xFFFFFDF0]  }
0x3b2: {  	[tilespmem:v61+s22+$0x0] =	vst.idx.msk $0xffff, v2;
	v2 =	vadd.f32 v52, v34;
	v61 =	vadd.s32 v32, v37;
	v52 =	vld [tilespmem:s29+$0xFFFFFE40]  }
0x3b3: {  	[tilespmem:v3+s22+$0x0] =	vst.idx.msk $0xffff, v0;
	v0 =	vadd.f32 v53, v34;
	v3 =	vadd.s32 v60, v37;
	v53 =	vld [tilespmem:s29+$0xFFFFFE80]  }
0x3b4: {  	v39 =	vadd.s32 v13, v39;
	[tilespmem:v47+s22+$0x0] =	vst.idx.msk $0xffff, v2;
	v2 =	vadd.f32 v54, v34;
	v54 =	vld [tilespmem:s29+$0xFFFFFEC0]  }
0x3b5: {  	v42 =	vadd.s32 v29, v42;
	[tilespmem:v55+s22+$0x0] =	vst.idx.msk $0xffff, v0;
	v0 =	vadd.f32 v57, v34;
	v55 =	vld [tilespmem:s29+$0xFFFFFF00]  }
0x3b6: {  	v57 =	vld [tilespmem:s29+$0xFFFFFF40];
	[tilespmem:v6+s22+$0x0] =	vst.idx.msk $0xffff, v2;
	v2 =	vadd.f32 v58, v34;
	v6 =	vadd.s32 v17, v40  }
0x3b7: {  	v58 =	vadd.s32 v21, v41;
	[tilespmem:v61+s22+$0x0] =	vst.idx.msk $0xffff, v0;
	v0 =	vadd.f32 v52, v33;
	v61 =	vld [tilespmem:s29+$0xFFFFFF80]  }
0x3b8: {  	v41 =	vld [tilespmem:s29+$0xFFFFFFC0];
	[tilespmem:v3+s22+$0x0] =	vst.idx.msk $0xffff, v2;
	v2 =	vadd.f32 v53, v33;
	v3 =	vadd.s32 v25, v43  }
0x3b9: {  	v44 =	vadd.s32 v63, v44;
	v43 =	vld [tilespmem:s29+$0xFFFFFC40];
	[tilespmem:v38+s22+$0x0] =	vst.idx.msk $0xffff, v0;
	v0 =	vadd.f32 v54, v33  }
0x3ba: {  	v49 =	vadd.s32 v29, v37;
	v53 =	vld [tilespmem:s29+$0xFFFFFC80];
	[tilespmem:v39+s22+$0x0] =	vst.idx.msk $0xffff, v2;
	v2 =	vadd.f32 v55, v33  }
0x3bb: {  	v54 =	vadd.s32 v9, v37;
	v55 =	vld [tilespmem:s29+$0xFFFFFCC0];
	[tilespmem:v6+s22+$0x0] =	vst.idx.msk $0xffff, v0;
	v0 =	vadd.f32 v57, v33  }
0x3bc: {  	s1 =	simm.s32 $0x10;
	v6 =	vadd.s32 v13, v37;
	v57 =	vld [tilespmem:s29+$0xFFFFFD00];
	[tilespmem:v58+s22+$0x0] =	vst.idx.msk $0xffff, v2;
	v2 =	vadd.f32 v61, v33  }
0x3bd: {  	v52 =	vmov s1;
	s1 =	simm.s32 $0x19;
	v58 =	vadd.s32 v17, v37;
	v61 =	vld [tilespmem:s29+$0xFFFFFD40];
	[tilespmem:v3+s22+$0x0] =	vst.idx.msk $0xffff, v0;
	v0 =	vadd.f32 v41, v33  }
0x3be: {  	s9 =	simm.s32 $0x18;
	v47 =	vadd.s32 v25, v37;
	v40 =	vmov s1;
	v3 =	vadd.f32 v43, v33;
	[tilespmem:v42+s22+$0x0] =	vst.idx.msk $0xffff, v2  }
0x3bf: {  	s1 =	simm.s32 $0x1B;
	v38 =	vshrl.u32 v52, $0x3;
	v39 =	vmov s9;
	s9 =	simm.s32 $0x1A;
	v2 =	vadd.f32 v53, v33;
	[tilespmem:v44+s22+$0x0] =	vst.idx.msk $0xffff, v0  }
0x3c0: {  	v48 =	vld [tilespmem:s29+$0xFFFFFD80];
	v41 =	vmov s9;
	s9 =	simm.s32 $0x1C;
	v42 =	vmov s1;
	s1 =	simm.s32 $0x1D;
	[tilespmem:v54+s22+$0x0] =	vst.idx.msk $0xffff, v3;
	v0 =	vadd.f32 v55, v33  }
0x3c1: {  	v52 =	vld [tilespmem:s29+$0xFFFFFDC0];
	v43 =	vmov s9;
	s9 =	simm.s32 $0x1E;
	v44 =	vmov s1;
	[tilespmem:v6+s22+$0x0] =	vst.idx.msk $0xffff, v2;
	v54 =	vadd.f32 v57, v33  }
0x3c2: {  	s31 =	simm.s32 $0x1F;
	s30 =	simm.s32 $0x20;
	v53 =	vld [tilespmem:s29+$0xFFFFFE00];
	v46 =	vmov s9;
	v57 =	vmovc v60;
	v60 =	vmovc v59;
	[tilespmem:v58+s22+$0x0] =	vst.idx.msk $0xffff, v0;
	v55 =	vadd.f32 v61, v33;
	v58 =	vmov v62  }
.LBB2_11:
0x3c3: {  	v30 =	vld [tilespmem:$0x1FF60]  }
0x3c4: {  	v7 =	vld [tilespmem:$0x1FF70]  }
0x3c5: {  	v2 =	vmov s31;
	v10 =	vld [tilespmem:$0x1FF80]  }
0x3c6: {  	v14 =	vld [tilespmem:$0x1FF90];
	v2 =	vshrl.u32 v2, $0x3  }
0x3c7: {  	v0 =	vshll.u32 v38, v1;
	s29 =	sadd.s32 $0x400, s29;
	v18 =	vld [tilespmem:$0x1FFA0];
	v2 =	vshll.u32 v2, v1  }
0x3c8: {  	[tilespmem:v45+s22+$0x0] =	vst.idx.msk $0xffff, v54;
	v37 =	vbroadcast v0, $0x0;
	v45 =	vbroadcast v2, $0x0;
	v2 =	vld [tilespmem:s29+$0xFFFFFC10];
	v3 =	vadd.f32 v48, v33  }
0x3c9: {  	v4 =	vshrl.u32 v39, $0x3;
	[tilespmem:v47+s22+$0x0] =	vst.idx.msk $0xffff, v55;
	v0 =	vshrl.u32 v43, $0x3;
	v61 =	vld [tilespmem:s29+$0xFFFFFC90]  }
0x3ca: {  	v43 =	vadd.s32 v30, v37;
	[tilespmem:v49+s22+$0x0] =	vst.idx.msk $0xffff, v3;
	v3 =	vadd.f32 v53, v33;
	v49 =	vshrl.u32 v41, $0x3;
	v53 =	vld [tilespmem:s29+$0xFFFFFFD0]  }
0x3cb: {  	v4 =	vshll.u32 v4, v1;
	v55 =	vshrl.u32 v46, $0x3;
	v46 =	vshll.u32 v49, v1;
	v49 =	vld [tilespmem:s29+$0xFFFFFD10]  }
0x3cc: {  	v6 =	vshrl.u32 v40, $0x3;
	v5 =	vadd.f32 v52, v33;
	v39 =	vadd.s32 v10, v37;
	[tilespmem:v51+s22+$0x0] =	vst.idx.msk $0xffff, v3;
	v3 =	vld [tilespmem:s29+$0xFFFFFC50]  }
0x3cd: {  	v22 =	vld [tilespmem:$0x1FFB0];
	v52 =	vshrl.u32 v42, $0x3;
	v42 =	vadd.s32 v56, v45;
	v2 =	vadd.f32 v2, v36  }
0x3ce: {  	v6 =	vshll.u32 v6, v1;
	v59 =	vld [tilespmem:s29+$0xFFFFFCD0];
	v62 =	vadd.s32 v7, v37;
	[tilespmem:v50+s22+$0x0] =	vst.idx.msk $0xffff, v5  }
0x3cf: {  	v26 =	vld [tilespmem:$0x1FFF0];
	v0 =	vshll.u32 v0, v1;
	[tilespmem:v43+s22+$0x0] =	vst.idx.msk $0xffff, v2;
	v2 =	vadd.f32 v61, v36  }
0x3d0: {  	v50 =	vadd.s32 v14, v37;
	v41 =	vadd.s32 v18, v37;
	v51 =	vld [tilespmem:s29+$0xFFFFFD50];
	v40 =	vadd.f32 v53, v36  }
0x3d1: {  	v38 =	vbroadcast v4, $0x0;
	[tilespmem:v39+s22+$0x0] =	vst.idx.msk $0xffff, v2;
	v2 =	vadd.f32 v49, v36;
	v49 =	vld [tilespmem:s29+$0xFFFFFE10];
	v3 =	vadd.f32 v3, v36  }
0x3d2: {  	v54 =	vshrl.u32 v44, $0x3;
	v48 =	vshll.u32 v52, v1;
	v53 =	vld [tilespmem:s29+$0xFFFFFD90];
	[tilespmem:v42+s22+$0x0] =	vst.idx.msk $0xffff, v40;
	v42 =	vadd.s32 v22, v37  }
0x3d3: {  	v39 =	vbroadcast v6, $0x0;
	v6 =	vadd.s32 v30, v38;
	v61 =	vld [tilespmem:s29+$0xFFFFFFE0];
	[tilespmem:v62+s22+$0x0] =	vst.idx.msk $0xffff, v3;
	v3 =	vadd.f32 v59, v36  }
0x3d4: {  	v52 =	vshll.u32 v55, v1;
	v4 =	vadd.s32 v58, v45;
	v62 =	vadd.s32 v26, v37;
	v59 =	vld [tilespmem:s29+$0xFFFFFDD0]  }
0x3d5: {  	v55 =	vld [tilespmem:s29+$0xFFFFFF50];
	v5 =	vshll.u32 v54, v1;
	[tilespmem:v50+s22+$0x0] =	vst.idx.msk $0xffff, v3;
	v3 =	vadd.f32 v51, v36  }
0x3d6: {  	v43 =	vbroadcast v0, $0x0;
	[tilespmem:v41+s22+$0x0] =	vst.idx.msk $0xffff, v2;
	v50 =	vadd.s32 v56, v37;
	v51 =	vld [tilespmem:s29+$0xFFFFFE50];
	v0 =	vadd.f32 v49, v36  }
0x3d7: {  	v44 =	vbroadcast v52, $0x0;
	v40 =	vbroadcast v46, $0x0;
	v2 =	vadd.f32 v53, v36;
	v53 =	vld [tilespmem:s29+$0xFFFFFE90];
	[tilespmem:v42+s22+$0x0] =	vst.idx.msk $0xffff, v3  }
0x3d8: {  	v46 =	vld [tilespmem:s29+$0xFFFFFED0];
	v41 =	vbroadcast v48, $0x0;
	v3 =	vadd.s32 v7, v39;
	v61 =	vadd.f32 v61, v35;
	[tilespmem:v6+s22+$0x0] =	vst.idx.msk $0xffff, v0  }
0x3d9: {  	[tilespmem:v62+s22+$0x0] =	vst.idx.msk $0xffff, v2;
	v2 =	vadd.f32 v59, v36;
	v62 =	vadd.s32 v10, v40;
	v59 =	vld [tilespmem:s29+$0xFFFFFF10]  }
0x3da: {  	v54 =	vld [tilespmem:$0x1FF00];
	v47 =	vadd.s32 v26, v44;
	v49 =	vadd.s32 v14, v41;
	v42 =	vbroadcast v5, $0x0;
	[tilespmem:v4+s22+$0x0] =	vst.idx.msk $0xffff, v61  }
0x3db: {  	v4 =	vadd.s32 v18, v43;
	[tilespmem:v50+s22+$0x0] =	vst.idx.msk $0xffff, v2;
	v2 =	vadd.f32 v51, v36;
	v61 =	vld [tilespmem:s29+$0xFFFFFFF0]  }
0x3dc: {  	v48 =	vld [tilespmem:s29+$0xFFFFFF90];
	v5 =	vadd.s32 v31, v44;
	v0 =	vadd.f32 v53, v36;
	v6 =	vadd.s32 v22, v42  }
0x3dd: {  	v50 =	vld [tilespmem:s29+$0xFFFFFE20];
	[tilespmem:v3+s22+$0x0] =	vst.idx.msk $0xffff, v2;
	v2 =	vadd.f32 v46, v36;
	v3 =	vadd.s32 v57, v45  }
0x3de: {  	v45 =	vadd.s32 v60, v45;
	v46 =	vld [tilespmem:s29+$0xFFFFFE60];
	[tilespmem:v62+s22+$0x0] =	vst.idx.msk $0xffff, v0;
	v0 =	vadd.f32 v59, v36  }
0x3df: {  	v59 =	vadd.s32 v54, v38;
	v62 =	vld [tilespmem:s29+$0xFFFFFEA0];
	[tilespmem:v49+s22+$0x0] =	vst.idx.msk $0xffff, v2;
	v2 =	vadd.f32 v55, v36  }
0x3e0: {  	v49 =	vadd.s32 v11, v39;
	v53 =	vld [tilespmem:s29+$0xFFFFFEE0];
	[tilespmem:v4+s22+$0x0] =	vst.idx.msk $0xffff, v0;
	v0 =	vadd.f32 v61, v34  }
0x3e1: {  	v55 =	vadd.s32 v15, v40;
	v61 =	vld [tilespmem:s29+$0xFFFFFF20];
	[tilespmem:v6+s22+$0x0] =	vst.idx.msk $0xffff, v2;
	v2 =	vadd.f32 v48, v36  }
0x3e2: {  	v6 =	vadd.f32 v50, v35;
	v48 =	vadd.s32 v19, v41;
	v50 =	vld [tilespmem:s29+$0xFFFFFF60];
	[tilespmem:v3+s22+$0x0] =	vst.idx.msk $0xffff, v0  }
0x3e3: {  	v3 =	vadd.s32 v23, v43;
	v0 =	vadd.f32 v46, v35;
	[tilespmem:v47+s22+$0x0] =	vst.idx.msk $0xffff, v2;
	v2 =	vld [tilespmem:s29+$0x0]  }
0x3e4: {  	[tilespmem:v59+s22+$0x0] =	vst.idx.msk $0xffff, v6;
	v6 =	vadd.f32 v62, v35;
	v62 =	vadd.s32 v27, v42;
	v47 =	vld [tilespmem:s29+$0xFFFFFFA0]  }
0x3e5: {  	v59 =	vld [tilespmem:s29+$0xFFFFFC20];
	v46 =	vadd.s32 v20, v41;
	[tilespmem:v49+s22+$0x0] =	vst.idx.msk $0xffff, v0;
	v0 =	vadd.f32 v53, v35  }
0x3e6: {  	v49 =	vld [tilespmem:s29+$0xFFFFFC60];
	[tilespmem:v55+s22+$0x0] =	vst.idx.msk $0xffff, v6;
	v61 =	vadd.f32 v61, v35;
	v6 =	vadd.s32 v54, v37  }
0x3e7: {  	v52 =	vld [tilespmem:s29+$0xFFFFFCA0];
	v55 =	vadd.s32 v23, v37;
	[tilespmem:v48+s22+$0x0] =	vst.idx.msk $0xffff, v0;
	v0 =	vadd.f32 v50, v35  }
0x3e8: {  	v48 =	vadd.s32 v11, v37;
	v50 =	vld [tilespmem:s29+$0xFFFFFCE0];
	[tilespmem:v3+s22+$0x0] =	vst.idx.msk $0xffff, v61;
	v2 =	vadd.f32 v2, v33  }
0x3e9: {  	v4 =	vld [tilespmem:s29+$0xFFFFFD20];
	v3 =	vadd.s32 v15, v37;
	[tilespmem:v62+s22+$0x0] =	vst.idx.msk $0xffff, v0;
	v0 =	vadd.f32 v47, v35  }
0x3ea: {  	v54 =	vld [tilespmem:s29+$0xFFFFFD60];
	v62 =	vadd.f32 v59, v35;
	v59 =	vadd.s32 v19, v37;
	[tilespmem:v45+s22+$0x0] =	vst.idx.msk $0xffff, v2  }
0x3eb: {  	v61 =	vld [tilespmem:s29+$0xFFFFFDA0];
	v47 =	vadd.s32 v28, v42;
	v2 =	vadd.f32 v49, v35;
	[tilespmem:v5+s22+$0x0] =	vst.idx.msk $0xffff, v0  }
0x3ec: {  	[tilespmem:v6+s22+$0x0] =	vst.idx.msk $0xffff, v62;
	v0 =	vadd.f32 v52, v35;
	v5 =	vadd.s32 v27, v37;
	v6 =	vld [tilespmem:s29+$0xFFFFFDE0]  }
0x3ed: {  	v62 =	vadd.s32 v31, v37;
	v52 =	vld [tilespmem:s29+$0xFFFFFE30];
	[tilespmem:v48+s22+$0x0] =	vst.idx.msk $0xffff, v2;
	v2 =	vadd.f32 v50, v35  }
0x3ee: {  	v53 =	vld [tilespmem:s29+$0xFFFFFE70];
	[tilespmem:v3+s22+$0x0] =	vst.idx.msk $0xffff, v0;
	v0 =	vadd.f32 v4, v35;
	v3 =	vadd.s32 v58, v37  }
0x3ef: {  	[tilespmem:v59+s22+$0x0] =	vst.idx.msk $0xffff, v2;
	v2 =	vadd.f32 v54, v35;
	v59 =	vadd.s32 v8, v38;
	v54 =	vld [tilespmem:s29+$0xFFFFFEB0]  }
0x3f0: {  	[tilespmem:v55+s22+$0x0] =	vst.idx.msk $0xffff, v0;
	v0 =	vadd.f32 v61, v35;
	v55 =	vadd.s32 v12, v39;
	v61 =	vld [tilespmem:s29+$0xFFFFFEF0]  }
0x3f1: {  	[tilespmem:v5+s22+$0x0] =	vst.idx.msk $0xffff, v2;
	v2 =	vadd.f32 v6, v35;
	v5 =	vadd.s32 v16, v40;
	v6 =	vld [tilespmem:s29+$0xFFFFFF30]  }
0x3f2: {  	v45 =	vadd.s32 v32, v44;
	[tilespmem:v62+s22+$0x0] =	vst.idx.msk $0xffff, v0;
	v0 =	vadd.f32 v52, v34;
	v62 =	vld [tilespmem:s29+$0xFFFFFF70]  }
0x3f3: {  	v4 =	vld [tilespmem:s29+$0xFFFFFFB0];
	[tilespmem:v3+s22+$0x0] =	vst.idx.msk $0xffff, v2;
	v2 =	vadd.f32 v53, v34;
	v3 =	vadd.s32 v24, v43  }
0x3f4: {  	v49 =	vadd.s32 v8, v37;
	v51 =	vld [tilespmem:s29+$0xFFFFFC30];
	[tilespmem:v59+s22+$0x0] =	vst.idx.msk $0xffff, v0;
	v0 =	vadd.f32 v54, v34  }
0x3f5: {  	v44 =	vadd.s32 v63, v44;
	v59 =	vld [tilespmem:s29+$0xFFFFFC70];
	[tilespmem:v55+s22+$0x0] =	vst.idx.msk $0xffff, v2;
	v2 =	vadd.f32 v61, v34  }
0x3f6: {  	v39 =	vadd.s32 v13, v39;
	v61 =	vld [tilespmem:s29+$0xFFFFFCB0];
	[tilespmem:v5+s22+$0x0] =	vst.idx.msk $0xffff, v0;
	v0 =	vadd.f32 v6, v34  }
0x3f7: {  	v54 =	vadd.s32 v12, v37;
	v6 =	vld [tilespmem:s29+$0xFFFFFCF0];
	[tilespmem:v46+s22+$0x0] =	vst.idx.msk $0xffff, v2;
	v2 =	vadd.f32 v62, v34  }
0x3f8: {  	v55 =	vadd.s32 v16, v37;
	v62 =	vld [tilespmem:s29+$0xFFFFFD30];
	[tilespmem:v3+s22+$0x0] =	vst.idx.msk $0xffff, v0;
	v0 =	vadd.f32 v4, v34  }
0x3f9: {  	v3 =	vadd.f32 v51, v34;
	v4 =	vadd.s32 v20, v37;
	v51 =	vld [tilespmem:s29+$0xFFFFFD70];
	[tilespmem:v47+s22+$0x0] =	vst.idx.msk $0xffff, v2  }
0x3fa: {  	v53 =	vadd.s32 v24, v37;
	v2 =	vadd.f32 v59, v34;
	v59 =	vld [tilespmem:s29+$0xFFFFFDB0];
	[tilespmem:v45+s22+$0x0] =	vst.idx.msk $0xffff, v0  }
0x3fb: {  	[tilespmem:v49+s22+$0x0] =	vst.idx.msk $0xffff, v3;
	v0 =	vadd.f32 v61, v34;
	v3 =	vadd.s32 v28, v37;
	v61 =	vld [tilespmem:s29+$0xFFFFFDF0]  }
0x3fc: {  	[tilespmem:v54+s22+$0x0] =	vst.idx.msk $0xffff, v2;
	v2 =	vadd.f32 v6, v34;
	v54 =	vadd.s32 v32, v37;
	v6 =	vld [tilespmem:s29+$0xFFFFFE40]  }
0x3fd: {  	[tilespmem:v55+s22+$0x0] =	vst.idx.msk $0xffff, v0;
	v0 =	vadd.f32 v62, v34;
	v55 =	vadd.s32 v57, v37;
	v62 =	vld [tilespmem:s29+$0xFFFFFE80]  }
0x3fe: {  	v52 =	vld [tilespmem:s29+$0xFFFFFEC0];
	[tilespmem:v4+s22+$0x0] =	vst.idx.msk $0xffff, v2;
	v2 =	vadd.f32 v51, v34;
	v51 =	vadd.s32 v9, v38  }
0x3ff: {  	v47 =	vadd.s32 v25, v37;
	[tilespmem:v53+s22+$0x0] =	vst.idx.msk $0xffff, v0;
	v0 =	vadd.f32 v59, v34;
	v53 =	vld [tilespmem:s29+$0xFFFFFF00]  }
0x400: {  	v59 =	vld [tilespmem:s29+$0xFFFFFF40];
	[tilespmem:v3+s22+$0x0] =	vst.idx.msk $0xffff, v2;
	v2 =	vadd.f32 v61, v34;
	v3 =	vadd.s32 v17, v40  }
0x401: {  	v61 =	vadd.s32 v21, v41;
	[tilespmem:v54+s22+$0x0] =	vst.idx.msk $0xffff, v0;
	v0 =	vadd.f32 v6, v33;
	v6 =	vld [tilespmem:s29+$0xFFFFFF80]  }
0x402: {  	v41 =	vadd.s32 v25, v43;
	[tilespmem:v55+s22+$0x0] =	vst.idx.msk $0xffff, v2;
	v2 =	vadd.f32 v62, v33;
	v62 =	vld [tilespmem:s29+$0xFFFFFFC0]  }
0x403: {  	v4 =	vadd.s32 v29, v42;
	v54 =	vld [tilespmem:s29+$0xFFFFFC40];
	[tilespmem:v51+s22+$0x0] =	vst.idx.msk $0xffff, v0;
	v0 =	vadd.f32 v52, v33  }
0x404: {  	v49 =	vadd.s32 v9, v37;
	v46 =	vld [tilespmem:s29+$0xFFFFFC80];
	[tilespmem:v39+s22+$0x0] =	vst.idx.msk $0xffff, v2;
	v2 =	vadd.f32 v53, v33  }
0x405: {  	s1 =	sadd.s32 $0x9, s30;
	v45 =	vadd.s32 v21, v37;
	v50 =	vld [tilespmem:s29+$0xFFFFFCC0];
	[tilespmem:v3+s22+$0x0] =	vst.idx.msk $0xffff, v0;
	v0 =	vadd.f32 v59, v33  }
0x406: {  	v40 =	vmov s1;
	v3 =	vadd.s32 v13, v37;
	v59 =	vld [tilespmem:s29+$0xFFFFFD00];
	[tilespmem:v61+s22+$0x0] =	vst.idx.msk $0xffff, v2;
	v2 =	vadd.f32 v6, v33  }
0x407: {  	p0 =	slt.u32 s30, $0x70;
	s1 =	sadd.s32 $0xB, s30;
	v55 =	vmov s30;
	v61 =	vadd.s32 v17, v37;
	v6 =	vld [tilespmem:s29+$0xFFFFFD40];
	[tilespmem:v41+s22+$0x0] =	vst.idx.msk $0xffff, v0;
	v0 =	vadd.f32 v62, v33  }
.Ltmp4:
0x408: {  	s9 =	sadd.s32 $0xA, s30;
	v42 =	vmov s1;
	v38 =	vshrl.u32 v55, $0x3;
	v62 =	vadd.f32 v54, v33;
	[tilespmem:v4+s22+$0x0] =	vst.idx.msk $0xffff, v2;
	(pc) =	sbr.rel @p0 .LBB2_11-.Ltmp4, $4  }
0x409: {  	s0 =	sadd.s32 $0x8, s30;
	v51 =	vadd.s32 v60, v37;
	v41 =	vmov s9;
	s9 =	sadd.s32 $0xC, s30;
	v2 =	vadd.f32 v46, v33;
	[tilespmem:v44+s22+$0x0] =	vst.idx.msk $0xffff, v0  }
0x40a: {  	v48 =	vld [tilespmem:s29+$0xFFFFFD80];
	s1 =	sadd.s32 $0xD, s30;
	v39 =	vmov s0;
	v43 =	vmov s9;
	[tilespmem:v49+s22+$0x0] =	vst.idx.msk $0xffff, v62;
	v0 =	vadd.f32 v50, v33  }
0x40b: {  	v52 =	vld [tilespmem:s29+$0xFFFFFDC0];
	s9 =	sadd.s32 $0xE, s30;
	v49 =	vadd.s32 v29, v37;
	v44 =	vmov s1;
	v50 =	vadd.s32 v63, v37;
	[tilespmem:v3+s22+$0x0] =	vst.idx.msk $0xffff, v2  }
0x40c: {  	s31 =	sadd.s32 $0xF, s30;
	v53 =	vld [tilespmem:s29+$0xFFFFFE00];
	s30 =	sadd.s32 $0x10, s30;
	v46 =	vmov s9;
	v54 =	vadd.f32 v59, v33;
	[tilespmem:v61+s22+$0x0] =	vst.idx.msk $0xffff, v0;
	v55 =	vadd.f32 v6, v33  }
0x40d: {  	_ =	sdelay $0x3  }
0x40e: {  	[tilespmem:v45+s22+$0x0] =	vst.idx.msk $0xffff, v54;
	v3 =	vadd.f32 v48, v33  }
0x40f: {  	[tilespmem:v47+s22+$0x0] =	vst.idx.msk $0xffff, v55;
	v5 =	vadd.f32 v52, v33  }
0x410: {  	v52 =	vadd.f32 v53, v33;
	[tilespmem:v49+s22+$0x0] =	vst.idx.msk $0xffff, v3  }
0x411: {  	[tilespmem:v50+s22+$0x0] =	vst.idx.msk $0xffff, v5  }
0x412: {  	v2 =	vmov s31;
	[tilespmem:v51+s22+$0x0] =	vst.idx.msk $0xffff, v52  }
0x413: {  	v2 =	vshrl.u32 v2, $0x3;
	v26 =	vld [tilespmem:$0x1FF60]  }
0x414: {  	s29 =	sadd.s32 $0x400, s29;
	v2 =	vshll.u32 v2, v1;
	v7 =	vld [tilespmem:$0x1FF70]  }
0x415: {  	v0 =	vshll.u32 v38, v1;
	v54 =	vld [tilespmem:s29+$0xFFFFFFD0];
	v2 =	vbroadcast v2, $0x0  }
0x416: {  	v55 =	vld [tilespmem:s29+$0xFFFFFC10];
	v37 =	vbroadcast v0, $0x0  }
0x417: {  	v0 =	vshrl.u32 v43, $0x3;
	v62 =	vld [tilespmem:s29+$0xFFFFFC50];
	v43 =	vadd.s32 v56, v2  }
0x418: {  	v61 =	vshrl.u32 v44, $0x3;
	v22 =	vld [tilespmem:s29+$0xFFFFFC90];
	v44 =	vadd.s32 v26, v37  }
0x419: {  	v18 =	vshrl.u32 v46, $0x3;
	v30 =	vld [tilespmem:s29+$0xFFFFFCD0];
	v46 =	vadd.s32 v7, v37  }
0x41a: {  	v6 =	vshrl.u32 v40, $0x3;
	v40 =	vadd.f32 v54, v36;
	v10 =	vld [tilespmem:$0x1FF80]  }
0x41b: {  	v5 =	vadd.f32 v55, v36;
	v14 =	vld [tilespmem:$0x1FF90]  }
0x41c: {  	v52 =	vshll.u32 v18, v1;
	v38 =	vadd.f32 v62, v36;
	v18 =	vld [tilespmem:$0x1FFA0];
	[tilespmem:v43+s22+$0x0] =	vst.idx.msk $0xffff, v40  }
0x41d: {  	[tilespmem:v44+s22+$0x0] =	vst.idx.msk $0xffff, v5  }
0x41e: {  	v54 =	vadd.f32 v22, v36;
	v22 =	vld [tilespmem:$0x1FFB0];
	[tilespmem:v46+s22+$0x0] =	vst.idx.msk $0xffff, v38  }
0x41f: {  	v55 =	vadd.f32 v30, v36;
	v30 =	vld [tilespmem:$0x1FFF0]  }
0x420: {  	v4 =	vshrl.u32 v39, $0x3;
	v59 =	vld [tilespmem:s29+$0xFFFFFD10];
	v39 =	vadd.s32 v10, v37  }
0x421: {  	v3 =	vshrl.u32 v41, $0x3;
	v50 =	vshll.u32 v61, v1;
	v61 =	vld [tilespmem:s29+$0xFFFFFD50];
	v41 =	vadd.s32 v14, v37  }
0x422: {  	v4 =	vshll.u32 v4, v1;
	v53 =	vshrl.u32 v42, $0x3;
	v62 =	vld [tilespmem:s29+$0xFFFFFD90];
	v42 =	vadd.s32 v18, v37  }
0x423: {  	v6 =	vshll.u32 v6, v1;
	v0 =	vshll.u32 v0, v1;
	v44 =	vld [tilespmem:s29+$0xFFFFFFE0];
	v43 =	vadd.s32 v22, v37  }
0x424: {  	v49 =	vadd.s32 v56, v37;
	v3 =	vshll.u32 v3, v1;
	v46 =	vld [tilespmem:s29+$0xFFFFFDD0];
	v45 =	vadd.s32 v30, v37  }
0x425: {  	v47 =	vld [tilespmem:s29+$0xFFFFFE10];
	v59 =	vadd.f32 v59, v36;
	v38 =	vbroadcast v4, $0x0;
	v4 =	vadd.s32 v58, v2;
	[tilespmem:v39+s22+$0x0] =	vst.idx.msk $0xffff, v54  }
0x426: {  	v48 =	vshll.u32 v53, v1;
	v51 =	vld [tilespmem:s29+$0xFFFFFE50];
	v61 =	vadd.f32 v61, v36;
	[tilespmem:v41+s22+$0x0] =	vst.idx.msk $0xffff, v55;
	v39 =	vbroadcast v6, $0x0  }
0x427: {  	v53 =	vld [tilespmem:s29+$0xFFFFFE90];
	v40 =	vbroadcast v3, $0x0;
	v62 =	vadd.f32 v62, v36;
	[tilespmem:v42+s22+$0x0] =	vst.idx.msk $0xffff, v59;
	v6 =	vadd.s32 v26, v38  }
0x428: {  	v3 =	vadd.s32 v7, v39;
	v44 =	vadd.f32 v44, v35;
	[tilespmem:v43+s22+$0x0] =	vst.idx.msk $0xffff, v61  }
0x429: {  	v41 =	vbroadcast v48, $0x0;
	v61 =	vadd.f32 v46, v36;
	[tilespmem:v45+s22+$0x0] =	vst.idx.msk $0xffff, v62;
	v62 =	vadd.s32 v10, v40  }
0x42a: {  	[tilespmem:v4+s22+$0x0] =	vst.idx.msk $0xffff, v44;
	v43 =	vbroadcast v0, $0x0;
	v0 =	vadd.f32 v47, v36  }
0x42b: {  	v59 =	vld [tilespmem:s29+$0xFFFFFED0];
	v47 =	vadd.s32 v14, v41;
	v14 =	vadd.f32 v51, v36;
	[tilespmem:v49+s22+$0x0] =	vst.idx.msk $0xffff, v61  }
0x42c: {  	v48 =	vld [tilespmem:s29+$0xFFFFFF50];
	[tilespmem:v6+s22+$0x0] =	vst.idx.msk $0xffff, v0;
	v0 =	vadd.f32 v53, v36  }
0x42d: {  	v10 =	vld [tilespmem:s29+$0xFFFFFF10];
	[tilespmem:v3+s22+$0x0] =	vst.idx.msk $0xffff, v14  }
0x42e: {  	v42 =	vbroadcast v50, $0x0;
	v26 =	vld [tilespmem:s29+$0xFFFFFFF0];
	[tilespmem:v62+s22+$0x0] =	vst.idx.msk $0xffff, v0  }
0x42f: {  	v5 =	vadd.s32 v18, v43;
	v14 =	vld [tilespmem:$0x1FF00]  }
0x430: {  	v50 =	vld [tilespmem:s29+$0xFFFFFF90];
	v44 =	vbroadcast v52, $0x0;
	v6 =	vadd.s32 v22, v42  }
0x431: {  	v4 =	vadd.s32 v57, v2;
	v3 =	vadd.f32 v59, v36;
	v61 =	vld [tilespmem:s29+$0xFFFFFE60]  }
0x432: {  	v51 =	vld [tilespmem:s29+$0xFFFFFE20];
	v0 =	vadd.f32 v10, v36;
	v62 =	vadd.s32 v30, v44  }
0x433: {  	v18 =	vld [tilespmem:s29+$0xFFFFFEA0];
	[tilespmem:v47+s22+$0x0] =	vst.idx.msk $0xffff, v3;
	v3 =	vadd.f32 v48, v36;
	v47 =	vadd.s32 v11, v39  }
0x434: {  	v48 =	vld [tilespmem:s29+$0xFFFFFEE0];
	[tilespmem:v5+s22+$0x0] =	vst.idx.msk $0xffff, v0;
	v0 =	vadd.f32 v26, v34;
	v10 =	vadd.s32 v14, v38  }
0x435: {  	v22 =	vadd.s32 v15, v40;
	v26 =	vld [tilespmem:s29+$0xFFFFFF20];
	[tilespmem:v6+s22+$0x0] =	vst.idx.msk $0xffff, v3;
	v3 =	vadd.f32 v50, v36  }
0x436: {  	v54 =	vadd.s32 v19, v41;
	v55 =	vld [tilespmem:s29+$0xFFFFFF60];
	[tilespmem:v4+s22+$0x0] =	vst.idx.msk $0xffff, v0;
	v0 =	vadd.f32 v61, v35  }
0x437: {  	v59 =	vmov v30;
	v56 =	vadd.s32 v23, v43;
	v30 =	vadd.f32 v51, v35;
	[tilespmem:v62+s22+$0x0] =	vst.idx.msk $0xffff, v3;
	v3 =	vld [tilespmem:s29+$0x0]  }
0x438: {  	v62 =	vadd.s32 v27, v42;
	v61 =	vadd.f32 v18, v35;
	v18 =	vld [tilespmem:s29+$0xFFFFFC20];
	[tilespmem:v47+s22+$0x0] =	vst.idx.msk $0xffff, v0  }
0x439: {  	v2 =	vadd.s32 v60, v2;
	v0 =	vadd.f32 v48, v35;
	[tilespmem:v10+s22+$0x0] =	vst.idx.msk $0xffff, v30;
	v10 =	vld [tilespmem:s29+$0xFFFFFFA0]  }
0x43a: {  	v7 =	vmov v63;
	v47 =	vld [tilespmem:s29+$0xFFFFFC60];
	v48 =	vadd.s32 v14, v37;
	[tilespmem:v22+s22+$0x0] =	vst.idx.msk $0xffff, v61;
	v22 =	vadd.f32 v26, v35  }
0x43b: {  	v63 =	vmov v23;
	v6 =	vadd.s32 v31, v44;
	v26 =	vld [tilespmem:s29+$0xFFFFFCA0];
	[tilespmem:v54+s22+$0x0] =	vst.idx.msk $0xffff, v0;
	v0 =	vadd.f32 v55, v35  }
0x43c: {  	v36 =	vadd.s32 v11, v37;
	v11 =	vmov v60;
	[tilespmem:v56+s22+$0x0] =	vst.idx.msk $0xffff, v22;
	v3 =	vadd.f32 v3, v33;
	v30 =	vld [tilespmem:s29+$0xFFFFFCE0]  }
0x43d: {  	v14 =	vadd.s32 v15, v37;
	v54 =	vmov v15;
	v15 =	vld [tilespmem:s29+$0xFFFFFD20];
	[tilespmem:v62+s22+$0x0] =	vst.idx.msk $0xffff, v0;
	v18 =	vadd.f32 v18, v35  }
0x43e: {  	v60 =	vmov v19;
	v19 =	vadd.s32 v19, v37;
	v22 =	vld [tilespmem:s29+$0xFFFFFD60];
	[tilespmem:v2+s22+$0x0] =	vst.idx.msk $0xffff, v3;
	v0 =	vadd.f32 v10, v35  }
0x43f: {  	v2 =	vadd.f32 v47, v35;
	v3 =	vadd.s32 v23, v37;
	v23 =	vld [tilespmem:s29+$0xFFFFFDA0];
	[tilespmem:v48+s22+$0x0] =	vst.idx.msk $0xffff, v18;
	v10 =	vmov v57  }
0x440: {  	v57 =	vmov v27;
	[tilespmem:v6+s22+$0x0] =	vst.idx.msk $0xffff, v0;
	v0 =	vadd.f32 v26, v35;
	v26 =	vadd.s32 v27, v37;
	v27 =	vld [tilespmem:s29+$0xFFFFFDE0]  }
0x441: {  	v62 =	vmov v31;
	[tilespmem:v36+s22+$0x0] =	vst.idx.msk $0xffff, v2;
	v2 =	vadd.f32 v30, v35;
	v30 =	vadd.s32 v31, v37;
	v31 =	vld [tilespmem:s29+$0xFFFFFE30]  }
0x442: {  	v52 =	vadd.s32 v58, v37;
	v53 =	vld [tilespmem:s29+$0xFFFFFE70];
	[tilespmem:v14+s22+$0x0] =	vst.idx.msk $0xffff, v0;
	v0 =	vadd.f32 v15, v35  }
0x443: {  	v55 =	vadd.s32 v8, v38;
	v56 =	vld [tilespmem:s29+$0xFFFFFEB0];
	[tilespmem:v19+s22+$0x0] =	vst.idx.msk $0xffff, v2;
	v2 =	vadd.f32 v22, v35  }
0x444: {  	v58 =	vld [tilespmem:s29+$0xFFFFFEF0];
	[tilespmem:v3+s22+$0x0] =	vst.idx.msk $0xffff, v0;
	v0 =	vadd.f32 v23, v35;
	v3 =	vadd.s32 v12, v39  }
0x445: {  	v61 =	vadd.s32 v16, v40;
	v14 =	vld [tilespmem:s29+$0xFFFFFF30];
	[tilespmem:v26+s22+$0x0] =	vst.idx.msk $0xffff, v2;
	v2 =	vadd.f32 v27, v35  }
0x446: {  	v18 =	vld [tilespmem:s29+$0xFFFFFF70];
	v15 =	vadd.s32 v20, v41;
	[tilespmem:v30+s22+$0x0] =	vst.idx.msk $0xffff, v0;
	v0 =	vadd.f32 v31, v34  }
0x447: {  	v19 =	vadd.s32 v24, v43;
	v23 =	vld [tilespmem:s29+$0xFFFFFC30];
	[tilespmem:v52+s22+$0x0] =	vst.idx.msk $0xffff, v2;
	v2 =	vadd.f32 v53, v34  }
0x448: {  	v22 =	vld [tilespmem:s29+$0xFFFFFFB0];
	v26 =	vadd.s32 v28, v42;
	[tilespmem:v55+s22+$0x0] =	vst.idx.msk $0xffff, v0;
	v0 =	vadd.f32 v56, v34  }
0x449: {  	v27 =	vld [tilespmem:s29+$0xFFFFFC70];
	v30 =	vadd.s32 v8, v37;
	[tilespmem:v3+s22+$0x0] =	vst.idx.msk $0xffff, v2;
	v2 =	vadd.f32 v58, v34  }
0x44a: {  	v31 =	vld [tilespmem:s29+$0xFFFFFCB0];
	v3 =	vadd.s32 v32, v44;
	[tilespmem:v61+s22+$0x0] =	vst.idx.msk $0xffff, v0;
	v0 =	vadd.f32 v14, v34  }
0x44b: {  	v53 =	vmov v12;
	v12 =	vadd.s32 v12, v37;
	v14 =	vld [tilespmem:s29+$0xFFFFFCF0];
	[tilespmem:v15+s22+$0x0] =	vst.idx.msk $0xffff, v2;
	v2 =	vadd.f32 v18, v34  }
0x44c: {  	v58 =	vmov v16;
	v15 =	vadd.s32 v16, v37;
	v16 =	vld [tilespmem:s29+$0xFFFFFD30];
	v18 =	vadd.f32 v23, v34;
	[tilespmem:v19+s22+$0x0] =	vst.idx.msk $0xffff, v0  }
0x44d: {  	v61 =	vmov v20;
	v0 =	vadd.f32 v22, v34;
	v19 =	vadd.s32 v20, v37;
	v20 =	vld [tilespmem:s29+$0xFFFFFD70];
	[tilespmem:v26+s22+$0x0] =	vst.idx.msk $0xffff, v2  }
0x44e: {  	v23 =	vld [tilespmem:s29+$0xFFFFFDB0];
	v22 =	vadd.s32 v24, v37;
	v2 =	vadd.f32 v27, v34;
	[tilespmem:v30+s22+$0x0] =	vst.idx.msk $0xffff, v18  }
0x44f: {  	v55 =	vmov v24;
	v24 =	vld [tilespmem:s29+$0xFFFFFDF0];
	[tilespmem:v3+s22+$0x0] =	vst.idx.msk $0xffff, v0;
	v0 =	vadd.f32 v31, v34;
	v3 =	vadd.s32 v28, v37  }
0x450: {  	v26 =	vadd.s32 v32, v37;
	v27 =	vld [tilespmem:s29+$0xFFFFFE40];
	[tilespmem:v12+s22+$0x0] =	vst.idx.msk $0xffff, v2;
	v2 =	vadd.f32 v14, v34  }
0x451: {  	v50 =	vmov v28;
	v30 =	vld [tilespmem:s29+$0xFFFFFE80];
	v28 =	vadd.s32 v10, v37;
	[tilespmem:v15+s22+$0x0] =	vst.idx.msk $0xffff, v0;
	v0 =	vadd.f32 v16, v34  }
0x452: {  	v31 =	vadd.s32 v9, v38;
	v15 =	vld [tilespmem:s29+$0xFFFFFC40];
	[tilespmem:v19+s22+$0x0] =	vst.idx.msk $0xffff, v2;
	v2 =	vadd.f32 v20, v34  }
0x453: {  	v39 =	vadd.s32 v13, v39;
	v48 =	vld [tilespmem:s29+$0xFFFFFEC0];
	[tilespmem:v22+s22+$0x0] =	vst.idx.msk $0xffff, v0;
	v0 =	vadd.f32 v23, v34  }
0x454: {  	v49 =	vld [tilespmem:s29+$0xFFFFFF00];
	v20 =	vadd.s32 v9, v37;
	[tilespmem:v3+s22+$0x0] =	vst.idx.msk $0xffff, v2;
	v2 =	vadd.f32 v24, v34  }
0x455: {  	v51 =	vld [tilespmem:s29+$0xFFFFFF40];
	v3 =	vadd.s32 v17, v40;
	[tilespmem:v26+s22+$0x0] =	vst.idx.msk $0xffff, v0;
	v0 =	vadd.f32 v27, v33  }
0x456: {  	v52 =	vadd.s32 v21, v41;
	v10 =	vld [tilespmem:s29+$0xFFFFFF80];
	[tilespmem:v28+s22+$0x0] =	vst.idx.msk $0xffff, v2;
	v2 =	vadd.f32 v30, v33  }
0x457: {  	v12 =	vadd.s32 v25, v43;
	v14 =	vld [tilespmem:s29+$0xFFFFFFC0];
	v27 =	vadd.f32 v15, v33;
	[tilespmem:v31+s22+$0x0] =	vst.idx.msk $0xffff, v0  }
0x458: {  	v16 =	vadd.s32 v29, v42;
	v18 =	vld [tilespmem:s29+$0xFFFFFC80];
	v0 =	vadd.f32 v48, v33;
	[tilespmem:v39+s22+$0x0] =	vst.idx.msk $0xffff, v2  }
0x459: {  	v19 =	vadd.s32 v7, v44;
	v22 =	vld [tilespmem:s29+$0xFFFFFCC0];
	v2 =	vadd.f32 v49, v33;
	[tilespmem:v20+s22+$0x0] =	vst.idx.msk $0xffff, v27  }
0x45a: {  	v23 =	vld [tilespmem:s29+$0xFFFFFD00];
	[tilespmem:v3+s22+$0x0] =	vst.idx.msk $0xffff, v0;
	v0 =	vadd.f32 v51, v33;
	v3 =	vadd.s32 v13, v37  }
0x45b: {  	v24 =	vadd.s32 v17, v37;
	v26 =	vld [tilespmem:s29+$0xFFFFFD40];
	[tilespmem:v52+s22+$0x0] =	vst.idx.msk $0xffff, v2;
	v2 =	vadd.f32 v10, v33  }
0x45c: {  	v28 =	vadd.s32 v21, v37;
	v30 =	vld [tilespmem:s29+$0xFFFFFD80];
	[tilespmem:v12+s22+$0x0] =	vst.idx.msk $0xffff, v0;
	v0 =	vadd.f32 v14, v33  }
0x45d: {  	v31 =	vadd.s32 v25, v37;
	v48 =	vld [tilespmem:s29+$0xFFFFFDC0];
	[tilespmem:v16+s22+$0x0] =	vst.idx.msk $0xffff, v2;
	v2 =	vadd.f32 v18, v33  }
0x45e: {  	v49 =	vadd.s32 v29, v37;
	v51 =	vld [tilespmem:s29+$0xFFFFFE00];
	[tilespmem:v19+s22+$0x0] =	vst.idx.msk $0xffff, v0;
	v0 =	vadd.f32 v22, v33  }
0x45f: {  	[tilespmem:v3+s22+$0x0] =	vst.idx.msk $0xffff, v2;
	v2 =	vadd.f32 v23, v33;
	v3 =	vadd.s32 v7, v37  }
0x460: {  	v52 =	vadd.s32 v11, v37;
	[tilespmem:v24+s22+$0x0] =	vst.idx.msk $0xffff, v0;
	v0 =	vadd.f32 v26, v33  }
0x461: {  	[tilespmem:v28+s22+$0x0] =	vst.idx.msk $0xffff, v2;
	v2 =	vadd.f32 v30, v33  }
0x462: {  	s0 =	sshll.u32 s28, $0x13;
	[tilespmem:v31+s22+$0x0] =	vst.idx.msk $0xffff, v0;
	v0 =	vadd.f32 v48, v33  }
0x463: {  	s0 =	sor.u32 s7, s0;
	[tilespmem:v49+s22+$0x0] =	vst.idx.msk $0xffff, v2;
	v2 =	vadd.f32 v51, v33  }
0x464: {  	s0 =	sshrl.u32 s0, $0x3;
	[tilespmem:v3+s22+$0x0] =	vst.idx.msk $0xffff, v0  }
0x465: {  	s1 =	simm.s32 $0x15A00;
	s9 =	sadd.s32 s2, s0;
	[tilespmem:v52+s22+$0x0] =	vst.idx.msk $0xffff, v2  }
0x466: {  	[hbm4b:s9+s3] =	stream.linear.scatter [tilespmem:s1], [sflag:$0x4], $0x80, $0x38;
	[tilespmem:$0x19E00] =	vst v63  }
0x467: {  	s31 =	simm.s32 $0x15A88;
	s1 =	sadd.s32 $0x10, s9  }
0x468: {  	[hbm4b:s1+s3] =	stream.linear.scatter [tilespmem:s31], [sflag:$0x4], $0x80, $0x38;
	[tilespmem:$0x19E00] =	vst v63  }
0x469: {  	s1 =	simm.s32 $0x15B10;
	s31 =	sadd.s32 $0x20, s9  }
0x46a: {  	[hbm4b:s31+s3] =	stream.linear.scatter [tilespmem:s1], [sflag:$0x4], $0x80, $0x38;
	[tilespmem:$0x19E00] =	vst v63  }
0x46b: {  	s1 =	simm.s32 $0x15B98;
	s31 =	sadd.s32 $0x30, s9  }
0x46c: {  	[hbm4b:s31+s3] =	stream.linear.scatter [tilespmem:s1], [sflag:$0x4], $0x80, $0x38;
	[tilespmem:$0x19E00] =	vst v63  }
0x46d: {  	s1 =	simm.s32 $0x15C20;
	s31 =	sadd.s32 $0x40, s9  }
0x46e: {  	[hbm4b:s31+s3] =	stream.linear.scatter [tilespmem:s1], [sflag:$0x4], $0x80, $0x38;
	[tilespmem:$0x19E00] =	vst v63  }
0x46f: {  	s28 =	simm.s32 $0x440;
	s1 =	simm.s32 $0x15CA8;
	s31 =	sadd.s32 $0x50, s9  }
0x470: {  	[hbm4b:s31+s3] =	stream.linear.scatter [tilespmem:s1], [sflag:$0x4], $0x80, $0x38;
	[tilespmem:$0x19E00] =	vst v63  }
0x471: {  	s30 =	simm.s32 $0x2200;
	s1 =	simm.s32 $0x15D30;
	s31 =	sadd.s32 $0x60, s9  }
0x472: {  	v46 =	vmov v21;
	[hbm4b:s31+s3] =	stream.linear.scatter [tilespmem:s1], [sflag:$0x4], $0x80, $0x38;
	[tilespmem:$0x19E00] =	vst v63  }
0x473: {  	s0 =	sadd.s32 $0x70, s9;
	v45 =	vmovc v17;
	v47 =	vmovc v25;
	v41 =	vmov v29;
	v56 =	vmov v32;
	v44 =	vmov v13;
	s29 =	sadd.s32 $0x1000, s9;
	s1 =	simm.s32 $0x15DB8  }
.LBB2_13:
0x474: {  	[hbm4b:s0+s3] =	stream.linear.scatter [tilespmem:s1], [sflag:$0x4], $0x80, $0x38;
	[tilespmem:$0x19E00] =	vst v63  }
0x475: {  	s0 =	smov.u32 s28;
	s1 =	smov.u32 s30  }
0x476: {  	s9 =	sadd.s32 $0x1100, s30;
	s28 =	sshra.s32 s1, $0x2;
	s1 =	sadd.s32 $0x15A00, s0  }
0x477: {  	[hbm4b:s29+s3] =	stream.linear.scatter [tilespmem:s1], [sflag:$0x4], $0x80, $0x38;
	[tilespmem:$0x19E00] =	vst v63  }
0x478: {  	p0 =	sne.s32 s30, $0xFF00;
	s30 =	sadd.s32 $0x10, s29;
	s1 =	sadd.s32 $0x15A88, s0  }
0x479: {  	[hbm4b:s30+s3] =	stream.linear.scatter [tilespmem:s1], [sflag:$0x4], $0x80, $0x38;
	[tilespmem:$0x19E00] =	vst v63  }
0x47a: {  	s1 =	sadd.s32 $0x15B10, s0;
	s30 =	sadd.s32 $0x20, s29  }
0x47b: {  	[hbm4b:s30+s3] =	stream.linear.scatter [tilespmem:s1], [sflag:$0x4], $0x80, $0x38;
	[tilespmem:$0x19E00] =	vst v63  }
0x47c: {  	s1 =	sadd.s32 $0x15B98, s0;
	s30 =	sadd.s32 $0x30, s29  }
0x47d: {  	[hbm4b:s30+s3] =	stream.linear.scatter [tilespmem:s1], [sflag:$0x4], $0x80, $0x38;
	[tilespmem:$0x19E00] =	vst v63  }
0x47e: {  	s1 =	sadd.s32 $0x15C20, s0;
	s30 =	sadd.s32 $0x40, s29  }
0x47f: {  	[hbm4b:s30+s3] =	stream.linear.scatter [tilespmem:s1], [sflag:$0x4], $0x80, $0x38;
	[tilespmem:$0x19E00] =	vst v63  }
0x480: {  	s1 =	sadd.s32 $0x15CA8, s0;
	s30 =	sadd.s32 $0x50, s29  }
0x481: {  	[hbm4b:s30+s3] =	stream.linear.scatter [tilespmem:s1], [sflag:$0x4], $0x80, $0x38;
	[tilespmem:$0x19E00] =	vst v63  }
.Ltmp5:
0x482: {  	_ = 	snop;
	(pc) =	sbr.rel @p0 .LBB2_13-.Ltmp5, $4  }
0x483: {  	s1 =	sadd.s32 $0x15D30, s0;
	s30 =	sadd.s32 $0x60, s29  }
0x484: {  	[hbm4b:s30+s3] =	stream.linear.scatter [tilespmem:s1], [sflag:$0x4], $0x80, $0x38;
	[tilespmem:$0x19E00] =	vst v63  }
0x485: {  	s1 =	sadd.s32 $0x15DB8, s0  }
0x486: {  	s0 =	sadd.s32 $0x70, s29;
	s29 =	sadd.s32 $0x1000, s29;
	s30 =	smov.u32 s9  }
0x487: {  	[hbm4b:s0+s3] =	stream.linear.scatter [tilespmem:s1], [sflag:$0x4], $0x80, $0x38;
	[tilespmem:$0x19E00] =	vst v63  }
0x488: {  	s9 =	sadd.s32 $0x15A00, s28  }
0x489: {  	[hbm4b:s29+s3] =	stream.linear.scatter [tilespmem:s9], [sflag:$0x4], $0x80, $0x38;
	[tilespmem:$0x19E00] =	vst v63  }
0x48a: {  	s30 =	sadd.s32 $0x15A88, s28;
	s31 =	sadd.s32 $0x10, s29  }
0x48b: {  	[hbm4b:s31+s3] =	stream.linear.scatter [tilespmem:s30], [sflag:$0x4], $0x80, $0x38;
	[tilespmem:$0x19E00] =	vst v63  }
0x48c: {  	s1 =	sadd.s32 $0x15B10, s28;
	s9 =	sadd.s32 $0x20, s29  }
0x48d: {  	[hbm4b:s9+s3] =	stream.linear.scatter [tilespmem:s1], [sflag:$0x4], $0x80, $0x38;
	[tilespmem:$0x19E00] =	vst v63  }
0x48e: {  	s30 =	sadd.s32 $0x15B98, s28;
	s31 =	sadd.s32 $0x30, s29  }
0x48f: {  	[hbm4b:s31+s3] =	stream.linear.scatter [tilespmem:s30], [sflag:$0x4], $0x80, $0x38;
	[tilespmem:$0x19E00] =	vst v63  }
0x490: {  	s26 =	sadd.s32 $0x1, s26;
	s1 =	sadd.s32 $0x15C20, s28;
	s9 =	sadd.s32 $0x40, s29  }
0x491: {  	[hbm4b:s9+s3] =	stream.linear.scatter [tilespmem:s1], [sflag:$0x4], $0x80, $0x38;
	[tilespmem:$0x19E00] =	vst v63  }
0x492: {  	p0 =	sne.s32 s26, $0x32;
	s30 =	sadd.s32 $0x15CA8, s28;
	s31 =	sadd.s32 $0x50, s29  }
0x493: {  	[hbm4b:s31+s3] =	stream.linear.scatter [tilespmem:s30], [sflag:$0x4], $0x80, $0x38;
	[tilespmem:$0x19E00] =	vst v63  }
.Ltmp6:
0x494: {  	_ = 	snop;
	(pc) =	sbr.rel @p0 .LBB2_2-.Ltmp6, $4  }
0x495: {  	v12 =	vmov v53;
	v13 =	vmov v44;
	s1 =	sadd.s32 $0x15D30, s28;
	s9 =	sadd.s32 $0x60, s29  }
0x496: {  	v15 =	vmovc v54;
	v16 =	vmovc v58;
	v17 =	vmov v45;
	v19 =	vmov v60;
	v20 =	vmov v61;
	[hbm4b:s9+s3] =	stream.linear.scatter [tilespmem:s1], [sflag:$0x4], $0x80, $0x38;
	[tilespmem:$0x19E00] =	vst v63  }
0x497: {  	v21 =	vmovc v46;
	v23 =	vmovc v63;
	v24 =	vmov v55;
	v25 =	vmov v47;
	v27 =	vmov v57;
	s30 =	sadd.s32 $0x15DB8, s28;
	s31 =	sadd.s32 $0x70, s29  }
0x498: {  	v11 =	vld [tilespmem:$0x1FFB0];
	v28 =	vmovc v50;
	v29 =	vmovc v41;
	v14 =	vmov v59;
	v31 =	vmov v62;
	v32 =	vmov v56;
	[hbm4b:s31+s3] =	stream.linear.scatter [tilespmem:s30], [sflag:$0x4], $0x80, $0x38  }
0x499: {  	s25 =	sadd.s32 $0x1, s25  }
0x49a: {  	_ =	swait.ge [sflag:s23], $0x4000;
	p0 =	sne.s32 s25, s8  }
.Ltmp7:
0x49b: {  	[sflag:s23] =	ssyncset.done $0x0;
	(pc) =	sbr.rel @p0 .LBB2_1-.Ltmp7, $4  }
0x49c: {  	[sflag:s23] =	ssyncadd.s32 $0xFFFFC000  }
0x49d: {  	_ =	swait.ge [sflag:s24], $0x4000  }
0x49e: {  	[sflag:s24] =	ssyncset.done $0x0  }
0x49f: {  	[sflag:s24] =	ssyncadd.s32 $0xFFFFC000  }
0x4a0: {  	_ =	sfence.sel $0x180000  }
0x4a1: {  	[bflag:$0x0] =	sbarrier.arrive $0xFFFF  }
0x4a2: {  	_ =	strace $0x90000047  }
0x4a3: {  	s0 =	stileid.u32;
	[bflag:$0x2] =	sbarrier.arrive $0xFFFF  }
0x4a4: {  	p0 =	sne.s32 s0, $0x0;
	s0 =	rddreg [dreg:$0x2]  }
0x4a5: {  	s0 =	sadd.s32 @!p0 $0x100000, s0  }
0x4a6: {  	[sflag:s0] =	ssyncadd.tile.s32 @!p0 $0x1;
	_ =	shalt  }
.Lfunc_end2:
_tile_overlayer_lowered:
.L_overlay_start_2:
0x4a7: {  	(tag) =	ssettag $0x2  }
0x4a8: {  	s0 =	rddreg [dreg:$0x0];
	s2 =	stileid.u32  }
0x4a9: {  	s1 =	rddreg [dreg:$0x1];
	p0 =	sne.s32 s2, $0x0  }
0x4aa: {  	s3 =	rddreg [dreg:$0x2];
	[bflag:$0x3] =	sbarrier.arrive $0xFFFF;
	s2 =	simm.s32 @!p0 $0x1C05  }
0x4ab: {  	[timem:s3], [sflag:s2] =	dma.local @!p0 [hbm:s0], s1  }
0x4ac: {  	s0 =	simm.s32 @!p0 $0x5  }
0x4ad: {  	_ =	swait.ge @!p0 [sflag:s0], s1  }
0x4ae: {  	s1 =	ssub.s32 @!p0 $0x0, s1;
	[sflag:s0] =	ssyncset.done @!p0 $0x0  }
0x4af: {  	[sflag:s0] =	ssyncadd.s32 @!p0 s1  }
0x4b0: {  	[bflag:$0x3] =	sbarrier.arrive $0xFFFF  }
0x4b1: {  	_ =	shalt  }

</sc_bundles>
